<compile_context>
chip_gen: v7x
topology: tpu7x:2x2x1
jax: 0.10.2.dev20260603
libtpu: 0.0.44.dev20260713+nightly
codegen_flags: <defaults>
</compile_context>

<pallas_src>
import functools

import jax
import jax.numpy as jnp
from jax import lax
from jax.experimental import pallas as pl
from jax.experimental.pallas import tpu as pltpu
from jax.experimental.pallas import tpu_sc as plsc

_N = 10000
_E = 320000
_F = 128
_H = 256
_G = 64
_A = 16
_OUT = 8

_NPAD = 10240
_EPAD = 327680
_CHUNK = 128
_CFLAT = 65 * _NPAD

@functools.cache
def _make_sc_degree_and_c():
  deco = functools.partial(
      pl.kernel,
      mesh=plsc.VectorSubcoreMesh(core_axis_name="c", subcore_axis_name="s"),
      compiler_params=pltpu.CompilerParams(needs_layout_passes=False),
      out_type=(
          jax.ShapeDtypeStruct((_NPAD,), jnp.float32),
          jax.ShapeDtypeStruct((2, _G * _NPAD), jnp.float32),
      ),
      scratch_types=[
          pltpu.VMEM((4160,), jnp.float32),
          pltpu.VMEM((_CHUNK,), jnp.int32),
          pltpu.VMEM((80, _CHUNK), jnp.int32),
          pltpu.VMEM((80, _CHUNK), jnp.int32),
          pltpu.VMEM((_CHUNK,), jnp.float32),
          pltpu.VMEM((640,), jnp.float32),
          pltpu.VMEM((640,), jnp.float32),
          pltpu.VMEM((_NPAD,), jnp.int32),
          pltpu.VMEM((_NPAD,), jnp.float32),
          pltpu.VMEM((_CHUNK,), jnp.int32),
          pltpu.VMEM((_CHUNK,), jnp.float32),
          pltpu.VMEM((_NPAD,), jnp.float32),
          pltpu.VMEM_SHARED((_NPAD,), jnp.float32),
          pltpu.VMEM_SHARED((16, _NPAD), jnp.float32),
          pltpu.VMEM_SHARED((_CFLAT,), jnp.float32),
          pltpu.SemaphoreType.DMA,
          pltpu.SemaphoreType.DMA,
      ],
  )
  return deco(_sc_degree_and_c_body)


def _sc_degree_and_c_body(src_hbm, dst_hbm, batch_hbm, inv_out, c_out,
                          zbuf, idxb, dc, sc_, updb, dslice,
                          islice, batch_v, inv_v, idxb1, updb1, deg_l,
                          inv_s, deg_ps, c_s, semc0, semc1):
    c = lax.axis_index("c")
    s = lax.axis_index("s")

    def _fill(i, _):
        zbuf[pl.ds(pl.multiple_of(i * 16, 16), 16)] = jnp.zeros((16,), jnp.float32)
        return 0
    lax.fori_loop(0, 260, _fill, 0)

    def _fill_deg(i, _):
        deg_l[pl.ds(pl.multiple_of(i * 16, 16), 16)] = jnp.zeros((16,), jnp.float32)
        return 0
    lax.fori_loop(0, _NPAD // 16, _fill_deg, 0)

    cz_base = pl.multiple_of(s * 41600, 8)

    def _zero_c(j, _):
        pltpu.sync_copy(zbuf, c_s.at[pl.ds(pl.multiple_of(cz_base + j * 4160, 8), 4160)])
        return 0
    lax.fori_loop(0, 10, _zero_c, 0)

    deg_row0 = pl.multiple_of(s * 160, 8)
    pltpu.sync_copy(dst_hbm.at[pl.ds(deg_row0, 80)], dc)
    pltpu.sync_copy(dst_hbm.at[pl.ds(deg_row0 + 80, 80)], sc_)

    def _histo(j, _):
        for k in range(_CHUNK // 16):
            d16a = dc[j, pl.ds(k * 16, 16)]
            cnta, lasta = plsc.scan_count(d16a)
            plsc.addupdate_scatter(deg_l, [d16a], cnta.astype(jnp.float32),
                                   mask=lasta)
            d16b = sc_[j, pl.ds(k * 16, 16)]
            cntb, lastb = plsc.scan_count(d16b)
            plsc.addupdate_scatter(deg_l, [d16b], cntb.astype(jnp.float32),
                                   mask=lastb)
        return 0
    lax.fori_loop(0, 80, _histo, 0)
    pltpu.sync_copy(deg_l, deg_ps.at[s])
    plsc.subcore_barrier()

    off = pl.multiple_of(s * 640, 640)
    pltpu.sync_copy(deg_ps.at[0, pl.ds(off, 640)], islice)
    for p in range(1, 16):
        pltpu.sync_copy(deg_ps.at[p, pl.ds(off, 640)], dslice)

        def _acc(k, _):
            kk = pl.multiple_of(k * 16, 16)
            islice[pl.ds(kk, 16)] += dslice[pl.ds(kk, 16)]
            return 0
        lax.fori_loop(0, 40, _acc, 0)

    def _inv(k, _):
        kk = pl.multiple_of(k * 16, 16)
        islice[pl.ds(kk, 16)] = 1.0 / jnp.maximum(islice[pl.ds(kk, 16)], 1.0)
        return 0
    lax.fori_loop(0, 40, _inv, 0)
    pltpu.sync_copy(islice, inv_s.at[pl.ds(off, 640)])

    @pl.when(c == 0)
    def _():
        pltpu.sync_copy(islice, inv_out.at[pl.ds(off, 640)])
    plsc.subcore_barrier()

    pltpu.sync_copy(batch_hbm, batch_v)
    pltpu.sync_copy(inv_s, inv_v)

    c_row0 = pl.multiple_of(c * 1280 + s * 80, 8)
    pltpu.sync_copy(src_hbm.at[pl.ds(c_row0, 80)], sc_)
    pltpu.sync_copy(dst_hbm.at[pl.ds(c_row0, 80)], dc)

    def _cbuild(j, idxr, updr):
        for k in range(_CHUNK // 16):
            d16 = dc[j, pl.ds(k * 16, 16)]
            s16 = sc_[j, pl.ds(k * 16, 16)]
            t16 = plsc.load_gather(batch_v, [d16])
            w16 = plsc.load_gather(inv_v, [d16])
            idxr[pl.ds(k * 16, 16)] = t16 * _NPAD + s16
            updr[pl.ds(k * 16, 16)] = w16

    _cbuild(0, idxb, updb)
    pltpu.async_copy(updb, c_s.at[idxb], semc0, add=True)

    def _cgrp(jj, _):
        c0 = jj * 2
        _cbuild(c0 + 1, idxb1, updb1)
        pltpu.async_copy(updb1, c_s.at[idxb1], semc1, add=True)
        pltpu.make_async_copy(updb, c_s.at[idxb], semc0).wait()

        @pl.when(jj < 39)
        def _():
            _cbuild(c0 + 2, idxb, updb)
            pltpu.async_copy(updb, c_s.at[idxb], semc0, add=True)
        pltpu.make_async_copy(updb1, c_s.at[idxb1], semc1).wait()
        return 0
    lax.fori_loop(0, 40, _cgrp, 0)
    plsc.subcore_barrier()

    out_off = pl.multiple_of(s * 40960, 8)
    pltpu.sync_copy(c_s.at[pl.ds(out_off, 40960)], c_out.at[c, pl.ds(out_off, 40960)])


@functools.cache
def _make_sc_aggregate():
  deco = functools.partial(
      pl.kernel,
      mesh=plsc.VectorSubcoreMesh(core_axis_name="c", subcore_axis_name="s"),
      compiler_params=pltpu.CompilerParams(needs_layout_passes=False),
      out_type=jax.ShapeDtypeStruct((2, _NPAD, _F), jnp.float32),
      scratch_types=[
          pltpu.VMEM((_CHUNK,), jnp.int32),
          pltpu.VMEM((_CHUNK,), jnp.int32),
          pltpu.VMEM((_CHUNK,), jnp.int32),
          pltpu.VMEM((_CHUNK,), jnp.int32),
          pltpu.VMEM((_CHUNK, _F), jnp.float32),
          pltpu.VMEM((_CHUNK, _F), jnp.float32),
          pltpu.VMEM_SHARED((_NPAD, _F), jnp.float32),
          pltpu.SemaphoreType.DMA,
          pltpu.SemaphoreType.DMA,
      ],
  )
  return deco(_sc_aggregate_body)


def _sc_aggregate_body(src_hbm, dst_hbm, x_hbm, agg_out,
                       sidx0, didx0, sidx1, didx1, rows0, rows1,
                       agg_s, sem0, sem1):
    c = lax.axis_index("c")
    s = lax.axis_index("s")

    def _zero(k, _):
        i = k // 8
        j = k % 8
        rows0[i, pl.ds(pl.multiple_of(j * 16, 16), 16)] = jnp.zeros((16,), jnp.float32)
        return 0
    lax.fori_loop(0, _CHUNK * 8, _zero, 0)

    row_base = pl.multiple_of(s * 640, 128)

    def _zero_agg(j, _):
        pltpu.sync_copy(rows0, agg_s.at[pl.ds(pl.multiple_of(row_base + j * _CHUNK, _CHUNK), _CHUNK)])
        return 0
    lax.fori_loop(0, 5, _zero_agg, 0)
    plsc.subcore_barrier()

    row0 = c * 1280 + s * 80

    pltpu.sync_copy(src_hbm.at[row0], sidx0)
    pltpu.sync_copy(dst_hbm.at[row0], didx0)
    pltpu.async_copy(x_hbm.at[sidx0], rows0, sem0)

    def _pair(jj, _):
        r0 = row0 + jj * 2
        pltpu.sync_copy(src_hbm.at[r0 + 1], sidx1)
        pltpu.sync_copy(dst_hbm.at[r0 + 1], didx1)
        pltpu.async_copy(x_hbm.at[sidx1], rows1, sem1)
        pltpu.make_async_copy(x_hbm.at[sidx0], rows0, sem0).wait()
        pltpu.sync_copy(rows0, agg_s.at[didx0], add=True)

        @pl.when(jj < 39)
        def _():
            pltpu.sync_copy(src_hbm.at[r0 + 2], sidx0)
            pltpu.sync_copy(dst_hbm.at[r0 + 2], didx0)
            pltpu.async_copy(x_hbm.at[sidx0], rows0, sem0)
        pltpu.make_async_copy(x_hbm.at[sidx1], rows1, sem1).wait()
        pltpu.sync_copy(rows1, agg_s.at[didx1], add=True)
        return 0
    lax.fori_loop(0, 40, _pair, 0)
    plsc.subcore_barrier()

    pltpu.sync_copy(agg_s.at[pl.ds(pl.multiple_of(s * 640, 640), 640)],
                    agg_out.at[c, pl.ds(pl.multiple_of(s * 640, 640), 640)])


def _tc_body(x_ref, agg_ref, invd_ref, batch_ref, c2_ref, ga_ref,
             wl1, wr1, wl2, wr2, w1g, w1a, w2p, bl1, bl2, b1r, b2r,
             out_ref, acc_c, acc_q, cnt):
    i = pl.program_id(0)

    @pl.when(i == 0)
    def _():
        acc_c[...] = jnp.zeros_like(acc_c)
        acc_q[...] = jnp.zeros_like(acc_q)
        cnt[...] = jnp.zeros_like(cnt)

    f32 = jnp.float32
    dot = functools.partial(lax.dot_general, preferred_element_type=f32)

    aggsum = agg_ref[0] + agg_ref[1]
    invd = invd_ref[0, 0, :]
    h1 = jnp.maximum(
        dot(aggsum * invd[:, None], wl1[...], (((1,), (1,)), ((), ())))
        + bl1[...]
        + dot(x_ref[...], wr1[...], (((1,), (1,)), ((), ()))),
        0.0)

    cblk = c2_ref[0] + c2_ref[1]
    acc_c[...] += dot(cblk, h1, (((1,), (0,)), ((), ())))

    b = batch_ref[0, 0, :]
    q = (lax.broadcasted_iota(jnp.int32, (_G, 512), 0) == b[None, :]).astype(f32)
    acc_q[...] += dot(q, h1, (((1,), (0,)), ((), ())))
    cnt[...] += jnp.broadcast_to(jnp.sum(q, axis=1)[:, None], (_G, 128))

    @pl.when(i == pl.num_programs(0) - 1)
    def _():
        cvec = cnt[...][:, :1]
        inv_cnt = 1.0 / jnp.maximum(cvec, 1.0)
        nonz = (cvec > 0.0).astype(f32)
        g2 = (dot(acc_c[...] * inv_cnt, wl2[...], (((1,), (1,)), ((), ())))
              + bl2[...] * nonz
              + dot(acc_q[...] * inv_cnt, wr2[...], (((1,), (1,)), ((), ()))))
        zz = jnp.maximum(
            dot(g2, w1g[...], (((1,), (1,)), ((), ())))
            + dot(ga_ref[...], w1a[...], (((1,), (1,)), ((), ())))
            + b1r[...], 0.0)
        out_ref[...] = dot(zz, w2p[...], (((1,), (1,)), ((), ()))) + b2r[...]


def _tc_dense(x_p, aggp, invd3, batch3, c2, ga_p,
              wl1, wr1, wl2, wr2, w1g, w1a, w2p, bl1, bl2, b1r, b2r):
    nblk = _NPAD // 512
    full = lambda shape: pl.BlockSpec(shape, lambda i: tuple(0 for _ in shape))
    return pl.pallas_call(
        _tc_body,
        grid=(nblk,),
        in_specs=[
            pl.BlockSpec((512, _F), lambda i: (i, 0)),
            pl.BlockSpec((2, 512, _F), lambda i: (0, i, 0)),
            pl.BlockSpec((1, 1, 512), lambda i: (i, 0, 0)),
            pl.BlockSpec((1, 1, 512), lambda i: (i, 0, 0)),
            pl.BlockSpec((2, _G, 512), lambda i: (0, 0, i)),
            full((_G, 128)),
            full((_H, _F)), full((_H, _F)), full((_H, _H)), full((_H, _H)),
            full((_H, _H)), full((_H, 128)), full((128, _H)),
            full((1, _H)), full((1, _H)), full((1, _H)), full((1, 128)),
        ],
        out_specs=pl.BlockSpec((_G, 128), lambda i: (0, 0)),
        out_shape=jax.ShapeDtypeStruct((_G, 128), jnp.float32),
        scratch_shapes=[
            pltpu.VMEM((_G, _H), jnp.float32),
            pltpu.VMEM((_G, _H), jnp.float32),
            pltpu.VMEM((_G, 128), jnp.float32),
        ],
    )(x_p, aggp, invd3, batch3, c2, ga_p,
      wl1, wr1, wl2, wr2, w1g, w1a, w2p, bl1, bl2, b1r, b2r)


def kernel(x, edge_index, batch, graph_attr,
           W_l1, b_l1, W_r1, W_l2, b_l2, W_r2, W1, b1, W2, b2):
    f32 = jnp.float32
    src = edge_index[0]
    dst = edge_index[1]
    epad = _EPAD - _E
    pad_iota = jnp.arange(epad, dtype=jnp.int32)
    src_p = jnp.concatenate([src, pad_iota % _N]).reshape(_EPAD // _CHUNK, _CHUNK)
    dst_p = jnp.concatenate([dst, _N + pad_iota % (_NPAD - _N)]).reshape(
        _EPAD // _CHUNK, _CHUNK)
    batch_p = jnp.concatenate([batch, jnp.full((_NPAD - _N,), _G, jnp.int32)])
    x_p = jnp.concatenate([x, jnp.zeros((_NPAD - _N, _F), f32)], axis=0)
    ga_p = jnp.concatenate([graph_attr, jnp.zeros((_G, 128 - _A), f32)], axis=1)

    aggp = _make_sc_aggregate()(src_p, dst_p, x)
    inv_deg, c2_flat = _make_sc_degree_and_c()(src_p, dst_p, batch_p)

    c2 = c2_flat.reshape(2, _G, _NPAD)
    invd3 = inv_deg.reshape(_NPAD // 512, 1, 512)
    batch3 = batch_p.reshape(_NPAD // 512, 1, 512)

    w1g = W1[:, :_H]
    w1a = jnp.concatenate([W1[:, _H:], jnp.zeros((_H, 128 - _A), f32)], axis=1)
    w2p = jnp.concatenate([W2, jnp.zeros((128 - _OUT, _H), f32)], axis=0)
    bl1 = b_l1.reshape(1, _H)
    bl2 = b_l2.reshape(1, _H)
    b1r = b1.reshape(1, _H)
    b2r = jnp.concatenate([b2, jnp.zeros((128 - _OUT,), f32)]).reshape(1, 128)

    out = _tc_dense(x_p, aggp, invd3, batch3, c2, ga_p,
                    W_l1, W_r1, W_l2, W_r2, w1g, w1a, w2p, bl1, bl2, b1r, b2r)
    return out[:, :_OUT]

# --- scband reference (transcript-rebuilt; emitter-appended) ---
"""Pipeline reference for scband-graph-sagemodel-52682068853204 (READ-ONLY COPY).

The authoritative reference and input builder live on the scoring server;
editing this copy changes nothing except your own understanding.
"""

import jax, jax.numpy as jnp
import numpy as np

N = 10000      # nodes
E = 320000     # edges
F_IN = 128     # num_node_features
H = 256        # hidden_dim
G = 64         # num graphs in batch
A = 16         # num_graph_attributes
OUT = 8        # output_dim


def setup_inputs(seed: int = 0) -> dict:
    key = jax.random.key(seed)
    ks = jax.random.split(key, 16)
    x = jax.random.normal(ks[0], (N, F_IN), dtype=jnp.float32)
    edge_index = jax.random.randint(ks[1], (2, E), 0, N, dtype=jnp.int32)
    batch = jnp.sort(jax.random.randint(ks[2], (N,), 0, G, dtype=jnp.int32))
    graph_attr = jax.random.normal(ks[3], (G, A), dtype=jnp.float32)
    # SAGEConv1 params: lin_l (aggregated neighbors, with bias), lin_r (root, no bias)
    W_l1 = jax.random.normal(ks[4], (H, F_IN), dtype=jnp.float32) * (1.0 / np.sqrt(F_IN))
    b_l1 = jnp.zeros((H,), dtype=jnp.float32)
    W_r1 = jax.random.normal(ks[5], (H, F_IN), dtype=jnp.float32) * (1.0 / np.sqrt(F_IN))
    # SAGEConv2 params
    W_l2 = jax.random.normal(ks[6], (H, H), dtype=jnp.float32) * (1.0 / np.sqrt(H))
    b_l2 = jnp.zeros((H,), dtype=jnp.float32)
    W_r2 = jax.random.normal(ks[7], (H, H), dtype=jnp.float32) * (1.0 / np.sqrt(H))
    # fc1, fc2
    W1 = jax.random.normal(ks[8], (H, H + A), dtype=jnp.float32) * (1.0 / np.sqrt(H + A))
    b1 = jnp.zeros((H,), dtype=jnp.float32)
    W2 = jax.random.normal(ks[9], (OUT, H), dtype=jnp.float32) * (1.0 / np.sqrt(H))
    b2 = jnp.zeros((OUT,), dtype=jnp.float32)
    return {"x": x, "edge_index": edge_index, "batch": batch, "graph_attr": graph_attr,
            "W_l1": W_l1, "b_l1": b_l1, "W_r1": W_r1,
            "W_l2": W_l2, "b_l2": b_l2, "W_r2": W_r2,
            "W1": W1, "b1": b1, "W2": W2, "b2": b2}


def _sage_conv(x, edge_index, W_l, b_l, W_r, num_nodes):
    # PyG SAGEConv (aggr='mean'): out = lin_l(mean_j x_j) + lin_r(x_i)
    src = edge_index[0]
    dst = edge_index[1]
    msg = jnp.take(x, src, axis=0)                                   # gather  [E, F]
    agg_sum = jax.ops.segment_sum(msg, dst, num_segments=num_nodes)  # scatter-add
    deg = jax.ops.segment_sum(jnp.ones((msg.shape[0],), dtype=x.dtype), dst,
                              num_segments=num_nodes)
    agg_mean = agg_sum / jnp.clip(deg, 1.0, None)[:, None]
    return agg_mean @ W_l.T + b_l + x @ W_r.T


def _global_mean_pool(x, batch, num_graphs):
    sums = jax.ops.segment_sum(x, batch, num_segments=num_graphs)
    counts = jax.ops.segment_sum(jnp.ones((x.shape[0],), dtype=x.dtype), batch,
                                 num_segments=num_graphs)
    return sums / jnp.clip(counts, 1.0, None)[:, None]


def reference(x, edge_index, batch, graph_attr,
              W_l1, b_l1, W_r1, W_l2, b_l2, W_r2, W1, b1, W2, b2):
    h = _sage_conv(x, edge_index, W_l1, b_l1, W_r1, N)
    h = jax.nn.relu(h)
    h = _sage_conv(h, edge_index, W_l2, b_l2, W_r2, N)
    g = _global_mean_pool(h, batch, G)
    ga = graph_attr.reshape(-1, A)
    z = jnp.concatenate([g, ga], axis=1)
    z = jax.nn.relu(z @ W1.T + b1)
    z = z @ W2.T + b2
    return z

if __name__ == "__main__":
    import jax
    _d = setup_inputs()
    print(jax.jit(kernel)(*tuple(_d.values())))

</pallas_src>

<mosaic_0001>
#map = affine_map<(d0, d1) -> (0, 0)>
#map1 = affine_map<(d0, d1) -> (0)>
module attributes {stable_mosaic.version = 14 : i64} {
  func.func @_sc_degree_and_c_body(%arg0: i32, %arg1: i32, %arg2: memref<2560x128xi32, #tpu.memory_space<hbm>>, %arg3: memref<2560x128xi32, #tpu.memory_space<hbm>>, %arg4: memref<10240xi32, #tpu.memory_space<hbm>>, %arg5: memref<10240xf32, #tpu.memory_space<hbm>>, %arg6: memref<2x655360xf32, #tpu.memory_space<hbm>>, %arg7: memref<4160xf32, #tpu.memory_space<vmem>>, %arg8: memref<128xi32, #tpu.memory_space<vmem>>, %arg9: memref<80x128xi32, #tpu.memory_space<vmem>>, %arg10: memref<80x128xi32, #tpu.memory_space<vmem>>, %arg11: memref<128xf32, #tpu.memory_space<vmem>>, %arg12: memref<640xf32, #tpu.memory_space<vmem>>, %arg13: memref<640xf32, #tpu.memory_space<vmem>>, %arg14: memref<10240xi32, #tpu.memory_space<vmem>>, %arg15: memref<10240xf32, #tpu.memory_space<vmem>>, %arg16: memref<128xi32, #tpu.memory_space<vmem>>, %arg17: memref<128xf32, #tpu.memory_space<vmem>>, %arg18: memref<10240xf32, #tpu.memory_space<vmem>>, %arg19: memref<10240xf32, #tpu.memory_space<vmem_shared>>, %arg20: memref<16x10240xf32, #tpu.memory_space<vmem_shared>>, %arg21: memref<665600xf32, #tpu.memory_space<vmem_shared>>, %arg22: memref<!tpu.dma_semaphore, #tpu.memory_space<semaphore_mem>>, %arg23: memref<!tpu.dma_semaphore, #tpu.memory_space<semaphore_mem>>) attributes {dimension_semantics = [#tpu.dimension_semantics<core_parallel>, #tpu.dimension_semantics<subcore_parallel>], iteration_bounds = array<i64: 2, 16>, scalar_prefetch = 0 : i64, scratch_operands = 17 : i64, tpu.core_type = #tpu.core_type<sc_vector_subcore>, window_params = [{transform_indices = #map}, {transform_indices = #map}, {transform_indices = #map1}, {transform_indices = #map1}, {transform_indices = #map}]} {
    %scan3A = arith.constant 0 : i32
    %scan3A_0 = arith.constant 0 : i32
    %scan3A_1 = arith.constant 260 : i32
    %scan3A_2 = arith.addi %scan3A_0, %scan3A_1 : i32
    %scan3A_3 = arith.constant 1 : i32
    %scan3A_4 = scf.for %scan3A_324 = %scan3A_0 to %scan3A_2 step %scan3A_3 iter_args(%scan3A_325 = %scan3A) -> (i32)  : i32 {
      %broadcast_in_dim3A = arith.constant 0.000000e+00 : f32
      %broadcast_in_dim3A_326 = vector.broadcast %broadcast_in_dim3A : f32 to vector<16xf32>
      %mul3A_327 = arith.constant 16 : i32
      %mul3A_328 = arith.muli %scan3A_324, %mul3A_327 : i32
      %multiple_of3A_329 = tpu.assume_multiple %mul3A_328, 16 : i32
      %swap3A_330 = arith.index_cast %multiple_of3A_329 : i32 to index
      %swap3A_331 = tpu.vector_load %arg7[%swap3A_330] {strides = array<i32>} : memref<4160xf32, #tpu.memory_space<vmem>>, vector<16xf32>,
      tpu.vector_store %arg7[%swap3A_330], %broadcast_in_dim3A_326 {strides = array<i32>} : memref<4160xf32, #tpu.memory_space<vmem>>, vector<16xf32>,
      %scan3A_332 = arith.constant 0 : i32
      scf.yield %scan3A_332 : i32
    }
    %scan3A_5 = arith.constant 260 : i32
    %scan3A_6 = arith.constant 0 : i32
    %scan3A_7 = arith.constant 0 : i32
    %scan3A_8 = arith.constant 640 : i32
    %scan3A_9 = arith.addi %scan3A_7, %scan3A_8 : i32
    %scan3A_10 = arith.constant 1 : i32
    %scan3A_11 = scf.for %scan3A_324 = %scan3A_7 to %scan3A_9 step %scan3A_10 iter_args(%scan3A_325 = %scan3A_6) -> (i32)  : i32 {
      %broadcast_in_dim3A = arith.constant 0.000000e+00 : f32
      %broadcast_in_dim3A_326 = vector.broadcast %broadcast_in_dim3A : f32 to vector<16xf32>
      %mul3A_327 = arith.constant 16 : i32
      %mul3A_328 = arith.muli %scan3A_324, %mul3A_327 : i32
      %multiple_of3A_329 = tpu.assume_multiple %mul3A_328, 16 : i32
      %swap3A_330 = arith.index_cast %multiple_of3A_329 : i32 to index
      %swap3A_331 = tpu.vector_load %arg18[%swap3A_330] {strides = array<i32>} : memref<10240xf32, #tpu.memory_space<vmem>>, vector<16xf32>,
      tpu.vector_store %arg18[%swap3A_330], %broadcast_in_dim3A_326 {strides = array<i32>} : memref<10240xf32, #tpu.memory_space<vmem>>, vector<16xf32>,
      %scan3A_332 = arith.constant 0 : i32
      scf.yield %scan3A_332 : i32
    }
    %scan3A_12 = arith.constant 640 : i32
    %mul3A = arith.constant 41600 : i32
    %mul3A_13 = arith.muli %arg1, %mul3A : i32
    %multiple_of3A = tpu.assume_multiple %mul3A_13, 8 : i32
    %scan3A_14 = arith.constant 0 : i32
    %scan3A_15 = arith.constant 0 : i32
    %scan3A_16 = arith.constant 10 : i32
    %scan3A_17 = arith.addi %scan3A_15, %scan3A_16 : i32
    %scan3A_18 = arith.constant 1 : i32
    %scan3A_19 = scf.for %scan3A_324 = %scan3A_15 to %scan3A_17 step %scan3A_18 iter_args(%scan3A_325 = %scan3A_14) -> (i32)  : i32 {
      %mul3A_326 = arith.constant 4160 : i32
      %mul3A_327 = arith.muli %scan3A_324, %mul3A_326 : i32
      %add3A_328 = arith.addi %multiple_of3A, %mul3A_327 : i32
      %multiple_of3A_329 = tpu.assume_multiple %add3A_328, 8 : i32
      "tpu.region"() ({
        %run_scoped3A_331 = tpu.sem_alloc : memref<!tpu.dma_semaphore, #tpu.memory_space<semaphore_mem>>
        %dma_start3A_332 = tpu.memref_slice %arg21[%multiple_of3A_329] : memref<665600xf32, #tpu.memory_space<vmem_shared>> -> memref<4160xf32, #tpu.memory_space<vmem_shared>>
        %dma_start3A_333 = tpu.memref_slice %arg21[%multiple_of3A_329] : memref<665600xf32, #tpu.memory_space<vmem_shared>> -> memref<4160xf32, #tpu.memory_space<vmem_shared>>
        tpu.enqueue_dma source(%arg7 : memref<4160xf32, #tpu.memory_space<vmem>>) target(%dma_start3A_333 : memref<4160xf32, #tpu.memory_space<vmem_shared>>) target_semaphore(%run_scoped3A_331 : memref<!tpu.dma_semaphore, #tpu.memory_space<semaphore_mem>>)
        %dma_wait3A = tpu.memref_slice %arg21[%multiple_of3A_329] : memref<665600xf32, #tpu.memory_space<vmem_shared>> -> memref<4160xf32, #tpu.memory_space<vmem_shared>>
        %dma_wait3A_334 = tpu.memref_slice %arg21[%multiple_of3A_329] : memref<665600xf32, #tpu.memory_space<vmem_shared>> -> memref<4160xf32, #tpu.memory_space<vmem_shared>>
        tpu.wait_dma2 semaphore(%run_scoped3A_331 : memref<!tpu.dma_semaphore, #tpu.memory_space<semaphore_mem>>) src(%arg7 : memref<4160xf32, #tpu.memory_space<vmem>>) dst(%dma_wait3A_334 : memref<4160xf32, #tpu.memory_space<vmem_shared>>)
        tpu.yield
      }) : () -> ()
      %scan3A_330 = arith.constant 0 : i32
      scf.yield %scan3A_330 : i32
    }
    %scan3A_20 = arith.constant 10 : i32
    %mul3A_21 = arith.constant 160 : i32
    %mul3A_22 = arith.muli %arg1, %mul3A_21 : i32
    %multiple_of3A_23 = tpu.assume_multiple %mul3A_22, 8 : i32
    "tpu.region"() ({
      %run_scoped3A_324 = tpu.sem_alloc : memref<!tpu.dma_semaphore, #tpu.memory_space<semaphore_mem>>
      %dma_start3A_325 = arith.constant 0 : i32
      %dma_start3A_326 = tpu.memref_slice %arg3[%multiple_of3A_23, %dma_start3A_325] : memref<2560x128xi32, #tpu.memory_space<hbm>> -> memref<80x128xi32, #tpu.memory_space<hbm>>
      %dma_start3A_327 = arith.constant 0 : i32
      %dma_start3A_328 = tpu.memref_slice %arg3[%multiple_of3A_23, %dma_start3A_327] : memref<2560x128xi32, #tpu.memory_space<hbm>> -> memref<80x128xi32, #tpu.memory_space<hbm>>
      tpu.enqueue_dma source(%dma_start3A_328 : memref<80x128xi32, #tpu.memory_space<hbm>>) target(%arg9 : memref<80x128xi32, #tpu.memory_space<vmem>>) target_semaphore(%run_scoped3A_324 : memref<!tpu.dma_semaphore, #tpu.memory_space<semaphore_mem>>)
      %dma_wait3A = arith.constant 0 : i32
      %dma_wait3A_329 = tpu.memref_slice %arg3[%multiple_of3A_23, %dma_wait3A] : memref<2560x128xi32, #tpu.memory_space<hbm>> -> memref<80x128xi32, #tpu.memory_space<hbm>>
      %dma_wait3A_330 = arith.constant 0 : i32
      %dma_wait3A_331 = tpu.memref_slice %arg3[%multiple_of3A_23, %dma_wait3A_330] : memref<2560x128xi32, #tpu.memory_space<hbm>> -> memref<80x128xi32, #tpu.memory_space<hbm>>
      tpu.wait_dma2 semaphore(%run_scoped3A_324 : memref<!tpu.dma_semaphore, #tpu.memory_space<semaphore_mem>>) src(%dma_wait3A_331 : memref<80x128xi32, #tpu.memory_space<hbm>>) dst(%arg9 : memref<80x128xi32, #tpu.memory_space<vmem>>)
      tpu.yield
    }) : () -> ()
    %add3A = arith.constant 80 : i32
    %add3A_24 = arith.addi %multiple_of3A_23, %add3A : i32
    "tpu.region"() ({
      %run_scoped3A_324 = tpu.sem_alloc : memref<!tpu.dma_semaphore, #tpu.memory_space<semaphore_mem>>
      %dma_start3A_325 = arith.constant 0 : i32
      %dma_start3A_326 = tpu.memref_slice %arg3[%add3A_24, %dma_start3A_325] : memref<2560x128xi32, #tpu.memory_space<hbm>> -> memref<80x128xi32, #tpu.memory_space<hbm>>
      %dma_start3A_327 = arith.constant 0 : i32
      %dma_start3A_328 = tpu.memref_slice %arg3[%add3A_24, %dma_start3A_327] : memref<2560x128xi32, #tpu.memory_space<hbm>> -> memref<80x128xi32, #tpu.memory_space<hbm>>
      tpu.enqueue_dma source(%dma_start3A_328 : memref<80x128xi32, #tpu.memory_space<hbm>>) target(%arg10 : memref<80x128xi32, #tpu.memory_space<vmem>>) target_semaphore(%run_scoped3A_324 : memref<!tpu.dma_semaphore, #tpu.memory_space<semaphore_mem>>)
      %dma_wait3A = arith.constant 0 : i32
      %dma_wait3A_329 = tpu.memref_slice %arg3[%add3A_24, %dma_wait3A] : memref<2560x128xi32, #tpu.memory_space<hbm>> -> memref<80x128xi32, #tpu.memory_space<hbm>>
      %dma_wait3A_330 = arith.constant 0 : i32
      %dma_wait3A_331 = tpu.memref_slice %arg3[%add3A_24, %dma_wait3A_330] : memref<2560x128xi32, #tpu.memory_space<hbm>> -> memref<80x128xi32, #tpu.memory_space<hbm>>
      tpu.wait_dma2 semaphore(%run_scoped3A_324 : memref<!tpu.dma_semaphore, #tpu.memory_space<semaphore_mem>>) src(%dma_wait3A_331 : memref<80x128xi32, #tpu.memory_space<hbm>>) dst(%arg10 : memref<80x128xi32, #tpu.memory_space<vmem>>)
      tpu.yield
    }) : () -> ()
    %scan3A_25 = arith.constant 0 : i32
    %scan3A_26 = arith.constant 0 : i32
    %scan3A_27 = arith.constant 80 : i32
    %scan3A_28 = arith.addi %scan3A_26, %scan3A_27 : i32
    %scan3A_29 = arith.constant 1 : i32
    %scan3A_30 = scf.for %scan3A_324 = %scan3A_26 to %scan3A_28 step %scan3A_29 iter_args(%scan3A_325 = %scan3A_25) -> (i32)  : i32 {
      %get3A_326 = arith.index_cast %scan3A_324 : i32 to index
      %get3A_327 = arith.constant 0 : index
      %get3A_328 = tpu.vector_load %arg9[%get3A_326, %get3A_327] {strides = array<i32>} : memref<80x128xi32, #tpu.memory_space<vmem>>, vector<16xi32>,
      %broadcast_in_dim3A = arith.constant true
      %broadcast_in_dim3A_329 = vector.broadcast %broadcast_in_dim3A : i1 to vector<16xi1>
      %unique3A, %unique3A_330 = tpu.scan_count mask(%broadcast_in_dim3A_329 : vector<16xi1>) value(%get3A_328 : vector<16xi32>) : vector<16xi1>, vector<16xi32>
      %convert_element_type3A_331 = arith.sitofp %unique3A_330 : vector<16xi32> to vector<16xf32>
      tpu.vector_store_idx %arg18[%get3A_328], %convert_element_type3A_331 masked %unique3A {add = true} : memref<10240xf32, #tpu.memory_space<vmem>>[vector<16xi32>], vector<16xf32>, vector<16xi1>
      %get3A_332 = arith.index_cast %scan3A_324 : i32 to index
      %get3A_333 = arith.constant 0 : index
      %get3A_334 = tpu.vector_load %arg10[%get3A_332, %get3A_333] {strides = array<i32>} : memref<80x128xi32, #tpu.memory_space<vmem>>, vector<16xi32>,
      %broadcast_in_dim3A_335 = arith.constant true
      %broadcast_in_dim3A_336 = vector.broadcast %broadcast_in_dim3A_335 : i1 to vector<16xi1>
      %unique3A_337, %unique3A_338 = tpu.scan_count mask(%broadcast_in_dim3A_336 : vector<16xi1>) value(%get3A_334 : vector<16xi32>) : vector<16xi1>, vector<16xi32>
      %convert_element_type3A_339 = arith.sitofp %unique3A_338 : vector<16xi32> to vector<16xf32>
      tpu.vector_store_idx %arg18[%get3A_334], %convert_element_type3A_339 masked %unique3A_337 {add = true} : memref<10240xf32, #tpu.memory_space<vmem>>[vector<16xi32>], vector<16xf32>, vector<16xi1>
      %get3A_340 = arith.index_cast %scan3A_324 : i32 to index
      %get3A_341 = arith.constant 16 : index
      %get3A_342 = tpu.vector_load %arg9[%get3A_340, %get3A_341] {strides = array<i32>} : memref<80x128xi32, #tpu.memory_space<vmem>>, vector<16xi32>,
      %broadcast_in_dim3A_343 = arith.constant true
      %broadcast_in_dim3A_344 = vector.broadcast %broadcast_in_dim3A_343 : i1 to vector<16xi1>
      %unique3A_345, %unique3A_346 = tpu.scan_count mask(%broadcast_in_dim3A_344 : vector<16xi1>) value(%get3A_342 : vector<16xi32>) : vector<16xi1>, vector<16xi32>
      %convert_element_type3A_347 = arith.sitofp %unique3A_346 : vector<16xi32> to vector<16xf32>
      tpu.vector_store_idx %arg18[%get3A_342], %convert_element_type3A_347 masked %unique3A_345 {add = true} : memref<10240xf32, #tpu.memory_space<vmem>>[vector<16xi32>], vector<16xf32>, vector<16xi1>
      %get3A_348 = arith.index_cast %scan3A_324 : i32 to index
      %get3A_349 = arith.constant 16 : index
      %get3A_350 = tpu.vector_load %arg10[%get3A_348, %get3A_349] {strides = array<i32>} : memref<80x128xi32, #tpu.memory_space<vmem>>, vector<16xi32>,
      %broadcast_in_dim3A_351 = arith.constant true
      %broadcast_in_dim3A_352 = vector.broadcast %broadcast_in_dim3A_351 : i1 to vector<16xi1>
      %unique3A_353, %unique3A_354 = tpu.scan_count mask(%broadcast_in_dim3A_352 : vector<16xi1>) value(%get3A_350 : vector<16xi32>) : vector<16xi1>, vector<16xi32>
      %convert_element_type3A_355 = arith.sitofp %unique3A_354 : vector<16xi32> to vector<16xf32>
      tpu.vector_store_idx %arg18[%get3A_350], %convert_element_type3A_355 masked %unique3A_353 {add = true} : memref<10240xf32, #tpu.memory_space<vmem>>[vector<16xi32>], vector<16xf32>, vector<16xi1>
      %get3A_356 = arith.index_cast %scan3A_324 : i32 to index
      %get3A_357 = arith.constant 32 : index
      %get3A_358 = tpu.vector_load %arg9[%get3A_356, %get3A_357] {strides = array<i32>} : memref<80x128xi32, #tpu.memory_space<vmem>>, vector<16xi32>,
      %broadcast_in_dim3A_359 = arith.constant true
      %broadcast_in_dim3A_360 = vector.broadcast %broadcast_in_dim3A_359 : i1 to vector<16xi1>
      %unique3A_361, %unique3A_362 = tpu.scan_count mask(%broadcast_in_dim3A_360 : vector<16xi1>) value(%get3A_358 : vector<16xi32>) : vector<16xi1>, vector<16xi32>
      %convert_element_type3A_363 = arith.sitofp %unique3A_362 : vector<16xi32> to vector<16xf32>
      tpu.vector_store_idx %arg18[%get3A_358], %convert_element_type3A_363 masked %unique3A_361 {add = true} : memref<10240xf32, #tpu.memory_space<vmem>>[vector<16xi32>], vector<16xf32>, vector<16xi1>
      %get3A_364 = arith.index_cast %scan3A_324 : i32 to index
      %get3A_365 = arith.constant 32 : index
      %get3A_366 = tpu.vector_load %arg10[%get3A_364, %get3A_365] {strides = array<i32>} : memref<80x128xi32, #tpu.memory_space<vmem>>, vector<16xi32>,
      %broadcast_in_dim3A_367 = arith.constant true
      %broadcast_in_dim3A_368 = vector.broadcast %broadcast_in_dim3A_367 : i1 to vector<16xi1>
      %unique3A_369, %unique3A_370 = tpu.scan_count mask(%broadcast_in_dim3A_368 : vector<16xi1>) value(%get3A_366 : vector<16xi32>) : vector<16xi1>, vector<16xi32>
      %convert_element_type3A_371 = arith.sitofp %unique3A_370 : vector<16xi32> to vector<16xf32>
      tpu.vector_store_idx %arg18[%get3A_366], %convert_element_type3A_371 masked %unique3A_369 {add = true} : memref<10240xf32, #tpu.memory_space<vmem>>[vector<16xi32>], vector<16xf32>, vector<16xi1>
      %get3A_372 = arith.index_cast %scan3A_324 : i32 to index
      %get3A_373 = arith.constant 48 : index
      %get3A_374 = tpu.vector_load %arg9[%get3A_372, %get3A_373] {strides = array<i32>} : memref<80x128xi32, #tpu.memory_space<vmem>>, vector<16xi32>,
      %broadcast_in_dim3A_375 = arith.constant true
      %broadcast_in_dim3A_376 = vector.broadcast %broadcast_in_dim3A_375 : i1 to vector<16xi1>
      %unique3A_377, %unique3A_378 = tpu.scan_count mask(%broadcast_in_dim3A_376 : vector<16xi1>) value(%get3A_374 : vector<16xi32>) : vector<16xi1>, vector<16xi32>
      %convert_element_type3A_379 = arith.sitofp %unique3A_378 : vector<16xi32> to vector<16xf32>
      tpu.vector_store_idx %arg18[%get3A_374], %convert_element_type3A_379 masked %unique3A_377 {add = true} : memref<10240xf32, #tpu.memory_space<vmem>>[vector<16xi32>], vector<16xf32>, vector<16xi1>
      %get3A_380 = arith.index_cast %scan3A_324 : i32 to index
      %get3A_381 = arith.constant 48 : index
      %get3A_382 = tpu.vector_load %arg10[%get3A_380, %get3A_381] {strides = array<i32>} : memref<80x128xi32, #tpu.memory_space<vmem>>, vector<16xi32>,
      %broadcast_in_dim3A_383 = arith.constant true
      %broadcast_in_dim3A_384 = vector.broadcast %broadcast_in_dim3A_383 : i1 to vector<16xi1>
      %unique3A_385, %unique3A_386 = tpu.scan_count mask(%broadcast_in_dim3A_384 : vector<16xi1>) value(%get3A_382 : vector<16xi32>) : vector<16xi1>, vector<16xi32>
      %convert_element_type3A_387 = arith.sitofp %unique3A_386 : vector<16xi32> to vector<16xf32>
      tpu.vector_store_idx %arg18[%get3A_382], %convert_element_type3A_387 masked %unique3A_385 {add = true} : memref<10240xf32, #tpu.memory_space<vmem>>[vector<16xi32>], vector<16xf32>, vector<16xi1>
      %get3A_388 = arith.index_cast %scan3A_324 : i32 to index
      %get3A_389 = arith.constant 64 : index
      %get3A_390 = tpu.vector_load %arg9[%get3A_388, %get3A_389] {strides = array<i32>} : memref<80x128xi32, #tpu.memory_space<vmem>>, vector<16xi32>,
      %broadcast_in_dim3A_391 = arith.constant true
      %broadcast_in_dim3A_392 = vector.broadcast %broadcast_in_dim3A_391 : i1 to vector<16xi1>
      %unique3A_393, %unique3A_394 = tpu.scan_count mask(%broadcast_in_dim3A_392 : vector<16xi1>) value(%get3A_390 : vector<16xi32>) : vector<16xi1>, vector<16xi32>
      %convert_element_type3A_395 = arith.sitofp %unique3A_394 : vector<16xi32> to vector<16xf32>
      tpu.vector_store_idx %arg18[%get3A_390], %convert_element_type3A_395 masked %unique3A_393 {add = true} : memref<10240xf32, #tpu.memory_space<vmem>>[vector<16xi32>], vector<16xf32>, vector<16xi1>
      %get3A_396 = arith.index_cast %scan3A_324 : i32 to index
      %get3A_397 = arith.constant 64 : index
      %get3A_398 = tpu.vector_load %arg10[%get3A_396, %get3A_397] {strides = array<i32>} : memref<80x128xi32, #tpu.memory_space<vmem>>, vector<16xi32>,
      %broadcast_in_dim3A_399 = arith.constant true
      %broadcast_in_dim3A_400 = vector.broadcast %broadcast_in_dim3A_399 : i1 to vector<16xi1>
      %unique3A_401, %unique3A_402 = tpu.scan_count mask(%broadcast_in_dim3A_400 : vector<16xi1>) value(%get3A_398 : vector<16xi32>) : vector<16xi1>, vector<16xi32>
      %convert_element_type3A_403 = arith.sitofp %unique3A_402 : vector<16xi32> to vector<16xf32>
      tpu.vector_store_idx %arg18[%get3A_398], %convert_element_type3A_403 masked %unique3A_401 {add = true} : memref<10240xf32, #tpu.memory_space<vmem>>[vector<16xi32>], vector<16xf32>, vector<16xi1>
      %get3A_404 = arith.index_cast %scan3A_324 : i32 to index
      %get3A_405 = arith.constant 80 : index
      %get3A_406 = tpu.vector_load %arg9[%get3A_404, %get3A_405] {strides = array<i32>} : memref<80x128xi32, #tpu.memory_space<vmem>>, vector<16xi32>,
      %broadcast_in_dim3A_407 = arith.constant true
      %broadcast_in_dim3A_408 = vector.broadcast %broadcast_in_dim3A_407 : i1 to vector<16xi1>
      %unique3A_409, %unique3A_410 = tpu.scan_count mask(%broadcast_in_dim3A_408 : vector<16xi1>) value(%get3A_406 : vector<16xi32>) : vector<16xi1>, vector<16xi32>
      %convert_element_type3A_411 = arith.sitofp %unique3A_410 : vector<16xi32> to vector<16xf32>
      tpu.vector_store_idx %arg18[%get3A_406], %convert_element_type3A_411 masked %unique3A_409 {add = true} : memref<10240xf32, #tpu.memory_space<vmem>>[vector<16xi32>], vector<16xf32>, vector<16xi1>
      %get3A_412 = arith.index_cast %scan3A_324 : i32 to index
      %get3A_413 = arith.constant 80 : index
      %get3A_414 = tpu.vector_load %arg10[%get3A_412, %get3A_413] {strides = array<i32>} : memref<80x128xi32, #tpu.memory_space<vmem>>, vector<16xi32>,
      %broadcast_in_dim3A_415 = arith.constant true
      %broadcast_in_dim3A_416 = vector.broadcast %broadcast_in_dim3A_415 : i1 to vector<16xi1>
      %unique3A_417, %unique3A_418 = tpu.scan_count mask(%broadcast_in_dim3A_416 : vector<16xi1>) value(%get3A_414 : vector<16xi32>) : vector<16xi1>, vector<16xi32>
      %convert_element_type3A_419 = arith.sitofp %unique3A_418 : vector<16xi32> to vector<16xf32>
      tpu.vector_store_idx %arg18[%get3A_414], %convert_element_type3A_419 masked %unique3A_417 {add = true} : memref<10240xf32, #tpu.memory_space<vmem>>[vector<16xi32>], vector<16xf32>, vector<16xi1>
      %get3A_420 = arith.index_cast %scan3A_324 : i32 to index
      %get3A_421 = arith.constant 96 : index
      %get3A_422 = tpu.vector_load %arg9[%get3A_420, %get3A_421] {strides = array<i32>} : memref<80x128xi32, #tpu.memory_space<vmem>>, vector<16xi32>,
      %broadcast_in_dim3A_423 = arith.constant true
      %broadcast_in_dim3A_424 = vector.broadcast %broadcast_in_dim3A_423 : i1 to vector<16xi1>
      %unique3A_425, %unique3A_426 = tpu.scan_count mask(%broadcast_in_dim3A_424 : vector<16xi1>) value(%get3A_422 : vector<16xi32>) : vector<16xi1>, vector<16xi32>
      %convert_element_type3A_427 = arith.sitofp %unique3A_426 : vector<16xi32> to vector<16xf32>
      tpu.vector_store_idx %arg18[%get3A_422], %convert_element_type3A_427 masked %unique3A_425 {add = true} : memref<10240xf32, #tpu.memory_space<vmem>>[vector<16xi32>], vector<16xf32>, vector<16xi1>
      %get3A_428 = arith.index_cast %scan3A_324 : i32 to index
      %get3A_429 = arith.constant 96 : index
      %get3A_430 = tpu.vector_load %arg10[%get3A_428, %get3A_429] {strides = array<i32>} : memref<80x128xi32, #tpu.memory_space<vmem>>, vector<16xi32>,
      %broadcast_in_dim3A_431 = arith.constant true
      %broadcast_in_dim3A_432 = vector.broadcast %broadcast_in_dim3A_431 : i1 to vector<16xi1>
      %unique3A_433, %unique3A_434 = tpu.scan_count mask(%broadcast_in_dim3A_432 : vector<16xi1>) value(%get3A_430 : vector<16xi32>) : vector<16xi1>, vector<16xi32>
      %convert_element_type3A_435 = arith.sitofp %unique3A_434 : vector<16xi32> to vector<16xf32>
      tpu.vector_store_idx %arg18[%get3A_430], %convert_element_type3A_435 masked %unique3A_433 {add = true} : memref<10240xf32, #tpu.memory_space<vmem>>[vector<16xi32>], vector<16xf32>, vector<16xi1>
      %get3A_436 = arith.index_cast %scan3A_324 : i32 to index
      %get3A_437 = arith.constant 112 : index
      %get3A_438 = tpu.vector_load %arg9[%get3A_436, %get3A_437] {strides = array<i32>} : memref<80x128xi32, #tpu.memory_space<vmem>>, vector<16xi32>,
      %broadcast_in_dim3A_439 = arith.constant true
      %broadcast_in_dim3A_440 = vector.broadcast %broadcast_in_dim3A_439 : i1 to vector<16xi1>
      %unique3A_441, %unique3A_442 = tpu.scan_count mask(%broadcast_in_dim3A_440 : vector<16xi1>) value(%get3A_438 : vector<16xi32>) : vector<16xi1>, vector<16xi32>
      %convert_element_type3A_443 = arith.sitofp %unique3A_442 : vector<16xi32> to vector<16xf32>
      tpu.vector_store_idx %arg18[%get3A_438], %convert_element_type3A_443 masked %unique3A_441 {add = true} : memref<10240xf32, #tpu.memory_space<vmem>>[vector<16xi32>], vector<16xf32>, vector<16xi1>
      %get3A_444 = arith.index_cast %scan3A_324 : i32 to index
      %get3A_445 = arith.constant 112 : index
      %get3A_446 = tpu.vector_load %arg10[%get3A_444, %get3A_445] {strides = array<i32>} : memref<80x128xi32, #tpu.memory_space<vmem>>, vector<16xi32>,
      %broadcast_in_dim3A_447 = arith.constant true
      %broadcast_in_dim3A_448 = vector.broadcast %broadcast_in_dim3A_447 : i1 to vector<16xi1>
      %unique3A_449, %unique3A_450 = tpu.scan_count mask(%broadcast_in_dim3A_448 : vector<16xi1>) value(%get3A_446 : vector<16xi32>) : vector<16xi1>, vector<16xi32>
      %convert_element_type3A_451 = arith.sitofp %unique3A_450 : vector<16xi32> to vector<16xf32>
      tpu.vector_store_idx %arg18[%get3A_446], %convert_element_type3A_451 masked %unique3A_449 {add = true} : memref<10240xf32, #tpu.memory_space<vmem>>[vector<16xi32>], vector<16xf32>, vector<16xi1>
      %scan3A_452 = arith.constant 0 : i32
      scf.yield %scan3A_452 : i32
    }
    %scan3A_31 = arith.constant 80 : i32
    "tpu.region"() ({
      %run_scoped3A_324 = tpu.sem_alloc : memref<!tpu.dma_semaphore, #tpu.memory_space<semaphore_mem>>
      %dma_start3A_325 = arith.constant 0 : i32
      %dma_start3A_326 = tpu.memref_slice %arg20[%arg1, %dma_start3A_325] : memref<16x10240xf32, #tpu.memory_space<vmem_shared>> -> memref<1x10240xf32, #tpu.memory_space<vmem_shared>>
      %dma_start3A_327 = tpu.memref_squeeze %dma_start3A_326 : memref<1x10240xf32, #tpu.memory_space<vmem_shared>> -> memref<10240xf32, #tpu.memory_space<vmem_shared>>
      %dma_start3A_328 = arith.constant 0 : i32
      %dma_start3A_329 = tpu.memref_slice %arg20[%arg1, %dma_start3A_328] : memref<16x10240xf32, #tpu.memory_space<vmem_shared>> -> memref<1x10240xf32, #tpu.memory_space<vmem_shared>>
      %dma_start3A_330 = tpu.memref_squeeze %dma_start3A_329 : memref<1x10240xf32, #tpu.memory_space<vmem_shared>> -> memref<10240xf32, #tpu.memory_space<vmem_shared>>
      tpu.enqueue_dma source(%arg18 : memref<10240xf32, #tpu.memory_space<vmem>>) target(%dma_start3A_330 : memref<10240xf32, #tpu.memory_space<vmem_shared>>) target_semaphore(%run_scoped3A_324 : memref<!tpu.dma_semaphore, #tpu.memory_space<semaphore_mem>>)
      %dma_wait3A = arith.constant 0 : i32
      %dma_wait3A_331 = tpu.memref_slice %arg20[%arg1, %dma_wait3A] : memref<16x10240xf32, #tpu.memory_space<vmem_shared>> -> memref<1x10240xf32, #tpu.memory_space<vmem_shared>>
      %dma_wait3A_332 = tpu.memref_squeeze %dma_wait3A_331 : memref<1x10240xf32, #tpu.memory_space<vmem_shared>> -> memref<10240xf32, #tpu.memory_space<vmem_shared>>
      %dma_wait3A_333 = arith.constant 0 : i32
      %dma_wait3A_334 = tpu.memref_slice %arg20[%arg1, %dma_wait3A_333] : memref<16x10240xf32, #tpu.memory_space<vmem_shared>> -> memref<1x10240xf32, #tpu.memory_space<vmem_shared>>
      %dma_wait3A_335 = tpu.memref_squeeze %dma_wait3A_334 : memref<1x10240xf32, #tpu.memory_space<vmem_shared>> -> memref<10240xf32, #tpu.memory_space<vmem_shared>>
      tpu.wait_dma2 semaphore(%run_scoped3A_324 : memref<!tpu.dma_semaphore, #tpu.memory_space<semaphore_mem>>) src(%arg18 : memref<10240xf32, #tpu.memory_space<vmem>>) dst(%dma_wait3A_335 : memref<10240xf32, #tpu.memory_space<vmem_shared>>)
      tpu.yield
    }) : () -> ()
    %barrier3A = arith.constant 0 : index
    tpu.barrier barrier_id(%barrier3A)
    %mul3A_32 = arith.constant 640 : i32
    %mul3A_33 = arith.muli %arg1, %mul3A_32 : i32
    %multiple_of3A_34 = tpu.assume_multiple %mul3A_33, 640 : i32
    %run_scoped3A = arith.constant 0 : i32
    "tpu.region"() ({
      %run_scoped3A_324 = tpu.sem_alloc : memref<!tpu.dma_semaphore, #tpu.memory_space<semaphore_mem>>
      %dma_start3A_325 = tpu.memref_slice %arg20[%run_scoped3A, %multiple_of3A_34] : memref<16x10240xf32, #tpu.memory_space<vmem_shared>> -> memref<1x640xf32, #tpu.memory_space<vmem_shared>>
      %dma_start3A_326 = tpu.memref_squeeze %dma_start3A_325 : memref<1x640xf32, #tpu.memory_space<vmem_shared>> -> memref<640xf32, #tpu.memory_space<vmem_shared>>
      %dma_start3A_327 = tpu.memref_slice %arg20[%run_scoped3A, %multiple_of3A_34] : memref<16x10240xf32, #tpu.memory_space<vmem_shared>> -> memref<1x640xf32, #tpu.memory_space<vmem_shared>>
      %dma_start3A_328 = tpu.memref_squeeze %dma_start3A_327 : memref<1x640xf32, #tpu.memory_space<vmem_shared>> -> memref<640xf32, #tpu.memory_space<vmem_shared>>
      tpu.enqueue_dma source(%dma_start3A_328 : memref<640xf32, #tpu.memory_space<vmem_shared>>) target(%arg13 : memref<640xf32, #tpu.memory_space<vmem>>) target_semaphore(%run_scoped3A_324 : memref<!tpu.dma_semaphore, #tpu.memory_space<semaphore_mem>>)
      %dma_wait3A = tpu.memref_slice %arg20[%run_scoped3A, %multiple_of3A_34] : memref<16x10240xf32, #tpu.memory_space<vmem_shared>> -> memref<1x640xf32, #tpu.memory_space<vmem_shared>>
      %dma_wait3A_329 = tpu.memref_squeeze %dma_wait3A : memref<1x640xf32, #tpu.memory_space<vmem_shared>> -> memref<640xf32, #tpu.memory_space<vmem_shared>>
      %dma_wait3A_330 = tpu.memref_slice %arg20[%run_scoped3A, %multiple_of3A_34] : memref<16x10240xf32, #tpu.memory_space<vmem_shared>> -> memref<1x640xf32, #tpu.memory_space<vmem_shared>>
      %dma_wait3A_331 = tpu.memref_squeeze %dma_wait3A_330 : memref<1x640xf32, #tpu.memory_space<vmem_shared>> -> memref<640xf32, #tpu.memory_space<vmem_shared>>
      tpu.wait_dma2 semaphore(%run_scoped3A_324 : memref<!tpu.dma_semaphore, #tpu.memory_space<semaphore_mem>>) src(%dma_wait3A_331 : memref<640xf32, #tpu.memory_space<vmem_shared>>) dst(%arg13 : memref<640xf32, #tpu.memory_space<vmem>>)
      tpu.yield
    }) : () -> ()
    %run_scoped3A_35 = arith.constant 1 : i32
    "tpu.region"() ({
      %run_scoped3A_324 = tpu.sem_alloc : memref<!tpu.dma_semaphore, #tpu.memory_space<semaphore_mem>>
      %dma_start3A_325 = tpu.memref_slice %arg20[%run_scoped3A_35, %multiple_of3A_34] : memref<16x10240xf32, #tpu.memory_space<vmem_shared>> -> memref<1x640xf32, #tpu.memory_space<vmem_shared>>
      %dma_start3A_326 = tpu.memref_squeeze %dma_start3A_325 : memref<1x640xf32, #tpu.memory_space<vmem_shared>> -> memref<640xf32, #tpu.memory_space<vmem_shared>>
      %dma_start3A_327 = tpu.memref_slice %arg20[%run_scoped3A_35, %multiple_of3A_34] : memref<16x10240xf32, #tpu.memory_space<vmem_shared>> -> memref<1x640xf32, #tpu.memory_space<vmem_shared>>
      %dma_start3A_328 = tpu.memref_squeeze %dma_start3A_327 : memref<1x640xf32, #tpu.memory_space<vmem_shared>> -> memref<640xf32, #tpu.memory_space<vmem_shared>>
      tpu.enqueue_dma source(%dma_start3A_328 : memref<640xf32, #tpu.memory_space<vmem_shared>>) target(%arg12 : memref<640xf32, #tpu.memory_space<vmem>>) target_semaphore(%run_scoped3A_324 : memref<!tpu.dma_semaphore, #tpu.memory_space<semaphore_mem>>)
      %dma_wait3A = tpu.memref_slice %arg20[%run_scoped3A_35, %multiple_of3A_34] : memref<16x10240xf32, #tpu.memory_space<vmem_shared>> -> memref<1x640xf32, #tpu.memory_space<vmem_shared>>
      %dma_wait3A_329 = tpu.memref_squeeze %dma_wait3A : memref<1x640xf32, #tpu.memory_space<vmem_shared>> -> memref<640xf32, #tpu.memory_space<vmem_shared>>
      %dma_wait3A_330 = tpu.memref_slice %arg20[%run_scoped3A_35, %multiple_of3A_34] : memref<16x10240xf32, #tpu.memory_space<vmem_shared>> -> memref<1x640xf32, #tpu.memory_space<vmem_shared>>
      %dma_wait3A_331 = tpu.memref_squeeze %dma_wait3A_330 : memref<1x640xf32, #tpu.memory_space<vmem_shared>> -> memref<640xf32, #tpu.memory_space<vmem_shared>>
      tpu.wait_dma2 semaphore(%run_scoped3A_324 : memref<!tpu.dma_semaphore, #tpu.memory_space<semaphore_mem>>) src(%dma_wait3A_331 : memref<640xf32, #tpu.memory_space<vmem_shared>>) dst(%arg12 : memref<640xf32, #tpu.memory_space<vmem>>)
      tpu.yield
    }) : () -> ()
    %scan3A_36 = arith.constant 0 : i32
    %scan3A_37 = arith.constant 0 : i32
    %scan3A_38 = arith.constant 40 : i32
    %scan3A_39 = arith.addi %scan3A_37, %scan3A_38 : i32
    %scan3A_40 = arith.constant 1 : i32
    %scan3A_41 = scf.for %scan3A_324 = %scan3A_37 to %scan3A_39 step %scan3A_40 iter_args(%scan3A_325 = %scan3A_36) -> (i32)  : i32 {
      %mul3A_326 = arith.constant 16 : i32
      %mul3A_327 = arith.muli %scan3A_324, %mul3A_326 : i32
      %multiple_of3A_328 = tpu.assume_multiple %mul3A_327, 16 : i32
      %get3A_329 = arith.index_cast %multiple_of3A_328 : i32 to index
      %get3A_330 = tpu.vector_load %arg13[%get3A_329] {strides = array<i32>} : memref<640xf32, #tpu.memory_space<vmem>>, vector<16xf32>,
      %get3A_331 = arith.index_cast %multiple_of3A_328 : i32 to index
      %get3A_332 = tpu.vector_load %arg12[%get3A_331] {strides = array<i32>} : memref<640xf32, #tpu.memory_space<vmem>>, vector<16xf32>,
      %add3A_333 = arith.addf %get3A_330, %get3A_332 : vector<16xf32>
      %swap3A_334 = arith.index_cast %multiple_of3A_328 : i32 to index
      %swap3A_335 = tpu.vector_load %arg13[%swap3A_334] {strides = array<i32>} : memref<640xf32, #tpu.memory_space<vmem>>, vector<16xf32>,
      tpu.vector_store %arg13[%swap3A_334], %add3A_333 {strides = array<i32>} : memref<640xf32, #tpu.memory_space<vmem>>, vector<16xf32>,
      %scan3A_336 = arith.constant 0 : i32
      scf.yield %scan3A_336 : i32
    }
    %scan3A_42 = arith.constant 40 : i32
    %run_scoped3A_43 = arith.constant 2 : i32
    "tpu.region"() ({
      %run_scoped3A_324 = tpu.sem_alloc : memref<!tpu.dma_semaphore, #tpu.memory_space<semaphore_mem>>
      %dma_start3A_325 = tpu.memref_slice %arg20[%run_scoped3A_43, %multiple_of3A_34] : memref<16x10240xf32, #tpu.memory_space<vmem_shared>> -> memref<1x640xf32, #tpu.memory_space<vmem_shared>>
      %dma_start3A_326 = tpu.memref_squeeze %dma_start3A_325 : memref<1x640xf32, #tpu.memory_space<vmem_shared>> -> memref<640xf32, #tpu.memory_space<vmem_shared>>
      %dma_start3A_327 = tpu.memref_slice %arg20[%run_scoped3A_43, %multiple_of3A_34] : memref<16x10240xf32, #tpu.memory_space<vmem_shared>> -> memref<1x640xf32, #tpu.memory_space<vmem_shared>>
      %dma_start3A_328 = tpu.memref_squeeze %dma_start3A_327 : memref<1x640xf32, #tpu.memory_space<vmem_shared>> -> memref<640xf32, #tpu.memory_space<vmem_shared>>
      tpu.enqueue_dma source(%dma_start3A_328 : memref<640xf32, #tpu.memory_space<vmem_shared>>) target(%arg12 : memref<640xf32, #tpu.memory_space<vmem>>) target_semaphore(%run_scoped3A_324 : memref<!tpu.dma_semaphore, #tpu.memory_space<semaphore_mem>>)
      %dma_wait3A = tpu.memref_slice %arg20[%run_scoped3A_43, %multiple_of3A_34] : memref<16x10240xf32, #tpu.memory_space<vmem_shared>> -> memref<1x640xf32, #tpu.memory_space<vmem_shared>>
      %dma_wait3A_329 = tpu.memref_squeeze %dma_wait3A : memref<1x640xf32, #tpu.memory_space<vmem_shared>> -> memref<640xf32, #tpu.memory_space<vmem_shared>>
      %dma_wait3A_330 = tpu.memref_slice %arg20[%run_scoped3A_43, %multiple_of3A_34] : memref<16x10240xf32, #tpu.memory_space<vmem_shared>> -> memref<1x640xf32, #tpu.memory_space<vmem_shared>>
      %dma_wait3A_331 = tpu.memref_squeeze %dma_wait3A_330 : memref<1x640xf32, #tpu.memory_space<vmem_shared>> -> memref<640xf32, #tpu.memory_space<vmem_shared>>
      tpu.wait_dma2 semaphore(%run_scoped3A_324 : memref<!tpu.dma_semaphore, #tpu.memory_space<semaphore_mem>>) src(%dma_wait3A_331 : memref<640xf32, #tpu.memory_space<vmem_shared>>) dst(%arg12 : memref<640xf32, #tpu.memory_space<vmem>>)
      tpu.yield
    }) : () -> ()
    %scan3A_44 = arith.constant 0 : i32
    %scan3A_45 = arith.constant 0 : i32
    %scan3A_46 = arith.constant 40 : i32
    %scan3A_47 = arith.addi %scan3A_45, %scan3A_46 : i32
    %scan3A_48 = arith.constant 1 : i32
    %scan3A_49 = scf.for %scan3A_324 = %scan3A_45 to %scan3A_47 step %scan3A_48 iter_args(%scan3A_325 = %scan3A_44) -> (i32)  : i32 {
      %mul3A_326 = arith.constant 16 : i32
      %mul3A_327 = arith.muli %scan3A_324, %mul3A_326 : i32
      %multiple_of3A_328 = tpu.assume_multiple %mul3A_327, 16 : i32
      %get3A_329 = arith.index_cast %multiple_of3A_328 : i32 to index
      %get3A_330 = tpu.vector_load %arg13[%get3A_329] {strides = array<i32>} : memref<640xf32, #tpu.memory_space<vmem>>, vector<16xf32>,
      %get3A_331 = arith.index_cast %multiple_of3A_328 : i32 to index
      %get3A_332 = tpu.vector_load %arg12[%get3A_331] {strides = array<i32>} : memref<640xf32, #tpu.memory_space<vmem>>, vector<16xf32>,
      %add3A_333 = arith.addf %get3A_330, %get3A_332 : vector<16xf32>
      %swap3A_334 = arith.index_cast %multiple_of3A_328 : i32 to index
      %swap3A_335 = tpu.vector_load %arg13[%swap3A_334] {strides = array<i32>} : memref<640xf32, #tpu.memory_space<vmem>>, vector<16xf32>,
      tpu.vector_store %arg13[%swap3A_334], %add3A_333 {strides = array<i32>} : memref<640xf32, #tpu.memory_space<vmem>>, vector<16xf32>,
      %scan3A_336 = arith.constant 0 : i32
      scf.yield %scan3A_336 : i32
    }
    %scan3A_50 = arith.constant 40 : i32
    %run_scoped3A_51 = arith.constant 3 : i32
    "tpu.region"() ({
      %run_scoped3A_324 = tpu.sem_alloc : memref<!tpu.dma_semaphore, #tpu.memory_space<semaphore_mem>>
      %dma_start3A_325 = tpu.memref_slice %arg20[%run_scoped3A_51, %multiple_of3A_34] : memref<16x10240xf32, #tpu.memory_space<vmem_shared>> -> memref<1x640xf32, #tpu.memory_space<vmem_shared>>
      %dma_start3A_326 = tpu.memref_squeeze %dma_start3A_325 : memref<1x640xf32, #tpu.memory_space<vmem_shared>> -> memref<640xf32, #tpu.memory_space<vmem_shared>>
      %dma_start3A_327 = tpu.memref_slice %arg20[%run_scoped3A_51, %multiple_of3A_34] : memref<16x10240xf32, #tpu.memory_space<vmem_shared>> -> memref<1x640xf32, #tpu.memory_space<vmem_shared>>
      %dma_start3A_328 = tpu.memref_squeeze %dma_start3A_327 : memref<1x640xf32, #tpu.memory_space<vmem_shared>> -> memref<640xf32, #tpu.memory_space<vmem_shared>>
      tpu.enqueue_dma source(%dma_start3A_328 : memref<640xf32, #tpu.memory_space<vmem_shared>>) target(%arg12 : memref<640xf32, #tpu.memory_space<vmem>>) target_semaphore(%run_scoped3A_324 : memref<!tpu.dma_semaphore, #tpu.memory_space<semaphore_mem>>)
      %dma_wait3A = tpu.memref_slice %arg20[%run_scoped3A_51, %multiple_of3A_34] : memref<16x10240xf32, #tpu.memory_space<vmem_shared>> -> memref<1x640xf32, #tpu.memory_space<vmem_shared>>
      %dma_wait3A_329 = tpu.memref_squeeze %dma_wait3A : memref<1x640xf32, #tpu.memory_space<vmem_shared>> -> memref<640xf32, #tpu.memory_space<vmem_shared>>
      %dma_wait3A_330 = tpu.memref_slice %arg20[%run_scoped3A_51, %multiple_of3A_34] : memref<16x10240xf32, #tpu.memory_space<vmem_shared>> -> memref<1x640xf32, #tpu.memory_space<vmem_shared>>
      %dma_wait3A_331 = tpu.memref_squeeze %dma_wait3A_330 : memref<1x640xf32, #tpu.memory_space<vmem_shared>> -> memref<640xf32, #tpu.memory_space<vmem_shared>>
      tpu.wait_dma2 semaphore(%run_scoped3A_324 : memref<!tpu.dma_semaphore, #tpu.memory_space<semaphore_mem>>) src(%dma_wait3A_331 : memref<640xf32, #tpu.memory_space<vmem_shared>>) dst(%arg12 : memref<640xf32, #tpu.memory_space<vmem>>)
      tpu.yield
    }) : () -> ()
    %scan3A_52 = arith.constant 0 : i32
    %scan3A_53 = arith.constant 0 : i32
    %scan3A_54 = arith.constant 40 : i32
    %scan3A_55 = arith.addi %scan3A_53, %scan3A_54 : i32
    %scan3A_56 = arith.constant 1 : i32
    %scan3A_57 = scf.for %scan3A_324 = %scan3A_53 to %scan3A_55 step %scan3A_56 iter_args(%scan3A_325 = %scan3A_52) -> (i32)  : i32 {
      %mul3A_326 = arith.constant 16 : i32
      %mul3A_327 = arith.muli %scan3A_324, %mul3A_326 : i32
      %multiple_of3A_328 = tpu.assume_multiple %mul3A_327, 16 : i32
      %get3A_329 = arith.index_cast %multiple_of3A_328 : i32 to index
      %get3A_330 = tpu.vector_load %arg13[%get3A_329] {strides = array<i32>} : memref<640xf32, #tpu.memory_space<vmem>>, vector<16xf32>,
      %get3A_331 = arith.index_cast %multiple_of3A_328 : i32 to index
      %get3A_332 = tpu.vector_load %arg12[%get3A_331] {strides = array<i32>} : memref<640xf32, #tpu.memory_space<vmem>>, vector<16xf32>,
      %add3A_333 = arith.addf %get3A_330, %get3A_332 : vector<16xf32>
      %swap3A_334 = arith.index_cast %multiple_of3A_328 : i32 to index
      %swap3A_335 = tpu.vector_load %arg13[%swap3A_334] {strides = array<i32>} : memref<640xf32, #tpu.memory_space<vmem>>, vector<16xf32>,
      tpu.vector_store %arg13[%swap3A_334], %add3A_333 {strides = array<i32>} : memref<640xf32, #tpu.memory_space<vmem>>, vector<16xf32>,
      %scan3A_336 = arith.constant 0 : i32
      scf.yield %scan3A_336 : i32
    }
    %scan3A_58 = arith.constant 40 : i32
    %run_scoped3A_59 = arith.constant 4 : i32
    "tpu.region"() ({
      %run_scoped3A_324 = tpu.sem_alloc : memref<!tpu.dma_semaphore, #tpu.memory_space<semaphore_mem>>
      %dma_start3A_325 = tpu.memref_slice %arg20[%run_scoped3A_59, %multiple_of3A_34] : memref<16x10240xf32, #tpu.memory_space<vmem_shared>> -> memref<1x640xf32, #tpu.memory_space<vmem_shared>>
      %dma_start3A_326 = tpu.memref_squeeze %dma_start3A_325 : memref<1x640xf32, #tpu.memory_space<vmem_shared>> -> memref<640xf32, #tpu.memory_space<vmem_shared>>
      %dma_start3A_327 = tpu.memref_slice %arg20[%run_scoped3A_59, %multiple_of3A_34] : memref<16x10240xf32, #tpu.memory_space<vmem_shared>> -> memref<1x640xf32, #tpu.memory_space<vmem_shared>>
      %dma_start3A_328 = tpu.memref_squeeze %dma_start3A_327 : memref<1x640xf32, #tpu.memory_space<vmem_shared>> -> memref<640xf32, #tpu.memory_space<vmem_shared>>
      tpu.enqueue_dma source(%dma_start3A_328 : memref<640xf32, #tpu.memory_space<vmem_shared>>) target(%arg12 : memref<640xf32, #tpu.memory_space<vmem>>) target_semaphore(%run_scoped3A_324 : memref<!tpu.dma_semaphore, #tpu.memory_space<semaphore_mem>>)
      %dma_wait3A = tpu.memref_slice %arg20[%run_scoped3A_59, %multiple_of3A_34] : memref<16x10240xf32, #tpu.memory_space<vmem_shared>> -> memref<1x640xf32, #tpu.memory_space<vmem_shared>>
      %dma_wait3A_329 = tpu.memref_squeeze %dma_wait3A : memref<1x640xf32, #tpu.memory_space<vmem_shared>> -> memref<640xf32, #tpu.memory_space<vmem_shared>>
      %dma_wait3A_330 = tpu.memref_slice %arg20[%run_scoped3A_59, %multiple_of3A_34] : memref<16x10240xf32, #tpu.memory_space<vmem_shared>> -> memref<1x640xf32, #tpu.memory_space<vmem_shared>>
      %dma_wait3A_331 = tpu.memref_squeeze %dma_wait3A_330 : memref<1x640xf32, #tpu.memory_space<vmem_shared>> -> memref<640xf32, #tpu.memory_space<vmem_shared>>
      tpu.wait_dma2 semaphore(%run_scoped3A_324 : memref<!tpu.dma_semaphore, #tpu.memory_space<semaphore_mem>>) src(%dma_wait3A_331 : memref<640xf32, #tpu.memory_space<vmem_shared>>) dst(%arg12 : memref<640xf32, #tpu.memory_space<vmem>>)
      tpu.yield
    }) : () -> ()
    %scan3A_60 = arith.constant 0 : i32
    %scan3A_61 = arith.constant 0 : i32
    %scan3A_62 = arith.constant 40 : i32
    %scan3A_63 = arith.addi %scan3A_61, %scan3A_62 : i32
    %scan3A_64 = arith.constant 1 : i32
    %scan3A_65 = scf.for %scan3A_324 = %scan3A_61 to %scan3A_63 step %scan3A_64 iter_args(%scan3A_325 = %scan3A_60) -> (i32)  : i32 {
      %mul3A_326 = arith.constant 16 : i32
      %mul3A_327 = arith.muli %scan3A_324, %mul3A_326 : i32
      %multiple_of3A_328 = tpu.assume_multiple %mul3A_327, 16 : i32
      %get3A_329 = arith.index_cast %multiple_of3A_328 : i32 to index
      %get3A_330 = tpu.vector_load %arg13[%get3A_329] {strides = array<i32>} : memref<640xf32, #tpu.memory_space<vmem>>, vector<16xf32>,
      %get3A_331 = arith.index_cast %multiple_of3A_328 : i32 to index
      %get3A_332 = tpu.vector_load %arg12[%get3A_331] {strides = array<i32>} : memref<640xf32, #tpu.memory_space<vmem>>, vector<16xf32>,
      %add3A_333 = arith.addf %get3A_330, %get3A_332 : vector<16xf32>
      %swap3A_334 = arith.index_cast %multiple_of3A_328 : i32 to index
      %swap3A_335 = tpu.vector_load %arg13[%swap3A_334] {strides = array<i32>} : memref<640xf32, #tpu.memory_space<vmem>>, vector<16xf32>,
      tpu.vector_store %arg13[%swap3A_334], %add3A_333 {strides = array<i32>} : memref<640xf32, #tpu.memory_space<vmem>>, vector<16xf32>,
      %scan3A_336 = arith.constant 0 : i32
      scf.yield %scan3A_336 : i32
    }
    %scan3A_66 = arith.constant 40 : i32
    %run_scoped3A_67 = arith.constant 5 : i32
    "tpu.region"() ({
      %run_scoped3A_324 = tpu.sem_alloc : memref<!tpu.dma_semaphore, #tpu.memory_space<semaphore_mem>>
      %dma_start3A_325 = tpu.memref_slice %arg20[%run_scoped3A_67, %multiple_of3A_34] : memref<16x10240xf32, #tpu.memory_space<vmem_shared>> -> memref<1x640xf32, #tpu.memory_space<vmem_shared>>
      %dma_start3A_326 = tpu.memref_squeeze %dma_start3A_325 : memref<1x640xf32, #tpu.memory_space<vmem_shared>> -> memref<640xf32, #tpu.memory_space<vmem_shared>>
      %dma_start3A_327 = tpu.memref_slice %arg20[%run_scoped3A_67, %multiple_of3A_34] : memref<16x10240xf32, #tpu.memory_space<vmem_shared>> -> memref<1x640xf32, #tpu.memory_space<vmem_shared>>
      %dma_start3A_328 = tpu.memref_squeeze %dma_start3A_327 : memref<1x640xf32, #tpu.memory_space<vmem_shared>> -> memref<640xf32, #tpu.memory_space<vmem_shared>>
      tpu.enqueue_dma source(%dma_start3A_328 : memref<640xf32, #tpu.memory_space<vmem_shared>>) target(%arg12 : memref<640xf32, #tpu.memory_space<vmem>>) target_semaphore(%run_scoped3A_324 : memref<!tpu.dma_semaphore, #tpu.memory_space<semaphore_mem>>)
      %dma_wait3A = tpu.memref_slice %arg20[%run_scoped3A_67, %multiple_of3A_34] : memref<16x10240xf32, #tpu.memory_space<vmem_shared>> -> memref<1x640xf32, #tpu.memory_space<vmem_shared>>
      %dma_wait3A_329 = tpu.memref_squeeze %dma_wait3A : memref<1x640xf32, #tpu.memory_space<vmem_shared>> -> memref<640xf32, #tpu.memory_space<vmem_shared>>
      %dma_wait3A_330 = tpu.memref_slice %arg20[%run_scoped3A_67, %multiple_of3A_34] : memref<16x10240xf32, #tpu.memory_space<vmem_shared>> -> memref<1x640xf32, #tpu.memory_space<vmem_shared>>
      %dma_wait3A_331 = tpu.memref_squeeze %dma_wait3A_330 : memref<1x640xf32, #tpu.memory_space<vmem_shared>> -> memref<640xf32, #tpu.memory_space<vmem_shared>>
      tpu.wait_dma2 semaphore(%run_scoped3A_324 : memref<!tpu.dma_semaphore, #tpu.memory_space<semaphore_mem>>) src(%dma_wait3A_331 : memref<640xf32, #tpu.memory_space<vmem_shared>>) dst(%arg12 : memref<640xf32, #tpu.memory_space<vmem>>)
      tpu.yield
    }) : () -> ()
    %scan3A_68 = arith.constant 0 : i32
    %scan3A_69 = arith.constant 0 : i32
    %scan3A_70 = arith.constant 40 : i32
    %scan3A_71 = arith.addi %scan3A_69, %scan3A_70 : i32
    %scan3A_72 = arith.constant 1 : i32
    %scan3A_73 = scf.for %scan3A_324 = %scan3A_69 to %scan3A_71 step %scan3A_72 iter_args(%scan3A_325 = %scan3A_68) -> (i32)  : i32 {
      %mul3A_326 = arith.constant 16 : i32
      %mul3A_327 = arith.muli %scan3A_324, %mul3A_326 : i32
      %multiple_of3A_328 = tpu.assume_multiple %mul3A_327, 16 : i32
      %get3A_329 = arith.index_cast %multiple_of3A_328 : i32 to index
      %get3A_330 = tpu.vector_load %arg13[%get3A_329] {strides = array<i32>} : memref<640xf32, #tpu.memory_space<vmem>>, vector<16xf32>,
      %get3A_331 = arith.index_cast %multiple_of3A_328 : i32 to index
      %get3A_332 = tpu.vector_load %arg12[%get3A_331] {strides = array<i32>} : memref<640xf32, #tpu.memory_space<vmem>>, vector<16xf32>,
      %add3A_333 = arith.addf %get3A_330, %get3A_332 : vector<16xf32>
      %swap3A_334 = arith.index_cast %multiple_of3A_328 : i32 to index
      %swap3A_335 = tpu.vector_load %arg13[%swap3A_334] {strides = array<i32>} : memref<640xf32, #tpu.memory_space<vmem>>, vector<16xf32>,
      tpu.vector_store %arg13[%swap3A_334], %add3A_333 {strides = array<i32>} : memref<640xf32, #tpu.memory_space<vmem>>, vector<16xf32>,
      %scan3A_336 = arith.constant 0 : i32
      scf.yield %scan3A_336 : i32
    }
    %scan3A_74 = arith.constant 40 : i32
    %run_scoped3A_75 = arith.constant 6 : i32
    "tpu.region"() ({
      %run_scoped3A_324 = tpu.sem_alloc : memref<!tpu.dma_semaphore, #tpu.memory_space<semaphore_mem>>
      %dma_start3A_325 = tpu.memref_slice %arg20[%run_scoped3A_75, %multiple_of3A_34] : memref<16x10240xf32, #tpu.memory_space<vmem_shared>> -> memref<1x640xf32, #tpu.memory_space<vmem_shared>>
      %dma_start3A_326 = tpu.memref_squeeze %dma_start3A_325 : memref<1x640xf32, #tpu.memory_space<vmem_shared>> -> memref<640xf32, #tpu.memory_space<vmem_shared>>
      %dma_start3A_327 = tpu.memref_slice %arg20[%run_scoped3A_75, %multiple_of3A_34] : memref<16x10240xf32, #tpu.memory_space<vmem_shared>> -> memref<1x640xf32, #tpu.memory_space<vmem_shared>>
      %dma_start3A_328 = tpu.memref_squeeze %dma_start3A_327 : memref<1x640xf32, #tpu.memory_space<vmem_shared>> -> memref<640xf32, #tpu.memory_space<vmem_shared>>
      tpu.enqueue_dma source(%dma_start3A_328 : memref<640xf32, #tpu.memory_space<vmem_shared>>) target(%arg12 : memref<640xf32, #tpu.memory_space<vmem>>) target_semaphore(%run_scoped3A_324 : memref<!tpu.dma_semaphore, #tpu.memory_space<semaphore_mem>>)
      %dma_wait3A = tpu.memref_slice %arg20[%run_scoped3A_75, %multiple_of3A_34] : memref<16x10240xf32, #tpu.memory_space<vmem_shared>> -> memref<1x640xf32, #tpu.memory_space<vmem_shared>>
      %dma_wait3A_329 = tpu.memref_squeeze %dma_wait3A : memref<1x640xf32, #tpu.memory_space<vmem_shared>> -> memref<640xf32, #tpu.memory_space<vmem_shared>>
      %dma_wait3A_330 = tpu.memref_slice %arg20[%run_scoped3A_75, %multiple_of3A_34] : memref<16x10240xf32, #tpu.memory_space<vmem_shared>> -> memref<1x640xf32, #tpu.memory_space<vmem_shared>>
      %dma_wait3A_331 = tpu.memref_squeeze %dma_wait3A_330 : memref<1x640xf32, #tpu.memory_space<vmem_shared>> -> memref<640xf32, #tpu.memory_space<vmem_shared>>
      tpu.wait_dma2 semaphore(%run_scoped3A_324 : memref<!tpu.dma_semaphore, #tpu.memory_space<semaphore_mem>>) src(%dma_wait3A_331 : memref<640xf32, #tpu.memory_space<vmem_shared>>) dst(%arg12 : memref<640xf32, #tpu.memory_space<vmem>>)
      tpu.yield
    }) : () -> ()
    %scan3A_76 = arith.constant 0 : i32
    %scan3A_77 = arith.constant 0 : i32
    %scan3A_78 = arith.constant 40 : i32
    %scan3A_79 = arith.addi %scan3A_77, %scan3A_78 : i32
    %scan3A_80 = arith.constant 1 : i32
    %scan3A_81 = scf.for %scan3A_324 = %scan3A_77 to %scan3A_79 step %scan3A_80 iter_args(%scan3A_325 = %scan3A_76) -> (i32)  : i32 {
      %mul3A_326 = arith.constant 16 : i32
      %mul3A_327 = arith.muli %scan3A_324, %mul3A_326 : i32
      %multiple_of3A_328 = tpu.assume_multiple %mul3A_327, 16 : i32
      %get3A_329 = arith.index_cast %multiple_of3A_328 : i32 to index
      %get3A_330 = tpu.vector_load %arg13[%get3A_329] {strides = array<i32>} : memref<640xf32, #tpu.memory_space<vmem>>, vector<16xf32>,
      %get3A_331 = arith.index_cast %multiple_of3A_328 : i32 to index
      %get3A_332 = tpu.vector_load %arg12[%get3A_331] {strides = array<i32>} : memref<640xf32, #tpu.memory_space<vmem>>, vector<16xf32>,
      %add3A_333 = arith.addf %get3A_330, %get3A_332 : vector<16xf32>
      %swap3A_334 = arith.index_cast %multiple_of3A_328 : i32 to index
      %swap3A_335 = tpu.vector_load %arg13[%swap3A_334] {strides = array<i32>} : memref<640xf32, #tpu.memory_space<vmem>>, vector<16xf32>,
      tpu.vector_store %arg13[%swap3A_334], %add3A_333 {strides = array<i32>} : memref<640xf32, #tpu.memory_space<vmem>>, vector<16xf32>,
      %scan3A_336 = arith.constant 0 : i32
      scf.yield %scan3A_336 : i32
    }
    %scan3A_82 = arith.constant 40 : i32
    %run_scoped3A_83 = arith.constant 7 : i32
    "tpu.region"() ({
      %run_scoped3A_324 = tpu.sem_alloc : memref<!tpu.dma_semaphore, #tpu.memory_space<semaphore_mem>>
      %dma_start3A_325 = tpu.memref_slice %arg20[%run_scoped3A_83, %multiple_of3A_34] : memref<16x10240xf32, #tpu.memory_space<vmem_shared>> -> memref<1x640xf32, #tpu.memory_space<vmem_shared>>
      %dma_start3A_326 = tpu.memref_squeeze %dma_start3A_325 : memref<1x640xf32, #tpu.memory_space<vmem_shared>> -> memref<640xf32, #tpu.memory_space<vmem_shared>>
      %dma_start3A_327 = tpu.memref_slice %arg20[%run_scoped3A_83, %multiple_of3A_34] : memref<16x10240xf32, #tpu.memory_space<vmem_shared>> -> memref<1x640xf32, #tpu.memory_space<vmem_shared>>
      %dma_start3A_328 = tpu.memref_squeeze %dma_start3A_327 : memref<1x640xf32, #tpu.memory_space<vmem_shared>> -> memref<640xf32, #tpu.memory_space<vmem_shared>>
      tpu.enqueue_dma source(%dma_start3A_328 : memref<640xf32, #tpu.memory_space<vmem_shared>>) target(%arg12 : memref<640xf32, #tpu.memory_space<vmem>>) target_semaphore(%run_scoped3A_324 : memref<!tpu.dma_semaphore, #tpu.memory_space<semaphore_mem>>)
      %dma_wait3A = tpu.memref_slice %arg20[%run_scoped3A_83, %multiple_of3A_34] : memref<16x10240xf32, #tpu.memory_space<vmem_shared>> -> memref<1x640xf32, #tpu.memory_space<vmem_shared>>
      %dma_wait3A_329 = tpu.memref_squeeze %dma_wait3A : memref<1x640xf32, #tpu.memory_space<vmem_shared>> -> memref<640xf32, #tpu.memory_space<vmem_shared>>
      %dma_wait3A_330 = tpu.memref_slice %arg20[%run_scoped3A_83, %multiple_of3A_34] : memref<16x10240xf32, #tpu.memory_space<vmem_shared>> -> memref<1x640xf32, #tpu.memory_space<vmem_shared>>
      %dma_wait3A_331 = tpu.memref_squeeze %dma_wait3A_330 : memref<1x640xf32, #tpu.memory_space<vmem_shared>> -> memref<640xf32, #tpu.memory_space<vmem_shared>>
      tpu.wait_dma2 semaphore(%run_scoped3A_324 : memref<!tpu.dma_semaphore, #tpu.memory_space<semaphore_mem>>) src(%dma_wait3A_331 : memref<640xf32, #tpu.memory_space<vmem_shared>>) dst(%arg12 : memref<640xf32, #tpu.memory_space<vmem>>)
      tpu.yield
    }) : () -> ()
    %scan3A_84 = arith.constant 0 : i32
    %scan3A_85 = arith.constant 0 : i32
    %scan3A_86 = arith.constant 40 : i32
    %scan3A_87 = arith.addi %scan3A_85, %scan3A_86 : i32
    %scan3A_88 = arith.constant 1 : i32
    %scan3A_89 = scf.for %scan3A_324 = %scan3A_85 to %scan3A_87 step %scan3A_88 iter_args(%scan3A_325 = %scan3A_84) -> (i32)  : i32 {
      %mul3A_326 = arith.constant 16 : i32
      %mul3A_327 = arith.muli %scan3A_324, %mul3A_326 : i32
      %multiple_of3A_328 = tpu.assume_multiple %mul3A_327, 16 : i32
      %get3A_329 = arith.index_cast %multiple_of3A_328 : i32 to index
      %get3A_330 = tpu.vector_load %arg13[%get3A_329] {strides = array<i32>} : memref<640xf32, #tpu.memory_space<vmem>>, vector<16xf32>,
      %get3A_331 = arith.index_cast %multiple_of3A_328 : i32 to index
      %get3A_332 = tpu.vector_load %arg12[%get3A_331] {strides = array<i32>} : memref<640xf32, #tpu.memory_space<vmem>>, vector<16xf32>,
      %add3A_333 = arith.addf %get3A_330, %get3A_332 : vector<16xf32>
      %swap3A_334 = arith.index_cast %multiple_of3A_328 : i32 to index
      %swap3A_335 = tpu.vector_load %arg13[%swap3A_334] {strides = array<i32>} : memref<640xf32, #tpu.memory_space<vmem>>, vector<16xf32>,
      tpu.vector_store %arg13[%swap3A_334], %add3A_333 {strides = array<i32>} : memref<640xf32, #tpu.memory_space<vmem>>, vector<16xf32>,
      %scan3A_336 = arith.constant 0 : i32
      scf.yield %scan3A_336 : i32
    }
    %scan3A_90 = arith.constant 40 : i32
    %run_scoped3A_91 = arith.constant 8 : i32
    "tpu.region"() ({
      %run_scoped3A_324 = tpu.sem_alloc : memref<!tpu.dma_semaphore, #tpu.memory_space<semaphore_mem>>
      %dma_start3A_325 = tpu.memref_slice %arg20[%run_scoped3A_91, %multiple_of3A_34] : memref<16x10240xf32, #tpu.memory_space<vmem_shared>> -> memref<1x640xf32, #tpu.memory_space<vmem_shared>>
      %dma_start3A_326 = tpu.memref_squeeze %dma_start3A_325 : memref<1x640xf32, #tpu.memory_space<vmem_shared>> -> memref<640xf32, #tpu.memory_space<vmem_shared>>
      %dma_start3A_327 = tpu.memref_slice %arg20[%run_scoped3A_91, %multiple_of3A_34] : memref<16x10240xf32, #tpu.memory_space<vmem_shared>> -> memref<1x640xf32, #tpu.memory_space<vmem_shared>>
      %dma_start3A_328 = tpu.memref_squeeze %dma_start3A_327 : memref<1x640xf32, #tpu.memory_space<vmem_shared>> -> memref<640xf32, #tpu.memory_space<vmem_shared>>
      tpu.enqueue_dma source(%dma_start3A_328 : memref<640xf32, #tpu.memory_space<vmem_shared>>) target(%arg12 : memref<640xf32, #tpu.memory_space<vmem>>) target_semaphore(%run_scoped3A_324 : memref<!tpu.dma_semaphore, #tpu.memory_space<semaphore_mem>>)
      %dma_wait3A = tpu.memref_slice %arg20[%run_scoped3A_91, %multiple_of3A_34] : memref<16x10240xf32, #tpu.memory_space<vmem_shared>> -> memref<1x640xf32, #tpu.memory_space<vmem_shared>>
      %dma_wait3A_329 = tpu.memref_squeeze %dma_wait3A : memref<1x640xf32, #tpu.memory_space<vmem_shared>> -> memref<640xf32, #tpu.memory_space<vmem_shared>>
      %dma_wait3A_330 = tpu.memref_slice %arg20[%run_scoped3A_91, %multiple_of3A_34] : memref<16x10240xf32, #tpu.memory_space<vmem_shared>> -> memref<1x640xf32, #tpu.memory_space<vmem_shared>>
      %dma_wait3A_331 = tpu.memref_squeeze %dma_wait3A_330 : memref<1x640xf32, #tpu.memory_space<vmem_shared>> -> memref<640xf32, #tpu.memory_space<vmem_shared>>
      tpu.wait_dma2 semaphore(%run_scoped3A_324 : memref<!tpu.dma_semaphore, #tpu.memory_space<semaphore_mem>>) src(%dma_wait3A_331 : memref<640xf32, #tpu.memory_space<vmem_shared>>) dst(%arg12 : memref<640xf32, #tpu.memory_space<vmem>>)
      tpu.yield
    }) : () -> ()
    %scan3A_92 = arith.constant 0 : i32
    %scan3A_93 = arith.constant 0 : i32
    %scan3A_94 = arith.constant 40 : i32
    %scan3A_95 = arith.addi %scan3A_93, %scan3A_94 : i32
    %scan3A_96 = arith.constant 1 : i32
    %scan3A_97 = scf.for %scan3A_324 = %scan3A_93 to %scan3A_95 step %scan3A_96 iter_args(%scan3A_325 = %scan3A_92) -> (i32)  : i32 {
      %mul3A_326 = arith.constant 16 : i32
      %mul3A_327 = arith.muli %scan3A_324, %mul3A_326 : i32
      %multiple_of3A_328 = tpu.assume_multiple %mul3A_327, 16 : i32
      %get3A_329 = arith.index_cast %multiple_of3A_328 : i32 to index
      %get3A_330 = tpu.vector_load %arg13[%get3A_329] {strides = array<i32>} : memref<640xf32, #tpu.memory_space<vmem>>, vector<16xf32>,
      %get3A_331 = arith.index_cast %multiple_of3A_328 : i32 to index
      %get3A_332 = tpu.vector_load %arg12[%get3A_331] {strides = array<i32>} : memref<640xf32, #tpu.memory_space<vmem>>, vector<16xf32>,
      %add3A_333 = arith.addf %get3A_330, %get3A_332 : vector<16xf32>
      %swap3A_334 = arith.index_cast %multiple_of3A_328 : i32 to index
      %swap3A_335 = tpu.vector_load %arg13[%swap3A_334] {strides = array<i32>} : memref<640xf32, #tpu.memory_space<vmem>>, vector<16xf32>,
      tpu.vector_store %arg13[%swap3A_334], %add3A_333 {strides = array<i32>} : memref<640xf32, #tpu.memory_space<vmem>>, vector<16xf32>,
      %scan3A_336 = arith.constant 0 : i32
      scf.yield %scan3A_336 : i32
    }
    %scan3A_98 = arith.constant 40 : i32
    %run_scoped3A_99 = arith.constant 9 : i32
    "tpu.region"() ({
      %run_scoped3A_324 = tpu.sem_alloc : memref<!tpu.dma_semaphore, #tpu.memory_space<semaphore_mem>>
      %dma_start3A_325 = tpu.memref_slice %arg20[%run_scoped3A_99, %multiple_of3A_34] : memref<16x10240xf32, #tpu.memory_space<vmem_shared>> -> memref<1x640xf32, #tpu.memory_space<vmem_shared>>
      %dma_start3A_326 = tpu.memref_squeeze %dma_start3A_325 : memref<1x640xf32, #tpu.memory_space<vmem_shared>> -> memref<640xf32, #tpu.memory_space<vmem_shared>>
      %dma_start3A_327 = tpu.memref_slice %arg20[%run_scoped3A_99, %multiple_of3A_34] : memref<16x10240xf32, #tpu.memory_space<vmem_shared>> -> memref<1x640xf32, #tpu.memory_space<vmem_shared>>
      %dma_start3A_328 = tpu.memref_squeeze %dma_start3A_327 : memref<1x640xf32, #tpu.memory_space<vmem_shared>> -> memref<640xf32, #tpu.memory_space<vmem_shared>>
      tpu.enqueue_dma source(%dma_start3A_328 : memref<640xf32, #tpu.memory_space<vmem_shared>>) target(%arg12 : memref<640xf32, #tpu.memory_space<vmem>>) target_semaphore(%run_scoped3A_324 : memref<!tpu.dma_semaphore, #tpu.memory_space<semaphore_mem>>)
      %dma_wait3A = tpu.memref_slice %arg20[%run_scoped3A_99, %multiple_of3A_34] : memref<16x10240xf32, #tpu.memory_space<vmem_shared>> -> memref<1x640xf32, #tpu.memory_space<vmem_shared>>
      %dma_wait3A_329 = tpu.memref_squeeze %dma_wait3A : memref<1x640xf32, #tpu.memory_space<vmem_shared>> -> memref<640xf32, #tpu.memory_space<vmem_shared>>
      %dma_wait3A_330 = tpu.memref_slice %arg20[%run_scoped3A_99, %multiple_of3A_34] : memref<16x10240xf32, #tpu.memory_space<vmem_shared>> -> memref<1x640xf32, #tpu.memory_space<vmem_shared>>
      %dma_wait3A_331 = tpu.memref_squeeze %dma_wait3A_330 : memref<1x640xf32, #tpu.memory_space<vmem_shared>> -> memref<640xf32, #tpu.memory_space<vmem_shared>>
      tpu.wait_dma2 semaphore(%run_scoped3A_324 : memref<!tpu.dma_semaphore, #tpu.memory_space<semaphore_mem>>) src(%dma_wait3A_331 : memref<640xf32, #tpu.memory_space<vmem_shared>>) dst(%arg12 : memref<640xf32, #tpu.memory_space<vmem>>)
      tpu.yield
    }) : () -> ()
    %scan3A_100 = arith.constant 0 : i32
    %scan3A_101 = arith.constant 0 : i32
    %scan3A_102 = arith.constant 40 : i32
    %scan3A_103 = arith.addi %scan3A_101, %scan3A_102 : i32
    %scan3A_104 = arith.constant 1 : i32
    %scan3A_105 = scf.for %scan3A_324 = %scan3A_101 to %scan3A_103 step %scan3A_104 iter_args(%scan3A_325 = %scan3A_100) -> (i32)  : i32 {
      %mul3A_326 = arith.constant 16 : i32
      %mul3A_327 = arith.muli %scan3A_324, %mul3A_326 : i32
      %multiple_of3A_328 = tpu.assume_multiple %mul3A_327, 16 : i32
      %get3A_329 = arith.index_cast %multiple_of3A_328 : i32 to index
      %get3A_330 = tpu.vector_load %arg13[%get3A_329] {strides = array<i32>} : memref<640xf32, #tpu.memory_space<vmem>>, vector<16xf32>,
      %get3A_331 = arith.index_cast %multiple_of3A_328 : i32 to index
      %get3A_332 = tpu.vector_load %arg12[%get3A_331] {strides = array<i32>} : memref<640xf32, #tpu.memory_space<vmem>>, vector<16xf32>,
      %add3A_333 = arith.addf %get3A_330, %get3A_332 : vector<16xf32>
      %swap3A_334 = arith.index_cast %multiple_of3A_328 : i32 to index
      %swap3A_335 = tpu.vector_load %arg13[%swap3A_334] {strides = array<i32>} : memref<640xf32, #tpu.memory_space<vmem>>, vector<16xf32>,
      tpu.vector_store %arg13[%swap3A_334], %add3A_333 {strides = array<i32>} : memref<640xf32, #tpu.memory_space<vmem>>, vector<16xf32>,
      %scan3A_336 = arith.constant 0 : i32
      scf.yield %scan3A_336 : i32
    }
    %scan3A_106 = arith.constant 40 : i32
    %run_scoped3A_107 = arith.constant 10 : i32
    "tpu.region"() ({
      %run_scoped3A_324 = tpu.sem_alloc : memref<!tpu.dma_semaphore, #tpu.memory_space<semaphore_mem>>
      %dma_start3A_325 = tpu.memref_slice %arg20[%run_scoped3A_107, %multiple_of3A_34] : memref<16x10240xf32, #tpu.memory_space<vmem_shared>> -> memref<1x640xf32, #tpu.memory_space<vmem_shared>>
      %dma_start3A_326 = tpu.memref_squeeze %dma_start3A_325 : memref<1x640xf32, #tpu.memory_space<vmem_shared>> -> memref<640xf32, #tpu.memory_space<vmem_shared>>
      %dma_start3A_327 = tpu.memref_slice %arg20[%run_scoped3A_107, %multiple_of3A_34] : memref<16x10240xf32, #tpu.memory_space<vmem_shared>> -> memref<1x640xf32, #tpu.memory_space<vmem_shared>>
      %dma_start3A_328 = tpu.memref_squeeze %dma_start3A_327 : memref<1x640xf32, #tpu.memory_space<vmem_shared>> -> memref<640xf32, #tpu.memory_space<vmem_shared>>
      tpu.enqueue_dma source(%dma_start3A_328 : memref<640xf32, #tpu.memory_space<vmem_shared>>) target(%arg12 : memref<640xf32, #tpu.memory_space<vmem>>) target_semaphore(%run_scoped3A_324 : memref<!tpu.dma_semaphore, #tpu.memory_space<semaphore_mem>>)
      %dma_wait3A = tpu.memref_slice %arg20[%run_scoped3A_107, %multiple_of3A_34] : memref<16x10240xf32, #tpu.memory_space<vmem_shared>> -> memref<1x640xf32, #tpu.memory_space<vmem_shared>>
      %dma_wait3A_329 = tpu.memref_squeeze %dma_wait3A : memref<1x640xf32, #tpu.memory_space<vmem_shared>> -> memref<640xf32, #tpu.memory_space<vmem_shared>>
      %dma_wait3A_330 = tpu.memref_slice %arg20[%run_scoped3A_107, %multiple_of3A_34] : memref<16x10240xf32, #tpu.memory_space<vmem_shared>> -> memref<1x640xf32, #tpu.memory_space<vmem_shared>>
      %dma_wait3A_331 = tpu.memref_squeeze %dma_wait3A_330 : memref<1x640xf32, #tpu.memory_space<vmem_shared>> -> memref<640xf32, #tpu.memory_space<vmem_shared>>
      tpu.wait_dma2 semaphore(%run_scoped3A_324 : memref<!tpu.dma_semaphore, #tpu.memory_space<semaphore_mem>>) src(%dma_wait3A_331 : memref<640xf32, #tpu.memory_space<vmem_shared>>) dst(%arg12 : memref<640xf32, #tpu.memory_space<vmem>>)
      tpu.yield
    }) : () -> ()
    %scan3A_108 = arith.constant 0 : i32
    %scan3A_109 = arith.constant 0 : i32
    %scan3A_110 = arith.constant 40 : i32
    %scan3A_111 = arith.addi %scan3A_109, %scan3A_110 : i32
    %scan3A_112 = arith.constant 1 : i32
    %scan3A_113 = scf.for %scan3A_324 = %scan3A_109 to %scan3A_111 step %scan3A_112 iter_args(%scan3A_325 = %scan3A_108) -> (i32)  : i32 {
      %mul3A_326 = arith.constant 16 : i32
      %mul3A_327 = arith.muli %scan3A_324, %mul3A_326 : i32
      %multiple_of3A_328 = tpu.assume_multiple %mul3A_327, 16 : i32
      %get3A_329 = arith.index_cast %multiple_of3A_328 : i32 to index
      %get3A_330 = tpu.vector_load %arg13[%get3A_329] {strides = array<i32>} : memref<640xf32, #tpu.memory_space<vmem>>, vector<16xf32>,
      %get3A_331 = arith.index_cast %multiple_of3A_328 : i32 to index
      %get3A_332 = tpu.vector_load %arg12[%get3A_331] {strides = array<i32>} : memref<640xf32, #tpu.memory_space<vmem>>, vector<16xf32>,
      %add3A_333 = arith.addf %get3A_330, %get3A_332 : vector<16xf32>
      %swap3A_334 = arith.index_cast %multiple_of3A_328 : i32 to index
      %swap3A_335 = tpu.vector_load %arg13[%swap3A_334] {strides = array<i32>} : memref<640xf32, #tpu.memory_space<vmem>>, vector<16xf32>,
      tpu.vector_store %arg13[%swap3A_334], %add3A_333 {strides = array<i32>} : memref<640xf32, #tpu.memory_space<vmem>>, vector<16xf32>,
      %scan3A_336 = arith.constant 0 : i32
      scf.yield %scan3A_336 : i32
    }
    %scan3A_114 = arith.constant 40 : i32
    %run_scoped3A_115 = arith.constant 11 : i32
    "tpu.region"() ({
      %run_scoped3A_324 = tpu.sem_alloc : memref<!tpu.dma_semaphore, #tpu.memory_space<semaphore_mem>>
      %dma_start3A_325 = tpu.memref_slice %arg20[%run_scoped3A_115, %multiple_of3A_34] : memref<16x10240xf32, #tpu.memory_space<vmem_shared>> -> memref<1x640xf32, #tpu.memory_space<vmem_shared>>
      %dma_start3A_326 = tpu.memref_squeeze %dma_start3A_325 : memref<1x640xf32, #tpu.memory_space<vmem_shared>> -> memref<640xf32, #tpu.memory_space<vmem_shared>>
      %dma_start3A_327 = tpu.memref_slice %arg20[%run_scoped3A_115, %multiple_of3A_34] : memref<16x10240xf32, #tpu.memory_space<vmem_shared>> -> memref<1x640xf32, #tpu.memory_space<vmem_shared>>
      %dma_start3A_328 = tpu.memref_squeeze %dma_start3A_327 : memref<1x640xf32, #tpu.memory_space<vmem_shared>> -> memref<640xf32, #tpu.memory_space<vmem_shared>>
      tpu.enqueue_dma source(%dma_start3A_328 : memref<640xf32, #tpu.memory_space<vmem_shared>>) target(%arg12 : memref<640xf32, #tpu.memory_space<vmem>>) target_semaphore(%run_scoped3A_324 : memref<!tpu.dma_semaphore, #tpu.memory_space<semaphore_mem>>)
      %dma_wait3A = tpu.memref_slice %arg20[%run_scoped3A_115, %multiple_of3A_34] : memref<16x10240xf32, #tpu.memory_space<vmem_shared>> -> memref<1x640xf32, #tpu.memory_space<vmem_shared>>
      %dma_wait3A_329 = tpu.memref_squeeze %dma_wait3A : memref<1x640xf32, #tpu.memory_space<vmem_shared>> -> memref<640xf32, #tpu.memory_space<vmem_shared>>
      %dma_wait3A_330 = tpu.memref_slice %arg20[%run_scoped3A_115, %multiple_of3A_34] : memref<16x10240xf32, #tpu.memory_space<vmem_shared>> -> memref<1x640xf32, #tpu.memory_space<vmem_shared>>
      %dma_wait3A_331 = tpu.memref_squeeze %dma_wait3A_330 : memref<1x640xf32, #tpu.memory_space<vmem_shared>> -> memref<640xf32, #tpu.memory_space<vmem_shared>>
      tpu.wait_dma2 semaphore(%run_scoped3A_324 : memref<!tpu.dma_semaphore, #tpu.memory_space<semaphore_mem>>) src(%dma_wait3A_331 : memref<640xf32, #tpu.memory_space<vmem_shared>>) dst(%arg12 : memref<640xf32, #tpu.memory_space<vmem>>)
      tpu.yield
    }) : () -> ()
    %scan3A_116 = arith.constant 0 : i32
    %scan3A_117 = arith.constant 0 : i32
    %scan3A_118 = arith.constant 40 : i32
    %scan3A_119 = arith.addi %scan3A_117, %scan3A_118 : i32
    %scan3A_120 = arith.constant 1 : i32
    %scan3A_121 = scf.for %scan3A_324 = %scan3A_117 to %scan3A_119 step %scan3A_120 iter_args(%scan3A_325 = %scan3A_116) -> (i32)  : i32 {
      %mul3A_326 = arith.constant 16 : i32
      %mul3A_327 = arith.muli %scan3A_324, %mul3A_326 : i32
      %multiple_of3A_328 = tpu.assume_multiple %mul3A_327, 16 : i32
      %get3A_329 = arith.index_cast %multiple_of3A_328 : i32 to index
      %get3A_330 = tpu.vector_load %arg13[%get3A_329] {strides = array<i32>} : memref<640xf32, #tpu.memory_space<vmem>>, vector<16xf32>,
      %get3A_331 = arith.index_cast %multiple_of3A_328 : i32 to index
      %get3A_332 = tpu.vector_load %arg12[%get3A_331] {strides = array<i32>} : memref<640xf32, #tpu.memory_space<vmem>>, vector<16xf32>,
      %add3A_333 = arith.addf %get3A_330, %get3A_332 : vector<16xf32>
      %swap3A_334 = arith.index_cast %multiple_of3A_328 : i32 to index
      %swap3A_335 = tpu.vector_load %arg13[%swap3A_334] {strides = array<i32>} : memref<640xf32, #tpu.memory_space<vmem>>, vector<16xf32>,
      tpu.vector_store %arg13[%swap3A_334], %add3A_333 {strides = array<i32>} : memref<640xf32, #tpu.memory_space<vmem>>, vector<16xf32>,
      %scan3A_336 = arith.constant 0 : i32
      scf.yield %scan3A_336 : i32
    }
    %scan3A_122 = arith.constant 40 : i32
    %run_scoped3A_123 = arith.constant 12 : i32
    "tpu.region"() ({
      %run_scoped3A_324 = tpu.sem_alloc : memref<!tpu.dma_semaphore, #tpu.memory_space<semaphore_mem>>
      %dma_start3A_325 = tpu.memref_slice %arg20[%run_scoped3A_123, %multiple_of3A_34] : memref<16x10240xf32, #tpu.memory_space<vmem_shared>> -> memref<1x640xf32, #tpu.memory_space<vmem_shared>>
      %dma_start3A_326 = tpu.memref_squeeze %dma_start3A_325 : memref<1x640xf32, #tpu.memory_space<vmem_shared>> -> memref<640xf32, #tpu.memory_space<vmem_shared>>
      %dma_start3A_327 = tpu.memref_slice %arg20[%run_scoped3A_123, %multiple_of3A_34] : memref<16x10240xf32, #tpu.memory_space<vmem_shared>> -> memref<1x640xf32, #tpu.memory_space<vmem_shared>>
      %dma_start3A_328 = tpu.memref_squeeze %dma_start3A_327 : memref<1x640xf32, #tpu.memory_space<vmem_shared>> -> memref<640xf32, #tpu.memory_space<vmem_shared>>
      tpu.enqueue_dma source(%dma_start3A_328 : memref<640xf32, #tpu.memory_space<vmem_shared>>) target(%arg12 : memref<640xf32, #tpu.memory_space<vmem>>) target_semaphore(%run_scoped3A_324 : memref<!tpu.dma_semaphore, #tpu.memory_space<semaphore_mem>>)
      %dma_wait3A = tpu.memref_slice %arg20[%run_scoped3A_123, %multiple_of3A_34] : memref<16x10240xf32, #tpu.memory_space<vmem_shared>> -> memref<1x640xf32, #tpu.memory_space<vmem_shared>>
      %dma_wait3A_329 = tpu.memref_squeeze %dma_wait3A : memref<1x640xf32, #tpu.memory_space<vmem_shared>> -> memref<640xf32, #tpu.memory_space<vmem_shared>>
      %dma_wait3A_330 = tpu.memref_slice %arg20[%run_scoped3A_123, %multiple_of3A_34] : memref<16x10240xf32, #tpu.memory_space<vmem_shared>> -> memref<1x640xf32, #tpu.memory_space<vmem_shared>>
      %dma_wait3A_331 = tpu.memref_squeeze %dma_wait3A_330 : memref<1x640xf32, #tpu.memory_space<vmem_shared>> -> memref<640xf32, #tpu.memory_space<vmem_shared>>
      tpu.wait_dma2 semaphore(%run_scoped3A_324 : memref<!tpu.dma_semaphore, #tpu.memory_space<semaphore_mem>>) src(%dma_wait3A_331 : memref<640xf32, #tpu.memory_space<vmem_shared>>) dst(%arg12 : memref<640xf32, #tpu.memory_space<vmem>>)
      tpu.yield
    }) : () -> ()
    %scan3A_124 = arith.constant 0 : i32
    %scan3A_125 = arith.constant 0 : i32
    %scan3A_126 = arith.constant 40 : i32
    %scan3A_127 = arith.addi %scan3A_125, %scan3A_126 : i32
    %scan3A_128 = arith.constant 1 : i32
    %scan3A_129 = scf.for %scan3A_324 = %scan3A_125 to %scan3A_127 step %scan3A_128 iter_args(%scan3A_325 = %scan3A_124) -> (i32)  : i32 {
      %mul3A_326 = arith.constant 16 : i32
      %mul3A_327 = arith.muli %scan3A_324, %mul3A_326 : i32
      %multiple_of3A_328 = tpu.assume_multiple %mul3A_327, 16 : i32
      %get3A_329 = arith.index_cast %multiple_of3A_328 : i32 to index
      %get3A_330 = tpu.vector_load %arg13[%get3A_329] {strides = array<i32>} : memref<640xf32, #tpu.memory_space<vmem>>, vector<16xf32>,
      %get3A_331 = arith.index_cast %multiple_of3A_328 : i32 to index
      %get3A_332 = tpu.vector_load %arg12[%get3A_331] {strides = array<i32>} : memref<640xf32, #tpu.memory_space<vmem>>, vector<16xf32>,
      %add3A_333 = arith.addf %get3A_330, %get3A_332 : vector<16xf32>
      %swap3A_334 = arith.index_cast %multiple_of3A_328 : i32 to index
      %swap3A_335 = tpu.vector_load %arg13[%swap3A_334] {strides = array<i32>} : memref<640xf32, #tpu.memory_space<vmem>>, vector<16xf32>,
      tpu.vector_store %arg13[%swap3A_334], %add3A_333 {strides = array<i32>} : memref<640xf32, #tpu.memory_space<vmem>>, vector<16xf32>,
      %scan3A_336 = arith.constant 0 : i32
      scf.yield %scan3A_336 : i32
    }
    %scan3A_130 = arith.constant 40 : i32
    %run_scoped3A_131 = arith.constant 13 : i32
    "tpu.region"() ({
      %run_scoped3A_324 = tpu.sem_alloc : memref<!tpu.dma_semaphore, #tpu.memory_space<semaphore_mem>>
      %dma_start3A_325 = tpu.memref_slice %arg20[%run_scoped3A_131, %multiple_of3A_34] : memref<16x10240xf32, #tpu.memory_space<vmem_shared>> -> memref<1x640xf32, #tpu.memory_space<vmem_shared>>
      %dma_start3A_326 = tpu.memref_squeeze %dma_start3A_325 : memref<1x640xf32, #tpu.memory_space<vmem_shared>> -> memref<640xf32, #tpu.memory_space<vmem_shared>>
      %dma_start3A_327 = tpu.memref_slice %arg20[%run_scoped3A_131, %multiple_of3A_34] : memref<16x10240xf32, #tpu.memory_space<vmem_shared>> -> memref<1x640xf32, #tpu.memory_space<vmem_shared>>
      %dma_start3A_328 = tpu.memref_squeeze %dma_start3A_327 : memref<1x640xf32, #tpu.memory_space<vmem_shared>> -> memref<640xf32, #tpu.memory_space<vmem_shared>>
      tpu.enqueue_dma source(%dma_start3A_328 : memref<640xf32, #tpu.memory_space<vmem_shared>>) target(%arg12 : memref<640xf32, #tpu.memory_space<vmem>>) target_semaphore(%run_scoped3A_324 : memref<!tpu.dma_semaphore, #tpu.memory_space<semaphore_mem>>)
      %dma_wait3A = tpu.memref_slice %arg20[%run_scoped3A_131, %multiple_of3A_34] : memref<16x10240xf32, #tpu.memory_space<vmem_shared>> -> memref<1x640xf32, #tpu.memory_space<vmem_shared>>
      %dma_wait3A_329 = tpu.memref_squeeze %dma_wait3A : memref<1x640xf32, #tpu.memory_space<vmem_shared>> -> memref<640xf32, #tpu.memory_space<vmem_shared>>
      %dma_wait3A_330 = tpu.memref_slice %arg20[%run_scoped3A_131, %multiple_of3A_34] : memref<16x10240xf32, #tpu.memory_space<vmem_shared>> -> memref<1x640xf32, #tpu.memory_space<vmem_shared>>
      %dma_wait3A_331 = tpu.memref_squeeze %dma_wait3A_330 : memref<1x640xf32, #tpu.memory_space<vmem_shared>> -> memref<640xf32, #tpu.memory_space<vmem_shared>>
      tpu.wait_dma2 semaphore(%run_scoped3A_324 : memref<!tpu.dma_semaphore, #tpu.memory_space<semaphore_mem>>) src(%dma_wait3A_331 : memref<640xf32, #tpu.memory_space<vmem_shared>>) dst(%arg12 : memref<640xf32, #tpu.memory_space<vmem>>)
      tpu.yield
    }) : () -> ()
    %scan3A_132 = arith.constant 0 : i32
    %scan3A_133 = arith.constant 0 : i32
    %scan3A_134 = arith.constant 40 : i32
    %scan3A_135 = arith.addi %scan3A_133, %scan3A_134 : i32
    %scan3A_136 = arith.constant 1 : i32
    %scan3A_137 = scf.for %scan3A_324 = %scan3A_133 to %scan3A_135 step %scan3A_136 iter_args(%scan3A_325 = %scan3A_132) -> (i32)  : i32 {
      %mul3A_326 = arith.constant 16 : i32
      %mul3A_327 = arith.muli %scan3A_324, %mul3A_326 : i32
      %multiple_of3A_328 = tpu.assume_multiple %mul3A_327, 16 : i32
      %get3A_329 = arith.index_cast %multiple_of3A_328 : i32 to index
      %get3A_330 = tpu.vector_load %arg13[%get3A_329] {strides = array<i32>} : memref<640xf32, #tpu.memory_space<vmem>>, vector<16xf32>,
      %get3A_331 = arith.index_cast %multiple_of3A_328 : i32 to index
      %get3A_332 = tpu.vector_load %arg12[%get3A_331] {strides = array<i32>} : memref<640xf32, #tpu.memory_space<vmem>>, vector<16xf32>,
      %add3A_333 = arith.addf %get3A_330, %get3A_332 : vector<16xf32>
      %swap3A_334 = arith.index_cast %multiple_of3A_328 : i32 to index
      %swap3A_335 = tpu.vector_load %arg13[%swap3A_334] {strides = array<i32>} : memref<640xf32, #tpu.memory_space<vmem>>, vector<16xf32>,
      tpu.vector_store %arg13[%swap3A_334], %add3A_333 {strides = array<i32>} : memref<640xf32, #tpu.memory_space<vmem>>, vector<16xf32>,
      %scan3A_336 = arith.constant 0 : i32
      scf.yield %scan3A_336 : i32
    }
    %scan3A_138 = arith.constant 40 : i32
    %run_scoped3A_139 = arith.constant 14 : i32
    "tpu.region"() ({
      %run_scoped3A_324 = tpu.sem_alloc : memref<!tpu.dma_semaphore, #tpu.memory_space<semaphore_mem>>
      %dma_start3A_325 = tpu.memref_slice %arg20[%run_scoped3A_139, %multiple_of3A_34] : memref<16x10240xf32, #tpu.memory_space<vmem_shared>> -> memref<1x640xf32, #tpu.memory_space<vmem_shared>>
      %dma_start3A_326 = tpu.memref_squeeze %dma_start3A_325 : memref<1x640xf32, #tpu.memory_space<vmem_shared>> -> memref<640xf32, #tpu.memory_space<vmem_shared>>
      %dma_start3A_327 = tpu.memref_slice %arg20[%run_scoped3A_139, %multiple_of3A_34] : memref<16x10240xf32, #tpu.memory_space<vmem_shared>> -> memref<1x640xf32, #tpu.memory_space<vmem_shared>>
      %dma_start3A_328 = tpu.memref_squeeze %dma_start3A_327 : memref<1x640xf32, #tpu.memory_space<vmem_shared>> -> memref<640xf32, #tpu.memory_space<vmem_shared>>
      tpu.enqueue_dma source(%dma_start3A_328 : memref<640xf32, #tpu.memory_space<vmem_shared>>) target(%arg12 : memref<640xf32, #tpu.memory_space<vmem>>) target_semaphore(%run_scoped3A_324 : memref<!tpu.dma_semaphore, #tpu.memory_space<semaphore_mem>>)
      %dma_wait3A = tpu.memref_slice %arg20[%run_scoped3A_139, %multiple_of3A_34] : memref<16x10240xf32, #tpu.memory_space<vmem_shared>> -> memref<1x640xf32, #tpu.memory_space<vmem_shared>>
      %dma_wait3A_329 = tpu.memref_squeeze %dma_wait3A : memref<1x640xf32, #tpu.memory_space<vmem_shared>> -> memref<640xf32, #tpu.memory_space<vmem_shared>>
      %dma_wait3A_330 = tpu.memref_slice %arg20[%run_scoped3A_139, %multiple_of3A_34] : memref<16x10240xf32, #tpu.memory_space<vmem_shared>> -> memref<1x640xf32, #tpu.memory_space<vmem_shared>>
      %dma_wait3A_331 = tpu.memref_squeeze %dma_wait3A_330 : memref<1x640xf32, #tpu.memory_space<vmem_shared>> -> memref<640xf32, #tpu.memory_space<vmem_shared>>
      tpu.wait_dma2 semaphore(%run_scoped3A_324 : memref<!tpu.dma_semaphore, #tpu.memory_space<semaphore_mem>>) src(%dma_wait3A_331 : memref<640xf32, #tpu.memory_space<vmem_shared>>) dst(%arg12 : memref<640xf32, #tpu.memory_space<vmem>>)
      tpu.yield
    }) : () -> ()
    %scan3A_140 = arith.constant 0 : i32
    %scan3A_141 = arith.constant 0 : i32
    %scan3A_142 = arith.constant 40 : i32
    %scan3A_143 = arith.addi %scan3A_141, %scan3A_142 : i32
    %scan3A_144 = arith.constant 1 : i32
    %scan3A_145 = scf.for %scan3A_324 = %scan3A_141 to %scan3A_143 step %scan3A_144 iter_args(%scan3A_325 = %scan3A_140) -> (i32)  : i32 {
      %mul3A_326 = arith.constant 16 : i32
      %mul3A_327 = arith.muli %scan3A_324, %mul3A_326 : i32
      %multiple_of3A_328 = tpu.assume_multiple %mul3A_327, 16 : i32
      %get3A_329 = arith.index_cast %multiple_of3A_328 : i32 to index
      %get3A_330 = tpu.vector_load %arg13[%get3A_329] {strides = array<i32>} : memref<640xf32, #tpu.memory_space<vmem>>, vector<16xf32>,
      %get3A_331 = arith.index_cast %multiple_of3A_328 : i32 to index
      %get3A_332 = tpu.vector_load %arg12[%get3A_331] {strides = array<i32>} : memref<640xf32, #tpu.memory_space<vmem>>, vector<16xf32>,
      %add3A_333 = arith.addf %get3A_330, %get3A_332 : vector<16xf32>
      %swap3A_334 = arith.index_cast %multiple_of3A_328 : i32 to index
      %swap3A_335 = tpu.vector_load %arg13[%swap3A_334] {strides = array<i32>} : memref<640xf32, #tpu.memory_space<vmem>>, vector<16xf32>,
      tpu.vector_store %arg13[%swap3A_334], %add3A_333 {strides = array<i32>} : memref<640xf32, #tpu.memory_space<vmem>>, vector<16xf32>,
      %scan3A_336 = arith.constant 0 : i32
      scf.yield %scan3A_336 : i32
    }
    %scan3A_146 = arith.constant 40 : i32
    %run_scoped3A_147 = arith.constant 15 : i32
    "tpu.region"() ({
      %run_scoped3A_324 = tpu.sem_alloc : memref<!tpu.dma_semaphore, #tpu.memory_space<semaphore_mem>>
      %dma_start3A_325 = tpu.memref_slice %arg20[%run_scoped3A_147, %multiple_of3A_34] : memref<16x10240xf32, #tpu.memory_space<vmem_shared>> -> memref<1x640xf32, #tpu.memory_space<vmem_shared>>
      %dma_start3A_326 = tpu.memref_squeeze %dma_start3A_325 : memref<1x640xf32, #tpu.memory_space<vmem_shared>> -> memref<640xf32, #tpu.memory_space<vmem_shared>>
      %dma_start3A_327 = tpu.memref_slice %arg20[%run_scoped3A_147, %multiple_of3A_34] : memref<16x10240xf32, #tpu.memory_space<vmem_shared>> -> memref<1x640xf32, #tpu.memory_space<vmem_shared>>
      %dma_start3A_328 = tpu.memref_squeeze %dma_start3A_327 : memref<1x640xf32, #tpu.memory_space<vmem_shared>> -> memref<640xf32, #tpu.memory_space<vmem_shared>>
      tpu.enqueue_dma source(%dma_start3A_328 : memref<640xf32, #tpu.memory_space<vmem_shared>>) target(%arg12 : memref<640xf32, #tpu.memory_space<vmem>>) target_semaphore(%run_scoped3A_324 : memref<!tpu.dma_semaphore, #tpu.memory_space<semaphore_mem>>)
      %dma_wait3A = tpu.memref_slice %arg20[%run_scoped3A_147, %multiple_of3A_34] : memref<16x10240xf32, #tpu.memory_space<vmem_shared>> -> memref<1x640xf32, #tpu.memory_space<vmem_shared>>
      %dma_wait3A_329 = tpu.memref_squeeze %dma_wait3A : memref<1x640xf32, #tpu.memory_space<vmem_shared>> -> memref<640xf32, #tpu.memory_space<vmem_shared>>
      %dma_wait3A_330 = tpu.memref_slice %arg20[%run_scoped3A_147, %multiple_of3A_34] : memref<16x10240xf32, #tpu.memory_space<vmem_shared>> -> memref<1x640xf32, #tpu.memory_space<vmem_shared>>
      %dma_wait3A_331 = tpu.memref_squeeze %dma_wait3A_330 : memref<1x640xf32, #tpu.memory_space<vmem_shared>> -> memref<640xf32, #tpu.memory_space<vmem_shared>>
      tpu.wait_dma2 semaphore(%run_scoped3A_324 : memref<!tpu.dma_semaphore, #tpu.memory_space<semaphore_mem>>) src(%dma_wait3A_331 : memref<640xf32, #tpu.memory_space<vmem_shared>>) dst(%arg12 : memref<640xf32, #tpu.memory_space<vmem>>)
      tpu.yield
    }) : () -> ()
    %scan3A_148 = arith.constant 0 : i32
    %scan3A_149 = arith.constant 0 : i32
    %scan3A_150 = arith.constant 40 : i32
    %scan3A_151 = arith.addi %scan3A_149, %scan3A_150 : i32
    %scan3A_152 = arith.constant 1 : i32
    %scan3A_153 = scf.for %scan3A_324 = %scan3A_149 to %scan3A_151 step %scan3A_152 iter_args(%scan3A_325 = %scan3A_148) -> (i32)  : i32 {
      %mul3A_326 = arith.constant 16 : i32
      %mul3A_327 = arith.muli %scan3A_324, %mul3A_326 : i32
      %multiple_of3A_328 = tpu.assume_multiple %mul3A_327, 16 : i32
      %get3A_329 = arith.index_cast %multiple_of3A_328 : i32 to index
      %get3A_330 = tpu.vector_load %arg13[%get3A_329] {strides = array<i32>} : memref<640xf32, #tpu.memory_space<vmem>>, vector<16xf32>,
      %get3A_331 = arith.index_cast %multiple_of3A_328 : i32 to index
      %get3A_332 = tpu.vector_load %arg12[%get3A_331] {strides = array<i32>} : memref<640xf32, #tpu.memory_space<vmem>>, vector<16xf32>,
      %add3A_333 = arith.addf %get3A_330, %get3A_332 : vector<16xf32>
      %swap3A_334 = arith.index_cast %multiple_of3A_328 : i32 to index
      %swap3A_335 = tpu.vector_load %arg13[%swap3A_334] {strides = array<i32>} : memref<640xf32, #tpu.memory_space<vmem>>, vector<16xf32>,
      tpu.vector_store %arg13[%swap3A_334], %add3A_333 {strides = array<i32>} : memref<640xf32, #tpu.memory_space<vmem>>, vector<16xf32>,
      %scan3A_336 = arith.constant 0 : i32
      scf.yield %scan3A_336 : i32
    }
    %scan3A_154 = arith.constant 40 : i32
    %scan3A_155 = arith.constant 0 : i32
    %scan3A_156 = arith.constant 0 : i32
    %scan3A_157 = arith.constant 40 : i32
    %scan3A_158 = arith.addi %scan3A_156, %scan3A_157 : i32
    %scan3A_159 = arith.constant 1 : i32
    %scan3A_160 = scf.for %scan3A_324 = %scan3A_156 to %scan3A_158 step %scan3A_159 iter_args(%scan3A_325 = %scan3A_155) -> (i32)  : i32 {
      %mul3A_326 = arith.constant 16 : i32
      %mul3A_327 = arith.muli %scan3A_324, %mul3A_326 : i32
      %multiple_of3A_328 = tpu.assume_multiple %mul3A_327, 16 : i32
      %get3A_329 = arith.index_cast %multiple_of3A_328 : i32 to index
      %get3A_330 = tpu.vector_load %arg13[%get3A_329] {strides = array<i32>} : memref<640xf32, #tpu.memory_space<vmem>>, vector<16xf32>,
      %max3A = arith.constant 1.000000e+00 : f32
      %max3A_331 = vector.broadcast %max3A : f32 to vector<16xf32>
      %max3A_332 = arith.maximumf %get3A_330, %max3A_331 : vector<16xf32>
      %div3A = arith.constant 1.000000e+00 : f32
      %div3A_333 = vector.broadcast %div3A : f32 to vector<16xf32>
      %div3A_334 = arith.divf %div3A_333, %max3A_332 : vector<16xf32>
      %swap3A_335 = arith.index_cast %multiple_of3A_328 : i32 to index
      %swap3A_336 = tpu.vector_load %arg13[%swap3A_335] {strides = array<i32>} : memref<640xf32, #tpu.memory_space<vmem>>, vector<16xf32>,
      tpu.vector_store %arg13[%swap3A_335], %div3A_334 {strides = array<i32>} : memref<640xf32, #tpu.memory_space<vmem>>, vector<16xf32>,
      %scan3A_337 = arith.constant 0 : i32
      scf.yield %scan3A_337 : i32
    }
    %scan3A_161 = arith.constant 40 : i32
    "tpu.region"() ({
      %run_scoped3A_324 = tpu.sem_alloc : memref<!tpu.dma_semaphore, #tpu.memory_space<semaphore_mem>>
      %dma_start3A_325 = tpu.memref_slice %arg19[%multiple_of3A_34] : memref<10240xf32, #tpu.memory_space<vmem_shared>> -> memref<640xf32, #tpu.memory_space<vmem_shared>>
      %dma_start3A_326 = tpu.memref_slice %arg19[%multiple_of3A_34] : memref<10240xf32, #tpu.memory_space<vmem_shared>> -> memref<640xf32, #tpu.memory_space<vmem_shared>>
      tpu.enqueue_dma source(%arg13 : memref<640xf32, #tpu.memory_space<vmem>>) target(%dma_start3A_326 : memref<640xf32, #tpu.memory_space<vmem_shared>>) target_semaphore(%run_scoped3A_324 : memref<!tpu.dma_semaphore, #tpu.memory_space<semaphore_mem>>)
      %dma_wait3A = tpu.memref_slice %arg19[%multiple_of3A_34] : memref<10240xf32, #tpu.memory_space<vmem_shared>> -> memref<640xf32, #tpu.memory_space<vmem_shared>>
      %dma_wait3A_327 = tpu.memref_slice %arg19[%multiple_of3A_34] : memref<10240xf32, #tpu.memory_space<vmem_shared>> -> memref<640xf32, #tpu.memory_space<vmem_shared>>
      tpu.wait_dma2 semaphore(%run_scoped3A_324 : memref<!tpu.dma_semaphore, #tpu.memory_space<semaphore_mem>>) src(%arg13 : memref<640xf32, #tpu.memory_space<vmem>>) dst(%dma_wait3A_327 : memref<640xf32, #tpu.memory_space<vmem_shared>>)
      tpu.yield
    }) : () -> ()
    %eq3A = arith.constant 0 : i32
    %eq3A_162 = arith.cmpi eq, %arg0, %eq3A : i32
    %convert_element_type3A = arith.extui %eq3A_162 : i1 to i32
    %cond3A = arith.constant 0 : i32
    %cond3A_163 = arith.cmpi ne, %convert_element_type3A, %cond3A : i32
    scf.if %cond3A_163 {
      "tpu.region"() ({
        %run_scoped3A_324 = tpu.sem_alloc : memref<!tpu.dma_semaphore, #tpu.memory_space<semaphore_mem>>
        %dma_start3A_325 = tpu.memref_slice %arg5[%multiple_of3A_34] : memref<10240xf32, #tpu.memory_space<hbm>> -> memref<640xf32, #tpu.memory_space<hbm>>
        %dma_start3A_326 = tpu.memref_slice %arg5[%multiple_of3A_34] : memref<10240xf32, #tpu.memory_space<hbm>> -> memref<640xf32, #tpu.memory_space<hbm>>
        tpu.enqueue_dma source(%arg13 : memref<640xf32, #tpu.memory_space<vmem>>) target(%dma_start3A_326 : memref<640xf32, #tpu.memory_space<hbm>>) target_semaphore(%run_scoped3A_324 : memref<!tpu.dma_semaphore, #tpu.memory_space<semaphore_mem>>)
        %dma_wait3A = tpu.memref_slice %arg5[%multiple_of3A_34] : memref<10240xf32, #tpu.memory_space<hbm>> -> memref<640xf32, #tpu.memory_space<hbm>>
        %dma_wait3A_327 = tpu.memref_slice %arg5[%multiple_of3A_34] : memref<10240xf32, #tpu.memory_space<hbm>> -> memref<640xf32, #tpu.memory_space<hbm>>
        tpu.wait_dma2 semaphore(%run_scoped3A_324 : memref<!tpu.dma_semaphore, #tpu.memory_space<semaphore_mem>>) src(%arg13 : memref<640xf32, #tpu.memory_space<vmem>>) dst(%dma_wait3A_327 : memref<640xf32, #tpu.memory_space<hbm>>)
        tpu.yield
      }) : () -> ()
    } else {
    }
    %barrier3A_164 = arith.constant 0 : index
    tpu.barrier barrier_id(%barrier3A_164)
    "tpu.region"() ({
      %run_scoped3A_324 = tpu.sem_alloc : memref<!tpu.dma_semaphore, #tpu.memory_space<semaphore_mem>>
      tpu.enqueue_dma source(%arg4 : memref<10240xi32, #tpu.memory_space<hbm>>) target(%arg14 : memref<10240xi32, #tpu.memory_space<vmem>>) target_semaphore(%run_scoped3A_324 : memref<!tpu.dma_semaphore, #tpu.memory_space<semaphore_mem>>)
      tpu.wait_dma2 semaphore(%run_scoped3A_324 : memref<!tpu.dma_semaphore, #tpu.memory_space<semaphore_mem>>) src(%arg4 : memref<10240xi32, #tpu.memory_space<hbm>>) dst(%arg14 : memref<10240xi32, #tpu.memory_space<vmem>>)
      tpu.yield
    }) : () -> ()
    "tpu.region"() ({
      %run_scoped3A_324 = tpu.sem_alloc : memref<!tpu.dma_semaphore, #tpu.memory_space<semaphore_mem>>
      tpu.enqueue_dma source(%arg19 : memref<10240xf32, #tpu.memory_space<vmem_shared>>) target(%arg15 : memref<10240xf32, #tpu.memory_space<vmem>>) target_semaphore(%run_scoped3A_324 : memref<!tpu.dma_semaphore, #tpu.memory_space<semaphore_mem>>)
      tpu.wait_dma2 semaphore(%run_scoped3A_324 : memref<!tpu.dma_semaphore, #tpu.memory_space<semaphore_mem>>) src(%arg19 : memref<10240xf32, #tpu.memory_space<vmem_shared>>) dst(%arg15 : memref<10240xf32, #tpu.memory_space<vmem>>)
      tpu.yield
    }) : () -> ()
    %mul3A_165 = arith.constant 1280 : i32
    %mul3A_166 = arith.muli %arg0, %mul3A_165 : i32
    %mul3A_167 = arith.constant 80 : i32
    %mul3A_168 = arith.muli %arg1, %mul3A_167 : i32
    %add3A_169 = arith.addi %mul3A_166, %mul3A_168 : i32
    %multiple_of3A_170 = tpu.assume_multiple %add3A_169, 8 : i32
    "tpu.region"() ({
      %run_scoped3A_324 = tpu.sem_alloc : memref<!tpu.dma_semaphore, #tpu.memory_space<semaphore_mem>>
      %dma_start3A_325 = arith.constant 0 : i32
      %dma_start3A_326 = tpu.memref_slice %arg2[%multiple_of3A_170, %dma_start3A_325] : memref<2560x128xi32, #tpu.memory_space<hbm>> -> memref<80x128xi32, #tpu.memory_space<hbm>>
      %dma_start3A_327 = arith.constant 0 : i32
      %dma_start3A_328 = tpu.memref_slice %arg2[%multiple_of3A_170, %dma_start3A_327] : memref<2560x128xi32, #tpu.memory_space<hbm>> -> memref<80x128xi32, #tpu.memory_space<hbm>>
      tpu.enqueue_dma source(%dma_start3A_328 : memref<80x128xi32, #tpu.memory_space<hbm>>) target(%arg10 : memref<80x128xi32, #tpu.memory_space<vmem>>) target_semaphore(%run_scoped3A_324 : memref<!tpu.dma_semaphore, #tpu.memory_space<semaphore_mem>>)
      %dma_wait3A = arith.constant 0 : i32
      %dma_wait3A_329 = tpu.memref_slice %arg2[%multiple_of3A_170, %dma_wait3A] : memref<2560x128xi32, #tpu.memory_space<hbm>> -> memref<80x128xi32, #tpu.memory_space<hbm>>
      %dma_wait3A_330 = arith.constant 0 : i32
      %dma_wait3A_331 = tpu.memref_slice %arg2[%multiple_of3A_170, %dma_wait3A_330] : memref<2560x128xi32, #tpu.memory_space<hbm>> -> memref<80x128xi32, #tpu.memory_space<hbm>>
      tpu.wait_dma2 semaphore(%run_scoped3A_324 : memref<!tpu.dma_semaphore, #tpu.memory_space<semaphore_mem>>) src(%dma_wait3A_331 : memref<80x128xi32, #tpu.memory_space<hbm>>) dst(%arg10 : memref<80x128xi32, #tpu.memory_space<vmem>>)
      tpu.yield
    }) : () -> ()
    "tpu.region"() ({
      %run_scoped3A_324 = tpu.sem_alloc : memref<!tpu.dma_semaphore, #tpu.memory_space<semaphore_mem>>
      %dma_start3A_325 = arith.constant 0 : i32
      %dma_start3A_326 = tpu.memref_slice %arg3[%multiple_of3A_170, %dma_start3A_325] : memref<2560x128xi32, #tpu.memory_space<hbm>> -> memref<80x128xi32, #tpu.memory_space<hbm>>
      %dma_start3A_327 = arith.constant 0 : i32
      %dma_start3A_328 = tpu.memref_slice %arg3[%multiple_of3A_170, %dma_start3A_327] : memref<2560x128xi32, #tpu.memory_space<hbm>> -> memref<80x128xi32, #tpu.memory_space<hbm>>
      tpu.enqueue_dma source(%dma_start3A_328 : memref<80x128xi32, #tpu.memory_space<hbm>>) target(%arg9 : memref<80x128xi32, #tpu.memory_space<vmem>>) target_semaphore(%run_scoped3A_324 : memref<!tpu.dma_semaphore, #tpu.memory_space<semaphore_mem>>)
      %dma_wait3A = arith.constant 0 : i32
      %dma_wait3A_329 = tpu.memref_slice %arg3[%multiple_of3A_170, %dma_wait3A] : memref<2560x128xi32, #tpu.memory_space<hbm>> -> memref<80x128xi32, #tpu.memory_space<hbm>>
      %dma_wait3A_330 = arith.constant 0 : i32
      %dma_wait3A_331 = tpu.memref_slice %arg3[%multiple_of3A_170, %dma_wait3A_330] : memref<2560x128xi32, #tpu.memory_space<hbm>> -> memref<80x128xi32, #tpu.memory_space<hbm>>
      tpu.wait_dma2 semaphore(%run_scoped3A_324 : memref<!tpu.dma_semaphore, #tpu.memory_space<semaphore_mem>>) src(%dma_wait3A_331 : memref<80x128xi32, #tpu.memory_space<hbm>>) dst(%arg9 : memref<80x128xi32, #tpu.memory_space<vmem>>)
      tpu.yield
    }) : () -> ()
    %get3A = arith.constant 0 : i32
    %get3A_171 = arith.index_cast %get3A : i32 to index
    %get3A_172 = arith.constant 0 : index
    %get3A_173 = tpu.vector_load %arg9[%get3A_171, %get3A_172] {strides = array<i32>} : memref<80x128xi32, #tpu.memory_space<vmem>>, vector<16xi32>,
    %get3A_174 = arith.constant 0 : i32
    %get3A_175 = arith.index_cast %get3A_174 : i32 to index
    %get3A_176 = arith.constant 0 : index
    %get3A_177 = tpu.vector_load %arg10[%get3A_175, %get3A_176] {strides = array<i32>} : memref<80x128xi32, #tpu.memory_space<vmem>>, vector<16xi32>,
    %gather3A = tpu.vector_load_idx %arg14[%get3A_173] : memref<10240xi32, #tpu.memory_space<vmem>>[vector<16xi32>], vector<16xi32>,
    %gather3A_178 = tpu.vector_load_idx %arg15[%get3A_173] : memref<10240xf32, #tpu.memory_space<vmem>>[vector<16xi32>], vector<16xf32>,
    %mul3A_179 = arith.constant 10240 : i32
    %mul3A_180 = vector.broadcast %mul3A_179 : i32 to vector<16xi32>
    %mul3A_181 = arith.muli %gather3A, %mul3A_180 : vector<16xi32>
    %add3A_182 = arith.addi %mul3A_181, %get3A_177 : vector<16xi32>
    %swap3A = arith.constant 0 : index
    %swap3A_183 = tpu.vector_load %arg8[%swap3A] {strides = array<i32>} : memref<128xi32, #tpu.memory_space<vmem>>, vector<16xi32>,
    tpu.vector_store %arg8[%swap3A], %add3A_182 {strides = array<i32>} : memref<128xi32, #tpu.memory_space<vmem>>, vector<16xi32>,
    %swap3A_184 = arith.constant 0 : index
    %swap3A_185 = tpu.vector_load %arg11[%swap3A_184] {strides = array<i32>} : memref<128xf32, #tpu.memory_space<vmem>>, vector<16xf32>,
    tpu.vector_store %arg11[%swap3A_184], %gather3A_178 {strides = array<i32>} : memref<128xf32, #tpu.memory_space<vmem>>, vector<16xf32>,
    %get3A_186 = arith.constant 0 : i32
    %get3A_187 = arith.index_cast %get3A_186 : i32 to index
    %get3A_188 = arith.constant 16 : index
    %get3A_189 = tpu.vector_load %arg9[%get3A_187, %get3A_188] {strides = array<i32>} : memref<80x128xi32, #tpu.memory_space<vmem>>, vector<16xi32>,
    %get3A_190 = arith.constant 0 : i32
    %get3A_191 = arith.index_cast %get3A_190 : i32 to index
    %get3A_192 = arith.constant 16 : index
    %get3A_193 = tpu.vector_load %arg10[%get3A_191, %get3A_192] {strides = array<i32>} : memref<80x128xi32, #tpu.memory_space<vmem>>, vector<16xi32>,
    %gather3A_194 = tpu.vector_load_idx %arg14[%get3A_189] : memref<10240xi32, #tpu.memory_space<vmem>>[vector<16xi32>], vector<16xi32>,
    %gather3A_195 = tpu.vector_load_idx %arg15[%get3A_189] : memref<10240xf32, #tpu.memory_space<vmem>>[vector<16xi32>], vector<16xf32>,
    %mul3A_196 = arith.constant 10240 : i32
    %mul3A_197 = vector.broadcast %mul3A_196 : i32 to vector<16xi32>
    %mul3A_198 = arith.muli %gather3A_194, %mul3A_197 : vector<16xi32>
    %add3A_199 = arith.addi %mul3A_198, %get3A_193 : vector<16xi32>
    %swap3A_200 = arith.constant 16 : index
    %swap3A_201 = tpu.vector_load %arg8[%swap3A_200] {strides = array<i32>} : memref<128xi32, #tpu.memory_space<vmem>>, vector<16xi32>,
    tpu.vector_store %arg8[%swap3A_200], %add3A_199 {strides = array<i32>} : memref<128xi32, #tpu.memory_space<vmem>>, vector<16xi32>,
    %swap3A_202 = arith.constant 16 : index
    %swap3A_203 = tpu.vector_load %arg11[%swap3A_202] {strides = array<i32>} : memref<128xf32, #tpu.memory_space<vmem>>, vector<16xf32>,
    tpu.vector_store %arg11[%swap3A_202], %gather3A_195 {strides = array<i32>} : memref<128xf32, #tpu.memory_space<vmem>>, vector<16xf32>,
    %get3A_204 = arith.constant 0 : i32
    %get3A_205 = arith.index_cast %get3A_204 : i32 to index
    %get3A_206 = arith.constant 32 : index
    %get3A_207 = tpu.vector_load %arg9[%get3A_205, %get3A_206] {strides = array<i32>} : memref<80x128xi32, #tpu.memory_space<vmem>>, vector<16xi32>,
    %get3A_208 = arith.constant 0 : i32
    %get3A_209 = arith.index_cast %get3A_208 : i32 to index
    %get3A_210 = arith.constant 32 : index
    %get3A_211 = tpu.vector_load %arg10[%get3A_209, %get3A_210] {strides = array<i32>} : memref<80x128xi32, #tpu.memory_space<vmem>>, vector<16xi32>,
    %gather3A_212 = tpu.vector_load_idx %arg14[%get3A_207] : memref<10240xi32, #tpu.memory_space<vmem>>[vector<16xi32>], vector<16xi32>,
    %gather3A_213 = tpu.vector_load_idx %arg15[%get3A_207] : memref<10240xf32, #tpu.memory_space<vmem>>[vector<16xi32>], vector<16xf32>,
    %mul3A_214 = arith.constant 10240 : i32
    %mul3A_215 = vector.broadcast %mul3A_214 : i32 to vector<16xi32>
    %mul3A_216 = arith.muli %gather3A_212, %mul3A_215 : vector<16xi32>
    %add3A_217 = arith.addi %mul3A_216, %get3A_211 : vector<16xi32>
    %swap3A_218 = arith.constant 32 : index
    %swap3A_219 = tpu.vector_load %arg8[%swap3A_218] {strides = array<i32>} : memref<128xi32, #tpu.memory_space<vmem>>, vector<16xi32>,
    tpu.vector_store %arg8[%swap3A_218], %add3A_217 {strides = array<i32>} : memref<128xi32, #tpu.memory_space<vmem>>, vector<16xi32>,
    %swap3A_220 = arith.constant 32 : index
    %swap3A_221 = tpu.vector_load %arg11[%swap3A_220] {strides = array<i32>} : memref<128xf32, #tpu.memory_space<vmem>>, vector<16xf32>,
    tpu.vector_store %arg11[%swap3A_220], %gather3A_213 {strides = array<i32>} : memref<128xf32, #tpu.memory_space<vmem>>, vector<16xf32>,
    %get3A_222 = arith.constant 0 : i32
    %get3A_223 = arith.index_cast %get3A_222 : i32 to index
    %get3A_224 = arith.constant 48 : index
    %get3A_225 = tpu.vector_load %arg9[%get3A_223, %get3A_224] {strides = array<i32>} : memref<80x128xi32, #tpu.memory_space<vmem>>, vector<16xi32>,
    %get3A_226 = arith.constant 0 : i32
    %get3A_227 = arith.index_cast %get3A_226 : i32 to index
    %get3A_228 = arith.constant 48 : index
    %get3A_229 = tpu.vector_load %arg10[%get3A_227, %get3A_228] {strides = array<i32>} : memref<80x128xi32, #tpu.memory_space<vmem>>, vector<16xi32>,
    %gather3A_230 = tpu.vector_load_idx %arg14[%get3A_225] : memref<10240xi32, #tpu.memory_space<vmem>>[vector<16xi32>], vector<16xi32>,
    %gather3A_231 = tpu.vector_load_idx %arg15[%get3A_225] : memref<10240xf32, #tpu.memory_space<vmem>>[vector<16xi32>], vector<16xf32>,
    %mul3A_232 = arith.constant 10240 : i32
    %mul3A_233 = vector.broadcast %mul3A_232 : i32 to vector<16xi32>
    %mul3A_234 = arith.muli %gather3A_230, %mul3A_233 : vector<16xi32>
    %add3A_235 = arith.addi %mul3A_234, %get3A_229 : vector<16xi32>
    %swap3A_236 = arith.constant 48 : index
    %swap3A_237 = tpu.vector_load %arg8[%swap3A_236] {strides = array<i32>} : memref<128xi32, #tpu.memory_space<vmem>>, vector<16xi32>,
    tpu.vector_store %arg8[%swap3A_236], %add3A_235 {strides = array<i32>} : memref<128xi32, #tpu.memory_space<vmem>>, vector<16xi32>,
    %swap3A_238 = arith.constant 48 : index
    %swap3A_239 = tpu.vector_load %arg11[%swap3A_238] {strides = array<i32>} : memref<128xf32, #tpu.memory_space<vmem>>, vector<16xf32>,
    tpu.vector_store %arg11[%swap3A_238], %gather3A_231 {strides = array<i32>} : memref<128xf32, #tpu.memory_space<vmem>>, vector<16xf32>,
    %get3A_240 = arith.constant 0 : i32
    %get3A_241 = arith.index_cast %get3A_240 : i32 to index
    %get3A_242 = arith.constant 64 : index
    %get3A_243 = tpu.vector_load %arg9[%get3A_241, %get3A_242] {strides = array<i32>} : memref<80x128xi32, #tpu.memory_space<vmem>>, vector<16xi32>,
    %get3A_244 = arith.constant 0 : i32
    %get3A_245 = arith.index_cast %get3A_244 : i32 to index
    %get3A_246 = arith.constant 64 : index
    %get3A_247 = tpu.vector_load %arg10[%get3A_245, %get3A_246] {strides = array<i32>} : memref<80x128xi32, #tpu.memory_space<vmem>>, vector<16xi32>,
    %gather3A_248 = tpu.vector_load_idx %arg14[%get3A_243] : memref<10240xi32, #tpu.memory_space<vmem>>[vector<16xi32>], vector<16xi32>,
    %gather3A_249 = tpu.vector_load_idx %arg15[%get3A_243] : memref<10240xf32, #tpu.memory_space<vmem>>[vector<16xi32>], vector<16xf32>,
    %mul3A_250 = arith.constant 10240 : i32
    %mul3A_251 = vector.broadcast %mul3A_250 : i32 to vector<16xi32>
    %mul3A_252 = arith.muli %gather3A_248, %mul3A_251 : vector<16xi32>
    %add3A_253 = arith.addi %mul3A_252, %get3A_247 : vector<16xi32>
    %swap3A_254 = arith.constant 64 : index
    %swap3A_255 = tpu.vector_load %arg8[%swap3A_254] {strides = array<i32>} : memref<128xi32, #tpu.memory_space<vmem>>, vector<16xi32>,
    tpu.vector_store %arg8[%swap3A_254], %add3A_253 {strides = array<i32>} : memref<128xi32, #tpu.memory_space<vmem>>, vector<16xi32>,
    %swap3A_256 = arith.constant 64 : index
    %swap3A_257 = tpu.vector_load %arg11[%swap3A_256] {strides = array<i32>} : memref<128xf32, #tpu.memory_space<vmem>>, vector<16xf32>,
    tpu.vector_store %arg11[%swap3A_256], %gather3A_249 {strides = array<i32>} : memref<128xf32, #tpu.memory_space<vmem>>, vector<16xf32>,
    %get3A_258 = arith.constant 0 : i32
    %get3A_259 = arith.index_cast %get3A_258 : i32 to index
    %get3A_260 = arith.constant 80 : index
    %get3A_261 = tpu.vector_load %arg9[%get3A_259, %get3A_260] {strides = array<i32>} : memref<80x128xi32, #tpu.memory_space<vmem>>, vector<16xi32>,
    %get3A_262 = arith.constant 0 : i32
    %get3A_263 = arith.index_cast %get3A_262 : i32 to index
    %get3A_264 = arith.constant 80 : index
    %get3A_265 = tpu.vector_load %arg10[%get3A_263, %get3A_264] {strides = array<i32>} : memref<80x128xi32, #tpu.memory_space<vmem>>, vector<16xi32>,
    %gather3A_266 = tpu.vector_load_idx %arg14[%get3A_261] : memref<10240xi32, #tpu.memory_space<vmem>>[vector<16xi32>], vector<16xi32>,
    %gather3A_267 = tpu.vector_load_idx %arg15[%get3A_261] : memref<10240xf32, #tpu.memory_space<vmem>>[vector<16xi32>], vector<16xf32>,
    %mul3A_268 = arith.constant 10240 : i32
    %mul3A_269 = vector.broadcast %mul3A_268 : i32 to vector<16xi32>
    %mul3A_270 = arith.muli %gather3A_266, %mul3A_269 : vector<16xi32>
    %add3A_271 = arith.addi %mul3A_270, %get3A_265 : vector<16xi32>
    %swap3A_272 = arith.constant 80 : index
    %swap3A_273 = tpu.vector_load %arg8[%swap3A_272] {strides = array<i32>} : memref<128xi32, #tpu.memory_space<vmem>>, vector<16xi32>,
    tpu.vector_store %arg8[%swap3A_272], %add3A_271 {strides = array<i32>} : memref<128xi32, #tpu.memory_space<vmem>>, vector<16xi32>,
    %swap3A_274 = arith.constant 80 : index
    %swap3A_275 = tpu.vector_load %arg11[%swap3A_274] {strides = array<i32>} : memref<128xf32, #tpu.memory_space<vmem>>, vector<16xf32>,
    tpu.vector_store %arg11[%swap3A_274], %gather3A_267 {strides = array<i32>} : memref<128xf32, #tpu.memory_space<vmem>>, vector<16xf32>,
    %get3A_276 = arith.constant 0 : i32
    %get3A_277 = arith.index_cast %get3A_276 : i32 to index
    %get3A_278 = arith.constant 96 : index
    %get3A_279 = tpu.vector_load %arg9[%get3A_277, %get3A_278] {strides = array<i32>} : memref<80x128xi32, #tpu.memory_space<vmem>>, vector<16xi32>,
    %get3A_280 = arith.constant 0 : i32
    %get3A_281 = arith.index_cast %get3A_280 : i32 to index
    %get3A_282 = arith.constant 96 : index
    %get3A_283 = tpu.vector_load %arg10[%get3A_281, %get3A_282] {strides = array<i32>} : memref<80x128xi32, #tpu.memory_space<vmem>>, vector<16xi32>,
    %gather3A_284 = tpu.vector_load_idx %arg14[%get3A_279] : memref<10240xi32, #tpu.memory_space<vmem>>[vector<16xi32>], vector<16xi32>,
    %gather3A_285 = tpu.vector_load_idx %arg15[%get3A_279] : memref<10240xf32, #tpu.memory_space<vmem>>[vector<16xi32>], vector<16xf32>,
    %mul3A_286 = arith.constant 10240 : i32
    %mul3A_287 = vector.broadcast %mul3A_286 : i32 to vector<16xi32>
    %mul3A_288 = arith.muli %gather3A_284, %mul3A_287 : vector<16xi32>
    %add3A_289 = arith.addi %mul3A_288, %get3A_283 : vector<16xi32>
    %swap3A_290 = arith.constant 96 : index
    %swap3A_291 = tpu.vector_load %arg8[%swap3A_290] {strides = array<i32>} : memref<128xi32, #tpu.memory_space<vmem>>, vector<16xi32>,
    tpu.vector_store %arg8[%swap3A_290], %add3A_289 {strides = array<i32>} : memref<128xi32, #tpu.memory_space<vmem>>, vector<16xi32>,
    %swap3A_292 = arith.constant 96 : index
    %swap3A_293 = tpu.vector_load %arg11[%swap3A_292] {strides = array<i32>} : memref<128xf32, #tpu.memory_space<vmem>>, vector<16xf32>,
    tpu.vector_store %arg11[%swap3A_292], %gather3A_285 {strides = array<i32>} : memref<128xf32, #tpu.memory_space<vmem>>, vector<16xf32>,
    %get3A_294 = arith.constant 0 : i32
    %get3A_295 = arith.index_cast %get3A_294 : i32 to index
    %get3A_296 = arith.constant 112 : index
    %get3A_297 = tpu.vector_load %arg9[%get3A_295, %get3A_296] {strides = array<i32>} : memref<80x128xi32, #tpu.memory_space<vmem>>, vector<16xi32>,
    %get3A_298 = arith.constant 0 : i32
    %get3A_299 = arith.index_cast %get3A_298 : i32 to index
    %get3A_300 = arith.constant 112 : index
    %get3A_301 = tpu.vector_load %arg10[%get3A_299, %get3A_300] {strides = array<i32>} : memref<80x128xi32, #tpu.memory_space<vmem>>, vector<16xi32>,
    %gather3A_302 = tpu.vector_load_idx %arg14[%get3A_297] : memref<10240xi32, #tpu.memory_space<vmem>>[vector<16xi32>], vector<16xi32>,
    %gather3A_303 = tpu.vector_load_idx %arg15[%get3A_297] : memref<10240xf32, #tpu.memory_space<vmem>>[vector<16xi32>], vector<16xf32>,
    %mul3A_304 = arith.constant 10240 : i32
    %mul3A_305 = vector.broadcast %mul3A_304 : i32 to vector<16xi32>
    %mul3A_306 = arith.muli %gather3A_302, %mul3A_305 : vector<16xi32>
    %add3A_307 = arith.addi %mul3A_306, %get3A_301 : vector<16xi32>
    %swap3A_308 = arith.constant 112 : index
    %swap3A_309 = tpu.vector_load %arg8[%swap3A_308] {strides = array<i32>} : memref<128xi32, #tpu.memory_space<vmem>>, vector<16xi32>,
    tpu.vector_store %arg8[%swap3A_308], %add3A_307 {strides = array<i32>} : memref<128xi32, #tpu.memory_space<vmem>>, vector<16xi32>,
    %swap3A_310 = arith.constant 112 : index
    %swap3A_311 = tpu.vector_load %arg11[%swap3A_310] {strides = array<i32>} : memref<128xf32, #tpu.memory_space<vmem>>, vector<16xf32>,
    tpu.vector_store %arg11[%swap3A_310], %gather3A_303 {strides = array<i32>} : memref<128xf32, #tpu.memory_space<vmem>>, vector<16xf32>,
    %dma_start3A = arith.constant 0 : i32
    %dma_start3A_312 = tpu.memref_slice %arg21[%dma_start3A] : memref<665600xf32, #tpu.memory_space<vmem_shared>> -> memref<665600xf32, #tpu.memory_space<vmem_shared>>
    tpu.enqueue_indirect_dma source(%arg11 : memref<128xf32, #tpu.memory_space<vmem>>) target(%dma_start3A_312 : memref<665600xf32, #tpu.memory_space<vmem_shared>>) offsets(%arg8 : memref<128xi32, #tpu.memory_space<vmem>>) semaphore(%arg22 : memref<!tpu.dma_semaphore, #tpu.memory_space<semaphore_mem>>) {add = true}
    %scan3A_313 = arith.constant 0 : i32
    %scan3A_314 = arith.constant 0 : i32
    %scan3A_315 = arith.constant 40 : i32
    %scan3A_316 = arith.addi %scan3A_314, %scan3A_315 : i32
    %scan3A_317 = arith.constant 1 : i32
    %scan3A_318 = scf.for %scan3A_324 = %scan3A_314 to %scan3A_316 step %scan3A_317 iter_args(%scan3A_325 = %scan3A_313) -> (i32)  : i32 {
      %mul3A_326 = arith.constant 2 : i32
      %mul3A_327 = arith.muli %scan3A_324, %mul3A_326 : i32
      %add3A_328 = arith.constant 1 : i32
      %add3A_329 = arith.addi %mul3A_327, %add3A_328 : i32
      %get3A_330 = arith.index_cast %add3A_329 : i32 to index
      %get3A_331 = arith.constant 0 : index
      %get3A_332 = tpu.vector_load %arg9[%get3A_330, %get3A_331] {strides = array<i32>} : memref<80x128xi32, #tpu.memory_space<vmem>>, vector<16xi32>,
      %get3A_333 = arith.index_cast %add3A_329 : i32 to index
      %get3A_334 = arith.constant 0 : index
      %get3A_335 = tpu.vector_load %arg10[%get3A_333, %get3A_334] {strides = array<i32>} : memref<80x128xi32, #tpu.memory_space<vmem>>, vector<16xi32>,
      %gather3A_336 = tpu.vector_load_idx %arg14[%get3A_332] : memref<10240xi32, #tpu.memory_space<vmem>>[vector<16xi32>], vector<16xi32>,
      %gather3A_337 = tpu.vector_load_idx %arg15[%get3A_332] : memref<10240xf32, #tpu.memory_space<vmem>>[vector<16xi32>], vector<16xf32>,
      %mul3A_338 = arith.constant 10240 : i32
      %mul3A_339 = vector.broadcast %mul3A_338 : i32 to vector<16xi32>
      %mul3A_340 = arith.muli %gather3A_336, %mul3A_339 : vector<16xi32>
      %add3A_341 = arith.addi %mul3A_340, %get3A_335 : vector<16xi32>
      %swap3A_342 = arith.constant 0 : index
      %swap3A_343 = tpu.vector_load %arg16[%swap3A_342] {strides = array<i32>} : memref<128xi32, #tpu.memory_space<vmem>>, vector<16xi32>,
      tpu.vector_store %arg16[%swap3A_342], %add3A_341 {strides = array<i32>} : memref<128xi32, #tpu.memory_space<vmem>>, vector<16xi32>,
      %swap3A_344 = arith.constant 0 : index
      %swap3A_345 = tpu.vector_load %arg17[%swap3A_344] {strides = array<i32>} : memref<128xf32, #tpu.memory_space<vmem>>, vector<16xf32>,
      tpu.vector_store %arg17[%swap3A_344], %gather3A_337 {strides = array<i32>} : memref<128xf32, #tpu.memory_space<vmem>>, vector<16xf32>,
      %get3A_346 = arith.index_cast %add3A_329 : i32 to index
      %get3A_347 = arith.constant 16 : index
      %get3A_348 = tpu.vector_load %arg9[%get3A_346, %get3A_347] {strides = array<i32>} : memref<80x128xi32, #tpu.memory_space<vmem>>, vector<16xi32>,
      %get3A_349 = arith.index_cast %add3A_329 : i32 to index
      %get3A_350 = arith.constant 16 : index
      %get3A_351 = tpu.vector_load %arg10[%get3A_349, %get3A_350] {strides = array<i32>} : memref<80x128xi32, #tpu.memory_space<vmem>>, vector<16xi32>,
      %gather3A_352 = tpu.vector_load_idx %arg14[%get3A_348] : memref<10240xi32, #tpu.memory_space<vmem>>[vector<16xi32>], vector<16xi32>,
      %gather3A_353 = tpu.vector_load_idx %arg15[%get3A_348] : memref<10240xf32, #tpu.memory_space<vmem>>[vector<16xi32>], vector<16xf32>,
      %mul3A_354 = arith.constant 10240 : i32
      %mul3A_355 = vector.broadcast %mul3A_354 : i32 to vector<16xi32>
      %mul3A_356 = arith.muli %gather3A_352, %mul3A_355 : vector<16xi32>
      %add3A_357 = arith.addi %mul3A_356, %get3A_351 : vector<16xi32>
      %swap3A_358 = arith.constant 16 : index
      %swap3A_359 = tpu.vector_load %arg16[%swap3A_358] {strides = array<i32>} : memref<128xi32, #tpu.memory_space<vmem>>, vector<16xi32>,
      tpu.vector_store %arg16[%swap3A_358], %add3A_357 {strides = array<i32>} : memref<128xi32, #tpu.memory_space<vmem>>, vector<16xi32>,
      %swap3A_360 = arith.constant 16 : index
      %swap3A_361 = tpu.vector_load %arg17[%swap3A_360] {strides = array<i32>} : memref<128xf32, #tpu.memory_space<vmem>>, vector<16xf32>,
      tpu.vector_store %arg17[%swap3A_360], %gather3A_353 {strides = array<i32>} : memref<128xf32, #tpu.memory_space<vmem>>, vector<16xf32>,
      %get3A_362 = arith.index_cast %add3A_329 : i32 to index
      %get3A_363 = arith.constant 32 : index
      %get3A_364 = tpu.vector_load %arg9[%get3A_362, %get3A_363] {strides = array<i32>} : memref<80x128xi32, #tpu.memory_space<vmem>>, vector<16xi32>,
      %get3A_365 = arith.index_cast %add3A_329 : i32 to index
      %get3A_366 = arith.constant 32 : index
      %get3A_367 = tpu.vector_load %arg10[%get3A_365, %get3A_366] {strides = array<i32>} : memref<80x128xi32, #tpu.memory_space<vmem>>, vector<16xi32>,
      %gather3A_368 = tpu.vector_load_idx %arg14[%get3A_364] : memref<10240xi32, #tpu.memory_space<vmem>>[vector<16xi32>], vector<16xi32>,
      %gather3A_369 = tpu.vector_load_idx %arg15[%get3A_364] : memref<10240xf32, #tpu.memory_space<vmem>>[vector<16xi32>], vector<16xf32>,
      %mul3A_370 = arith.constant 10240 : i32
      %mul3A_371 = vector.broadcast %mul3A_370 : i32 to vector<16xi32>
      %mul3A_372 = arith.muli %gather3A_368, %mul3A_371 : vector<16xi32>
      %add3A_373 = arith.addi %mul3A_372, %get3A_367 : vector<16xi32>
      %swap3A_374 = arith.constant 32 : index
      %swap3A_375 = tpu.vector_load %arg16[%swap3A_374] {strides = array<i32>} : memref<128xi32, #tpu.memory_space<vmem>>, vector<16xi32>,
      tpu.vector_store %arg16[%swap3A_374], %add3A_373 {strides = array<i32>} : memref<128xi32, #tpu.memory_space<vmem>>, vector<16xi32>,
      %swap3A_376 = arith.constant 32 : index
      %swap3A_377 = tpu.vector_load %arg17[%swap3A_376] {strides = array<i32>} : memref<128xf32, #tpu.memory_space<vmem>>, vector<16xf32>,
      tpu.vector_store %arg17[%swap3A_376], %gather3A_369 {strides = array<i32>} : memref<128xf32, #tpu.memory_space<vmem>>, vector<16xf32>,
      %get3A_378 = arith.index_cast %add3A_329 : i32 to index
      %get3A_379 = arith.constant 48 : index
      %get3A_380 = tpu.vector_load %arg9[%get3A_378, %get3A_379] {strides = array<i32>} : memref<80x128xi32, #tpu.memory_space<vmem>>, vector<16xi32>,
      %get3A_381 = arith.index_cast %add3A_329 : i32 to index
      %get3A_382 = arith.constant 48 : index
      %get3A_383 = tpu.vector_load %arg10[%get3A_381, %get3A_382] {strides = array<i32>} : memref<80x128xi32, #tpu.memory_space<vmem>>, vector<16xi32>,
      %gather3A_384 = tpu.vector_load_idx %arg14[%get3A_380] : memref<10240xi32, #tpu.memory_space<vmem>>[vector<16xi32>], vector<16xi32>,
      %gather3A_385 = tpu.vector_load_idx %arg15[%get3A_380] : memref<10240xf32, #tpu.memory_space<vmem>>[vector<16xi32>], vector<16xf32>,
      %mul3A_386 = arith.constant 10240 : i32
      %mul3A_387 = vector.broadcast %mul3A_386 : i32 to vector<16xi32>
      %mul3A_388 = arith.muli %gather3A_384, %mul3A_387 : vector<16xi32>
      %add3A_389 = arith.addi %mul3A_388, %get3A_383 : vector<16xi32>
      %swap3A_390 = arith.constant 48 : index
      %swap3A_391 = tpu.vector_load %arg16[%swap3A_390] {strides = array<i32>} : memref<128xi32, #tpu.memory_space<vmem>>, vector<16xi32>,
      tpu.vector_store %arg16[%swap3A_390], %add3A_389 {strides = array<i32>} : memref<128xi32, #tpu.memory_space<vmem>>, vector<16xi32>,
      %swap3A_392 = arith.constant 48 : index
      %swap3A_393 = tpu.vector_load %arg17[%swap3A_392] {strides = array<i32>} : memref<128xf32, #tpu.memory_space<vmem>>, vector<16xf32>,
      tpu.vector_store %arg17[%swap3A_392], %gather3A_385 {strides = array<i32>} : memref<128xf32, #tpu.memory_space<vmem>>, vector<16xf32>,
      %get3A_394 = arith.index_cast %add3A_329 : i32 to index
      %get3A_395 = arith.constant 64 : index
      %get3A_396 = tpu.vector_load %arg9[%get3A_394, %get3A_395] {strides = array<i32>} : memref<80x128xi32, #tpu.memory_space<vmem>>, vector<16xi32>,
      %get3A_397 = arith.index_cast %add3A_329 : i32 to index
      %get3A_398 = arith.constant 64 : index
      %get3A_399 = tpu.vector_load %arg10[%get3A_397, %get3A_398] {strides = array<i32>} : memref<80x128xi32, #tpu.memory_space<vmem>>, vector<16xi32>,
      %gather3A_400 = tpu.vector_load_idx %arg14[%get3A_396] : memref<10240xi32, #tpu.memory_space<vmem>>[vector<16xi32>], vector<16xi32>,
      %gather3A_401 = tpu.vector_load_idx %arg15[%get3A_396] : memref<10240xf32, #tpu.memory_space<vmem>>[vector<16xi32>], vector<16xf32>,
      %mul3A_402 = arith.constant 10240 : i32
      %mul3A_403 = vector.broadcast %mul3A_402 : i32 to vector<16xi32>
      %mul3A_404 = arith.muli %gather3A_400, %mul3A_403 : vector<16xi32>
      %add3A_405 = arith.addi %mul3A_404, %get3A_399 : vector<16xi32>
      %swap3A_406 = arith.constant 64 : index
      %swap3A_407 = tpu.vector_load %arg16[%swap3A_406] {strides = array<i32>} : memref<128xi32, #tpu.memory_space<vmem>>, vector<16xi32>,
      tpu.vector_store %arg16[%swap3A_406], %add3A_405 {strides = array<i32>} : memref<128xi32, #tpu.memory_space<vmem>>, vector<16xi32>,
      %swap3A_408 = arith.constant 64 : index
      %swap3A_409 = tpu.vector_load %arg17[%swap3A_408] {strides = array<i32>} : memref<128xf32, #tpu.memory_space<vmem>>, vector<16xf32>,
      tpu.vector_store %arg17[%swap3A_408], %gather3A_401 {strides = array<i32>} : memref<128xf32, #tpu.memory_space<vmem>>, vector<16xf32>,
      %get3A_410 = arith.index_cast %add3A_329 : i32 to index
      %get3A_411 = arith.constant 80 : index
      %get3A_412 = tpu.vector_load %arg9[%get3A_410, %get3A_411] {strides = array<i32>} : memref<80x128xi32, #tpu.memory_space<vmem>>, vector<16xi32>,
      %get3A_413 = arith.index_cast %add3A_329 : i32 to index
      %get3A_414 = arith.constant 80 : index
      %get3A_415 = tpu.vector_load %arg10[%get3A_413, %get3A_414] {strides = array<i32>} : memref<80x128xi32, #tpu.memory_space<vmem>>, vector<16xi32>,
      %gather3A_416 = tpu.vector_load_idx %arg14[%get3A_412] : memref<10240xi32, #tpu.memory_space<vmem>>[vector<16xi32>], vector<16xi32>,
      %gather3A_417 = tpu.vector_load_idx %arg15[%get3A_412] : memref<10240xf32, #tpu.memory_space<vmem>>[vector<16xi32>], vector<16xf32>,
      %mul3A_418 = arith.constant 10240 : i32
      %mul3A_419 = vector.broadcast %mul3A_418 : i32 to vector<16xi32>
      %mul3A_420 = arith.muli %gather3A_416, %mul3A_419 : vector<16xi32>
      %add3A_421 = arith.addi %mul3A_420, %get3A_415 : vector<16xi32>
      %swap3A_422 = arith.constant 80 : index
      %swap3A_423 = tpu.vector_load %arg16[%swap3A_422] {strides = array<i32>} : memref<128xi32, #tpu.memory_space<vmem>>, vector<16xi32>,
      tpu.vector_store %arg16[%swap3A_422], %add3A_421 {strides = array<i32>} : memref<128xi32, #tpu.memory_space<vmem>>, vector<16xi32>,
      %swap3A_424 = arith.constant 80 : index
      %swap3A_425 = tpu.vector_load %arg17[%swap3A_424] {strides = array<i32>} : memref<128xf32, #tpu.memory_space<vmem>>, vector<16xf32>,
      tpu.vector_store %arg17[%swap3A_424], %gather3A_417 {strides = array<i32>} : memref<128xf32, #tpu.memory_space<vmem>>, vector<16xf32>,
      %get3A_426 = arith.index_cast %add3A_329 : i32 to index
      %get3A_427 = arith.constant 96 : index
      %get3A_428 = tpu.vector_load %arg9[%get3A_426, %get3A_427] {strides = array<i32>} : memref<80x128xi32, #tpu.memory_space<vmem>>, vector<16xi32>,
      %get3A_429 = arith.index_cast %add3A_329 : i32 to index
      %get3A_430 = arith.constant 96 : index
      %get3A_431 = tpu.vector_load %arg10[%get3A_429, %get3A_430] {strides = array<i32>} : memref<80x128xi32, #tpu.memory_space<vmem>>, vector<16xi32>,
      %gather3A_432 = tpu.vector_load_idx %arg14[%get3A_428] : memref<10240xi32, #tpu.memory_space<vmem>>[vector<16xi32>], vector<16xi32>,
      %gather3A_433 = tpu.vector_load_idx %arg15[%get3A_428] : memref<10240xf32, #tpu.memory_space<vmem>>[vector<16xi32>], vector<16xf32>,
      %mul3A_434 = arith.constant 10240 : i32
      %mul3A_435 = vector.broadcast %mul3A_434 : i32 to vector<16xi32>
      %mul3A_436 = arith.muli %gather3A_432, %mul3A_435 : vector<16xi32>
      %add3A_437 = arith.addi %mul3A_436, %get3A_431 : vector<16xi32>
      %swap3A_438 = arith.constant 96 : index
      %swap3A_439 = tpu.vector_load %arg16[%swap3A_438] {strides = array<i32>} : memref<128xi32, #tpu.memory_space<vmem>>, vector<16xi32>,
      tpu.vector_store %arg16[%swap3A_438], %add3A_437 {strides = array<i32>} : memref<128xi32, #tpu.memory_space<vmem>>, vector<16xi32>,
      %swap3A_440 = arith.constant 96 : index
      %swap3A_441 = tpu.vector_load %arg17[%swap3A_440] {strides = array<i32>} : memref<128xf32, #tpu.memory_space<vmem>>, vector<16xf32>,
      tpu.vector_store %arg17[%swap3A_440], %gather3A_433 {strides = array<i32>} : memref<128xf32, #tpu.memory_space<vmem>>, vector<16xf32>,
      %get3A_442 = arith.index_cast %add3A_329 : i32 to index
      %get3A_443 = arith.constant 112 : index
      %get3A_444 = tpu.vector_load %arg9[%get3A_442, %get3A_443] {strides = array<i32>} : memref<80x128xi32, #tpu.memory_space<vmem>>, vector<16xi32>,
      %get3A_445 = arith.index_cast %add3A_329 : i32 to index
      %get3A_446 = arith.constant 112 : index
      %get3A_447 = tpu.vector_load %arg10[%get3A_445, %get3A_446] {strides = array<i32>} : memref<80x128xi32, #tpu.memory_space<vmem>>, vector<16xi32>,
      %gather3A_448 = tpu.vector_load_idx %arg14[%get3A_444] : memref<10240xi32, #tpu.memory_space<vmem>>[vector<16xi32>], vector<16xi32>,
      %gather3A_449 = tpu.vector_load_idx %arg15[%get3A_444] : memref<10240xf32, #tpu.memory_space<vmem>>[vector<16xi32>], vector<16xf32>,
      %mul3A_450 = arith.constant 10240 : i32
      %mul3A_451 = vector.broadcast %mul3A_450 : i32 to vector<16xi32>
      %mul3A_452 = arith.muli %gather3A_448, %mul3A_451 : vector<16xi32>
      %add3A_453 = arith.addi %mul3A_452, %get3A_447 : vector<16xi32>
      %swap3A_454 = arith.constant 112 : index
      %swap3A_455 = tpu.vector_load %arg16[%swap3A_454] {strides = array<i32>} : memref<128xi32, #tpu.memory_space<vmem>>, vector<16xi32>,
      tpu.vector_store %arg16[%swap3A_454], %add3A_453 {strides = array<i32>} : memref<128xi32, #tpu.memory_space<vmem>>, vector<16xi32>,
      %swap3A_456 = arith.constant 112 : index
      %swap3A_457 = tpu.vector_load %arg17[%swap3A_456] {strides = array<i32>} : memref<128xf32, #tpu.memory_space<vmem>>, vector<16xf32>,
      tpu.vector_store %arg17[%swap3A_456], %gather3A_449 {strides = array<i32>} : memref<128xf32, #tpu.memory_space<vmem>>, vector<16xf32>,
      %dma_start3A_458 = arith.constant 0 : i32
      %dma_start3A_459 = tpu.memref_slice %arg21[%dma_start3A_458] : memref<665600xf32, #tpu.memory_space<vmem_shared>> -> memref<665600xf32, #tpu.memory_space<vmem_shared>>
      tpu.enqueue_indirect_dma source(%arg17 : memref<128xf32, #tpu.memory_space<vmem>>) target(%dma_start3A_459 : memref<665600xf32, #tpu.memory_space<vmem_shared>>) offsets(%arg16 : memref<128xi32, #tpu.memory_space<vmem>>) semaphore(%arg23 : memref<!tpu.dma_semaphore, #tpu.memory_space<semaphore_mem>>) {add = true}
      %dma_wait3A = arith.constant 0 : i32
      %dma_wait3A_460 = tpu.memref_slice %arg21[%dma_wait3A] : memref<665600xf32, #tpu.memory_space<vmem_shared>> -> memref<665600xf32, #tpu.memory_space<vmem_shared>>
      tpu.wait_indirect_dma semaphore(%arg22 : memref<!tpu.dma_semaphore, #tpu.memory_space<semaphore_mem>>) src(%arg11 : memref<128xf32, #tpu.memory_space<vmem>>) dst(%dma_wait3A_460 : memref<665600xf32, #tpu.memory_space<vmem_shared>>)
      %lt3A = arith.constant 39 : i32
      %lt3A_461 = arith.cmpi slt, %scan3A_324, %lt3A : i32
      %convert_element_type3A_462 = arith.extui %lt3A_461 : i1 to i32
      %cond3A_463 = arith.constant 0 : i32
      %cond3A_464 = arith.cmpi ne, %convert_element_type3A_462, %cond3A_463 : i32
      scf.if %cond3A_464 {
        %add3A_468 = arith.constant 2 : i32
        %add3A_469 = arith.addi %mul3A_327, %add3A_468 : i32
        %get3A_470 = arith.index_cast %add3A_469 : i32 to index
        %get3A_471 = arith.constant 0 : index
        %get3A_472 = tpu.vector_load %arg9[%get3A_470, %get3A_471] {strides = array<i32>} : memref<80x128xi32, #tpu.memory_space<vmem>>, vector<16xi32>,
        %get3A_473 = arith.index_cast %add3A_469 : i32 to index
        %get3A_474 = arith.constant 0 : index
        %get3A_475 = tpu.vector_load %arg10[%get3A_473, %get3A_474] {strides = array<i32>} : memref<80x128xi32, #tpu.memory_space<vmem>>, vector<16xi32>,
        %gather3A_476 = tpu.vector_load_idx %arg14[%get3A_472] : memref<10240xi32, #tpu.memory_space<vmem>>[vector<16xi32>], vector<16xi32>,
        %gather3A_477 = tpu.vector_load_idx %arg15[%get3A_472] : memref<10240xf32, #tpu.memory_space<vmem>>[vector<16xi32>], vector<16xf32>,
        %mul3A_478 = arith.constant 10240 : i32
        %mul3A_479 = vector.broadcast %mul3A_478 : i32 to vector<16xi32>
        %mul3A_480 = arith.muli %gather3A_476, %mul3A_479 : vector<16xi32>
        %add3A_481 = arith.addi %mul3A_480, %get3A_475 : vector<16xi32>
        %swap3A_482 = arith.constant 0 : index
        %swap3A_483 = tpu.vector_load %arg8[%swap3A_482] {strides = array<i32>} : memref<128xi32, #tpu.memory_space<vmem>>, vector<16xi32>,
        tpu.vector_store %arg8[%swap3A_482], %add3A_481 {strides = array<i32>} : memref<128xi32, #tpu.memory_space<vmem>>, vector<16xi32>,
        %swap3A_484 = arith.constant 0 : index
        %swap3A_485 = tpu.vector_load %arg11[%swap3A_484] {strides = array<i32>} : memref<128xf32, #tpu.memory_space<vmem>>, vector<16xf32>,
        tpu.vector_store %arg11[%swap3A_484], %gather3A_477 {strides = array<i32>} : memref<128xf32, #tpu.memory_space<vmem>>, vector<16xf32>,
        %get3A_486 = arith.index_cast %add3A_469 : i32 to index
        %get3A_487 = arith.constant 16 : index
        %get3A_488 = tpu.vector_load %arg9[%get3A_486, %get3A_487] {strides = array<i32>} : memref<80x128xi32, #tpu.memory_space<vmem>>, vector<16xi32>,
        %get3A_489 = arith.index_cast %add3A_469 : i32 to index
        %get3A_490 = arith.constant 16 : index
        %get3A_491 = tpu.vector_load %arg10[%get3A_489, %get3A_490] {strides = array<i32>} : memref<80x128xi32, #tpu.memory_space<vmem>>, vector<16xi32>,
        %gather3A_492 = tpu.vector_load_idx %arg14[%get3A_488] : memref<10240xi32, #tpu.memory_space<vmem>>[vector<16xi32>], vector<16xi32>,
        %gather3A_493 = tpu.vector_load_idx %arg15[%get3A_488] : memref<10240xf32, #tpu.memory_space<vmem>>[vector<16xi32>], vector<16xf32>,
        %mul3A_494 = arith.constant 10240 : i32
        %mul3A_495 = vector.broadcast %mul3A_494 : i32 to vector<16xi32>
        %mul3A_496 = arith.muli %gather3A_492, %mul3A_495 : vector<16xi32>
        %add3A_497 = arith.addi %mul3A_496, %get3A_491 : vector<16xi32>
        %swap3A_498 = arith.constant 16 : index
        %swap3A_499 = tpu.vector_load %arg8[%swap3A_498] {strides = array<i32>} : memref<128xi32, #tpu.memory_space<vmem>>, vector<16xi32>,
        tpu.vector_store %arg8[%swap3A_498], %add3A_497 {strides = array<i32>} : memref<128xi32, #tpu.memory_space<vmem>>, vector<16xi32>,
        %swap3A_500 = arith.constant 16 : index
        %swap3A_501 = tpu.vector_load %arg11[%swap3A_500] {strides = array<i32>} : memref<128xf32, #tpu.memory_space<vmem>>, vector<16xf32>,
        tpu.vector_store %arg11[%swap3A_500], %gather3A_493 {strides = array<i32>} : memref<128xf32, #tpu.memory_space<vmem>>, vector<16xf32>,
        %get3A_502 = arith.index_cast %add3A_469 : i32 to index
        %get3A_503 = arith.constant 32 : index
        %get3A_504 = tpu.vector_load %arg9[%get3A_502, %get3A_503] {strides = array<i32>} : memref<80x128xi32, #tpu.memory_space<vmem>>, vector<16xi32>,
        %get3A_505 = arith.index_cast %add3A_469 : i32 to index
        %get3A_506 = arith.constant 32 : index
        %get3A_507 = tpu.vector_load %arg10[%get3A_505, %get3A_506] {strides = array<i32>} : memref<80x128xi32, #tpu.memory_space<vmem>>, vector<16xi32>,
        %gather3A_508 = tpu.vector_load_idx %arg14[%get3A_504] : memref<10240xi32, #tpu.memory_space<vmem>>[vector<16xi32>], vector<16xi32>,
        %gather3A_509 = tpu.vector_load_idx %arg15[%get3A_504] : memref<10240xf32, #tpu.memory_space<vmem>>[vector<16xi32>], vector<16xf32>,
        %mul3A_510 = arith.constant 10240 : i32
        %mul3A_511 = vector.broadcast %mul3A_510 : i32 to vector<16xi32>
        %mul3A_512 = arith.muli %gather3A_508, %mul3A_511 : vector<16xi32>
        %add3A_513 = arith.addi %mul3A_512, %get3A_507 : vector<16xi32>
        %swap3A_514 = arith.constant 32 : index
        %swap3A_515 = tpu.vector_load %arg8[%swap3A_514] {strides = array<i32>} : memref<128xi32, #tpu.memory_space<vmem>>, vector<16xi32>,
        tpu.vector_store %arg8[%swap3A_514], %add3A_513 {strides = array<i32>} : memref<128xi32, #tpu.memory_space<vmem>>, vector<16xi32>,
        %swap3A_516 = arith.constant 32 : index
        %swap3A_517 = tpu.vector_load %arg11[%swap3A_516] {strides = array<i32>} : memref<128xf32, #tpu.memory_space<vmem>>, vector<16xf32>,
        tpu.vector_store %arg11[%swap3A_516], %gather3A_509 {strides = array<i32>} : memref<128xf32, #tpu.memory_space<vmem>>, vector<16xf32>,
        %get3A_518 = arith.index_cast %add3A_469 : i32 to index
        %get3A_519 = arith.constant 48 : index
        %get3A_520 = tpu.vector_load %arg9[%get3A_518, %get3A_519] {strides = array<i32>} : memref<80x128xi32, #tpu.memory_space<vmem>>, vector<16xi32>,
        %get3A_521 = arith.index_cast %add3A_469 : i32 to index
        %get3A_522 = arith.constant 48 : index
        %get3A_523 = tpu.vector_load %arg10[%get3A_521, %get3A_522] {strides = array<i32>} : memref<80x128xi32, #tpu.memory_space<vmem>>, vector<16xi32>,
        %gather3A_524 = tpu.vector_load_idx %arg14[%get3A_520] : memref<10240xi32, #tpu.memory_space<vmem>>[vector<16xi32>], vector<16xi32>,
        %gather3A_525 = tpu.vector_load_idx %arg15[%get3A_520] : memref<10240xf32, #tpu.memory_space<vmem>>[vector<16xi32>], vector<16xf32>,
        %mul3A_526 = arith.constant 10240 : i32
        %mul3A_527 = vector.broadcast %mul3A_526 : i32 to vector<16xi32>
        %mul3A_528 = arith.muli %gather3A_524, %mul3A_527 : vector<16xi32>
        %add3A_529 = arith.addi %mul3A_528, %get3A_523 : vector<16xi32>
        %swap3A_530 = arith.constant 48 : index
        %swap3A_531 = tpu.vector_load %arg8[%swap3A_530] {strides = array<i32>} : memref<128xi32, #tpu.memory_space<vmem>>, vector<16xi32>,
        tpu.vector_store %arg8[%swap3A_530], %add3A_529 {strides = array<i32>} : memref<128xi32, #tpu.memory_space<vmem>>, vector<16xi32>,
        %swap3A_532 = arith.constant 48 : index
        %swap3A_533 = tpu.vector_load %arg11[%swap3A_532] {strides = array<i32>} : memref<128xf32, #tpu.memory_space<vmem>>, vector<16xf32>,
        tpu.vector_store %arg11[%swap3A_532], %gather3A_525 {strides = array<i32>} : memref<128xf32, #tpu.memory_space<vmem>>, vector<16xf32>,
        %get3A_534 = arith.index_cast %add3A_469 : i32 to index
        %get3A_535 = arith.constant 64 : index
        %get3A_536 = tpu.vector_load %arg9[%get3A_534, %get3A_535] {strides = array<i32>} : memref<80x128xi32, #tpu.memory_space<vmem>>, vector<16xi32>,
        %get3A_537 = arith.index_cast %add3A_469 : i32 to index
        %get3A_538 = arith.constant 64 : index
        %get3A_539 = tpu.vector_load %arg10[%get3A_537, %get3A_538] {strides = array<i32>} : memref<80x128xi32, #tpu.memory_space<vmem>>, vector<16xi32>,
        %gather3A_540 = tpu.vector_load_idx %arg14[%get3A_536] : memref<10240xi32, #tpu.memory_space<vmem>>[vector<16xi32>], vector<16xi32>,
        %gather3A_541 = tpu.vector_load_idx %arg15[%get3A_536] : memref<10240xf32, #tpu.memory_space<vmem>>[vector<16xi32>], vector<16xf32>,
        %mul3A_542 = arith.constant 10240 : i32
        %mul3A_543 = vector.broadcast %mul3A_542 : i32 to vector<16xi32>
        %mul3A_544 = arith.muli %gather3A_540, %mul3A_543 : vector<16xi32>
        %add3A_545 = arith.addi %mul3A_544, %get3A_539 : vector<16xi32>
        %swap3A_546 = arith.constant 64 : index
        %swap3A_547 = tpu.vector_load %arg8[%swap3A_546] {strides = array<i32>} : memref<128xi32, #tpu.memory_space<vmem>>, vector<16xi32>,
        tpu.vector_store %arg8[%swap3A_546], %add3A_545 {strides = array<i32>} : memref<128xi32, #tpu.memory_space<vmem>>, vector<16xi32>,
        %swap3A_548 = arith.constant 64 : index
        %swap3A_549 = tpu.vector_load %arg11[%swap3A_548] {strides = array<i32>} : memref<128xf32, #tpu.memory_space<vmem>>, vector<16xf32>,
        tpu.vector_store %arg11[%swap3A_548], %gather3A_541 {strides = array<i32>} : memref<128xf32, #tpu.memory_space<vmem>>, vector<16xf32>,
        %get3A_550 = arith.index_cast %add3A_469 : i32 to index
        %get3A_551 = arith.constant 80 : index
        %get3A_552 = tpu.vector_load %arg9[%get3A_550, %get3A_551] {strides = array<i32>} : memref<80x128xi32, #tpu.memory_space<vmem>>, vector<16xi32>,
        %get3A_553 = arith.index_cast %add3A_469 : i32 to index
        %get3A_554 = arith.constant 80 : index
        %get3A_555 = tpu.vector_load %arg10[%get3A_553, %get3A_554] {strides = array<i32>} : memref<80x128xi32, #tpu.memory_space<vmem>>, vector<16xi32>,
        %gather3A_556 = tpu.vector_load_idx %arg14[%get3A_552] : memref<10240xi32, #tpu.memory_space<vmem>>[vector<16xi32>], vector<16xi32>,
        %gather3A_557 = tpu.vector_load_idx %arg15[%get3A_552] : memref<10240xf32, #tpu.memory_space<vmem>>[vector<16xi32>], vector<16xf32>,
        %mul3A_558 = arith.constant 10240 : i32
        %mul3A_559 = vector.broadcast %mul3A_558 : i32 to vector<16xi32>
        %mul3A_560 = arith.muli %gather3A_556, %mul3A_559 : vector<16xi32>
        %add3A_561 = arith.addi %mul3A_560, %get3A_555 : vector<16xi32>
        %swap3A_562 = arith.constant 80 : index
        %swap3A_563 = tpu.vector_load %arg8[%swap3A_562] {strides = array<i32>} : memref<128xi32, #tpu.memory_space<vmem>>, vector<16xi32>,
        tpu.vector_store %arg8[%swap3A_562], %add3A_561 {strides = array<i32>} : memref<128xi32, #tpu.memory_space<vmem>>, vector<16xi32>,
        %swap3A_564 = arith.constant 80 : index
        %swap3A_565 = tpu.vector_load %arg11[%swap3A_564] {strides = array<i32>} : memref<128xf32, #tpu.memory_space<vmem>>, vector<16xf32>,
        tpu.vector_store %arg11[%swap3A_564], %gather3A_557 {strides = array<i32>} : memref<128xf32, #tpu.memory_space<vmem>>, vector<16xf32>,
        %get3A_566 = arith.index_cast %add3A_469 : i32 to index
        %get3A_567 = arith.constant 96 : index
        %get3A_568 = tpu.vector_load %arg9[%get3A_566, %get3A_567] {strides = array<i32>} : memref<80x128xi32, #tpu.memory_space<vmem>>, vector<16xi32>,
        %get3A_569 = arith.index_cast %add3A_469 : i32 to index
        %get3A_570 = arith.constant 96 : index
        %get3A_571 = tpu.vector_load %arg10[%get3A_569, %get3A_570] {strides = array<i32>} : memref<80x128xi32, #tpu.memory_space<vmem>>, vector<16xi32>,
        %gather3A_572 = tpu.vector_load_idx %arg14[%get3A_568] : memref<10240xi32, #tpu.memory_space<vmem>>[vector<16xi32>], vector<16xi32>,
        %gather3A_573 = tpu.vector_load_idx %arg15[%get3A_568] : memref<10240xf32, #tpu.memory_space<vmem>>[vector<16xi32>], vector<16xf32>,
        %mul3A_574 = arith.constant 10240 : i32
        %mul3A_575 = vector.broadcast %mul3A_574 : i32 to vector<16xi32>
        %mul3A_576 = arith.muli %gather3A_572, %mul3A_575 : vector<16xi32>
        %add3A_577 = arith.addi %mul3A_576, %get3A_571 : vector<16xi32>
        %swap3A_578 = arith.constant 96 : index
        %swap3A_579 = tpu.vector_load %arg8[%swap3A_578] {strides = array<i32>} : memref<128xi32, #tpu.memory_space<vmem>>, vector<16xi32>,
        tpu.vector_store %arg8[%swap3A_578], %add3A_577 {strides = array<i32>} : memref<128xi32, #tpu.memory_space<vmem>>, vector<16xi32>,
        %swap3A_580 = arith.constant 96 : index
        %swap3A_581 = tpu.vector_load %arg11[%swap3A_580] {strides = array<i32>} : memref<128xf32, #tpu.memory_space<vmem>>, vector<16xf32>,
        tpu.vector_store %arg11[%swap3A_580], %gather3A_573 {strides = array<i32>} : memref<128xf32, #tpu.memory_space<vmem>>, vector<16xf32>,
        %get3A_582 = arith.index_cast %add3A_469 : i32 to index
        %get3A_583 = arith.constant 112 : index
        %get3A_584 = tpu.vector_load %arg9[%get3A_582, %get3A_583] {strides = array<i32>} : memref<80x128xi32, #tpu.memory_space<vmem>>, vector<16xi32>,
        %get3A_585 = arith.index_cast %add3A_469 : i32 to index
        %get3A_586 = arith.constant 112 : index
        %get3A_587 = tpu.vector_load %arg10[%get3A_585, %get3A_586] {strides = array<i32>} : memref<80x128xi32, #tpu.memory_space<vmem>>, vector<16xi32>,
        %gather3A_588 = tpu.vector_load_idx %arg14[%get3A_584] : memref<10240xi32, #tpu.memory_space<vmem>>[vector<16xi32>], vector<16xi32>,
        %gather3A_589 = tpu.vector_load_idx %arg15[%get3A_584] : memref<10240xf32, #tpu.memory_space<vmem>>[vector<16xi32>], vector<16xf32>,
        %mul3A_590 = arith.constant 10240 : i32
        %mul3A_591 = vector.broadcast %mul3A_590 : i32 to vector<16xi32>
        %mul3A_592 = arith.muli %gather3A_588, %mul3A_591 : vector<16xi32>
        %add3A_593 = arith.addi %mul3A_592, %get3A_587 : vector<16xi32>
        %swap3A_594 = arith.constant 112 : index
        %swap3A_595 = tpu.vector_load %arg8[%swap3A_594] {strides = array<i32>} : memref<128xi32, #tpu.memory_space<vmem>>, vector<16xi32>,
        tpu.vector_store %arg8[%swap3A_594], %add3A_593 {strides = array<i32>} : memref<128xi32, #tpu.memory_space<vmem>>, vector<16xi32>,
        %swap3A_596 = arith.constant 112 : index
        %swap3A_597 = tpu.vector_load %arg11[%swap3A_596] {strides = array<i32>} : memref<128xf32, #tpu.memory_space<vmem>>, vector<16xf32>,
        tpu.vector_store %arg11[%swap3A_596], %gather3A_589 {strides = array<i32>} : memref<128xf32, #tpu.memory_space<vmem>>, vector<16xf32>,
        %dma_start3A_598 = arith.constant 0 : i32
        %dma_start3A_599 = tpu.memref_slice %arg21[%dma_start3A_598] : memref<665600xf32, #tpu.memory_space<vmem_shared>> -> memref<665600xf32, #tpu.memory_space<vmem_shared>>
        tpu.enqueue_indirect_dma source(%arg11 : memref<128xf32, #tpu.memory_space<vmem>>) target(%dma_start3A_599 : memref<665600xf32, #tpu.memory_space<vmem_shared>>) offsets(%arg8 : memref<128xi32, #tpu.memory_space<vmem>>) semaphore(%arg22 : memref<!tpu.dma_semaphore, #tpu.memory_space<semaphore_mem>>) {add = true}
      } else {
      }
      %dma_wait3A_465 = arith.constant 0 : i32
      %dma_wait3A_466 = tpu.memref_slice %arg21[%dma_wait3A_465] : memref<665600xf32, #tpu.memory_space<vmem_shared>> -> memref<665600xf32, #tpu.memory_space<vmem_shared>>
      tpu.wait_indirect_dma semaphore(%arg23 : memref<!tpu.dma_semaphore, #tpu.memory_space<semaphore_mem>>) src(%arg17 : memref<128xf32, #tpu.memory_space<vmem>>) dst(%dma_wait3A_466 : memref<665600xf32, #tpu.memory_space<vmem_shared>>)
      %scan3A_467 = arith.constant 0 : i32
      scf.yield %scan3A_467 : i32
    }
    %scan3A_319 = arith.constant 40 : i32
    %barrier3A_320 = arith.constant 0 : index
    tpu.barrier barrier_id(%barrier3A_320)
    %mul3A_321 = arith.constant 40960 : i32
    %mul3A_322 = arith.muli %arg1, %mul3A_321 : i32
    %multiple_of3A_323 = tpu.assume_multiple %mul3A_322, 8 : i32
    "tpu.region"() ({
      %run_scoped3A_324 = tpu.sem_alloc : memref<!tpu.dma_semaphore, #tpu.memory_space<semaphore_mem>>
      %dma_start3A_325 = tpu.memref_slice %arg6[%arg0, %multiple_of3A_323] : memref<2x655360xf32, #tpu.memory_space<hbm>> -> memref<1x40960xf32, #tpu.memory_space<hbm>>
      %dma_start3A_326 = tpu.memref_squeeze %dma_start3A_325 : memref<1x40960xf32, #tpu.memory_space<hbm>> -> memref<40960xf32, #tpu.memory_space<hbm>>
      %dma_start3A_327 = tpu.memref_slice %arg21[%multiple_of3A_323] : memref<665600xf32, #tpu.memory_space<vmem_shared>> -> memref<40960xf32, #tpu.memory_space<vmem_shared>>
      tpu.enqueue_dma source(%dma_start3A_327 : memref<40960xf32, #tpu.memory_space<vmem_shared>>) target(%dma_start3A_326 : memref<40960xf32, #tpu.memory_space<hbm>>) target_semaphore(%run_scoped3A_324 : memref<!tpu.dma_semaphore, #tpu.memory_space<semaphore_mem>>)
      %dma_wait3A = tpu.memref_slice %arg6[%arg0, %multiple_of3A_323] : memref<2x655360xf32, #tpu.memory_space<hbm>> -> memref<1x40960xf32, #tpu.memory_space<hbm>>
      %dma_wait3A_328 = tpu.memref_squeeze %dma_wait3A : memref<1x40960xf32, #tpu.memory_space<hbm>> -> memref<40960xf32, #tpu.memory_space<hbm>>
      %dma_wait3A_329 = tpu.memref_slice %arg21[%multiple_of3A_323] : memref<665600xf32, #tpu.memory_space<vmem_shared>> -> memref<40960xf32, #tpu.memory_space<vmem_shared>>
      tpu.wait_dma2 semaphore(%run_scoped3A_324 : memref<!tpu.dma_semaphore, #tpu.memory_space<semaphore_mem>>) src(%dma_wait3A_329 : memref<40960xf32, #tpu.memory_space<vmem_shared>>) dst(%dma_wait3A_328 : memref<40960xf32, #tpu.memory_space<hbm>>)
      tpu.yield
    }) : () -> ()
    return
  }
}

#map = affine_map<(d0, d1) -> (0, 0)>
#map1 = affine_map<(d0, d1) -> (0, 0, 0)>
module attributes {stable_mosaic.version = 14 : i64} {
  func.func @_sc_aggregate_body(%arg0: i32, %arg1: i32, %arg2: memref<2560x128xi32, #tpu.memory_space<hbm>>, %arg3: memref<2560x128xi32, #tpu.memory_space<hbm>>, %arg4: memref<10000x128xf32, #tpu.memory_space<hbm>>, %arg5: memref<2x10240x128xf32, #tpu.memory_space<hbm>>, %arg6: memref<128xi32, #tpu.memory_space<vmem>>, %arg7: memref<128xi32, #tpu.memory_space<vmem>>, %arg8: memref<128xi32, #tpu.memory_space<vmem>>, %arg9: memref<128xi32, #tpu.memory_space<vmem>>, %arg10: memref<128x128xf32, #tpu.memory_space<vmem>>, %arg11: memref<128x128xf32, #tpu.memory_space<vmem>>, %arg12: memref<10240x128xf32, #tpu.memory_space<vmem_shared>>, %arg13: memref<!tpu.dma_semaphore, #tpu.memory_space<semaphore_mem>>, %arg14: memref<!tpu.dma_semaphore, #tpu.memory_space<semaphore_mem>>) attributes {dimension_semantics = [#tpu.dimension_semantics<core_parallel>, #tpu.dimension_semantics<subcore_parallel>], iteration_bounds = array<i64: 2, 16>, scalar_prefetch = 0 : i64, scratch_operands = 9 : i64, tpu.core_type = #tpu.core_type<sc_vector_subcore>, window_params = [{transform_indices = #map}, {transform_indices = #map}, {transform_indices = #map}, {transform_indices = #map1}]} {
    %scan3A = arith.constant 0 : i32
    %scan3A_0 = arith.constant 0 : i32
    %scan3A_1 = arith.constant 1024 : i32
    %scan3A_2 = arith.addi %scan3A_0, %scan3A_1 : i32
    %scan3A_3 = arith.constant 1 : i32
    %scan3A_4 = scf.for %scan3A_34 = %scan3A_0 to %scan3A_2 step %scan3A_3 iter_args(%scan3A_35 = %scan3A) -> (i32)  : i32 {
      %jit3A = arith.constant 8 : i32
      %div3A = arith.divsi %scan3A_34, %jit3A : i32
      %sign3A = arith.constant 0 : i32
      %sign3A_36 = arith.cmpi sgt, %scan3A_34, %sign3A : i32
      %sign3A_37 = arith.extui %sign3A_36 : i1 to i32
      %sign3A_38 = arith.constant 0 : i32
      %sign3A_39 = arith.cmpi slt, %scan3A_34, %sign3A_38 : i32
      %sign3A_40 = arith.extui %sign3A_39 : i1 to i32
      %sign3A_41 = arith.subi %sign3A_37, %sign3A_40 : i32
      %sign3A_42 = arith.constant 0 : i32
      %sign3A_43 = arith.cmpi sgt, %jit3A, %sign3A_42 : i32
      %sign3A_44 = arith.extui %sign3A_43 : i1 to i32
      %sign3A_45 = arith.constant 0 : i32
      %sign3A_46 = arith.cmpi slt, %jit3A, %sign3A_45 : i32
      %sign3A_47 = arith.extui %sign3A_46 : i1 to i32
      %sign3A_48 = arith.subi %sign3A_44, %sign3A_47 : i32
      %ne3A = arith.cmpi ne, %sign3A_41, %sign3A_48 : i32
      %rem3A = arith.remsi %scan3A_34, %jit3A : i32
      %ne3A_49 = arith.constant 0 : i32
      %ne3A_50 = arith.cmpi ne, %rem3A, %ne3A_49 : i32
      %and3A = arith.andi %ne3A, %ne3A_50 : i1
      %sub3A = arith.constant 1 : i32
      %sub3A_51 = arith.subi %div3A, %sub3A : i32
      %select_n3A = arith.select %and3A, %sub3A_51, %div3A : i32
      %jit3A_52 = arith.constant 8 : i32
      %eq3A = arith.constant 0 : i32
      %eq3A_53 = arith.cmpi eq, %jit3A_52, %eq3A : i32
      %jit3A_54 = arith.constant 1 : i32
      %select_n3A_55 = arith.select %eq3A_53, %jit3A_54, %jit3A_52 : i32
      %rem3A_56 = arith.remsi %scan3A_34, %select_n3A_55 : i32
      %ne3A_57 = arith.constant 0 : i32
      %ne3A_58 = arith.cmpi ne, %rem3A_56, %ne3A_57 : i32
      %lt3A = arith.constant 0 : i32
      %lt3A_59 = arith.cmpi slt, %rem3A_56, %lt3A : i32
      %lt3A_60 = arith.constant 0 : i32
      %lt3A_61 = arith.cmpi slt, %select_n3A_55, %lt3A_60 : i32
      %ne3A_62 = arith.xori %lt3A_59, %lt3A_61 : i1
      %and3A_63 = arith.andi %ne3A_62, %ne3A_58 : i1
      %add3A_64 = arith.addi %rem3A_56, %select_n3A_55 : i32
      %select_n3A_65 = arith.select %and3A_63, %add3A_64, %rem3A_56 : i32
      %broadcast_in_dim3A = arith.constant 0.000000e+00 : f32
      %broadcast_in_dim3A_66 = vector.broadcast %broadcast_in_dim3A : f32 to vector<16xf32>
      %mul3A_67 = arith.constant 16 : i32
      %mul3A_68 = arith.muli %select_n3A_65, %mul3A_67 : i32
      %multiple_of3A_69 = tpu.assume_multiple %mul3A_68, 16 : i32
      %swap3A = arith.index_cast %select_n3A : i32 to index
      %swap3A_70 = arith.index_cast %multiple_of3A_69 : i32 to index
      %swap3A_71 = tpu.vector_load %arg10[%swap3A, %swap3A_70] {strides = array<i32>} : memref<128x128xf32, #tpu.memory_space<vmem>>, vector<16xf32>,
      tpu.vector_store %arg10[%swap3A, %swap3A_70], %broadcast_in_dim3A_66 {strides = array<i32>} : memref<128x128xf32, #tpu.memory_space<vmem>>, vector<16xf32>,
      %scan3A_72 = arith.constant 0 : i32
      scf.yield %scan3A_72 : i32
    }
    %scan3A_5 = arith.constant 1024 : i32
    %mul3A = arith.constant 640 : i32
    %mul3A_6 = arith.muli %arg1, %mul3A : i32
    %multiple_of3A = tpu.assume_multiple %mul3A_6, 128 : i32
    %scan3A_7 = arith.constant 0 : i32
    %scan3A_8 = arith.constant 0 : i32
    %scan3A_9 = arith.constant 5 : i32
    %scan3A_10 = arith.addi %scan3A_8, %scan3A_9 : i32
    %scan3A_11 = arith.constant 1 : i32
    %scan3A_12 = scf.for %scan3A_34 = %scan3A_8 to %scan3A_10 step %scan3A_11 iter_args(%scan3A_35 = %scan3A_7) -> (i32)  : i32 {
      %mul3A_36 = arith.constant 128 : i32
      %mul3A_37 = arith.muli %scan3A_34, %mul3A_36 : i32
      %add3A_38 = arith.addi %multiple_of3A, %mul3A_37 : i32
      %multiple_of3A_39 = tpu.assume_multiple %add3A_38, 128 : i32
      "tpu.region"() ({
        %run_scoped3A = tpu.sem_alloc : memref<!tpu.dma_semaphore, #tpu.memory_space<semaphore_mem>>
        %dma_start3A_41 = arith.constant 0 : i32
        %dma_start3A_42 = tpu.memref_slice %arg12[%multiple_of3A_39, %dma_start3A_41] : memref<10240x128xf32, #tpu.memory_space<vmem_shared>> -> memref<128x128xf32, #tpu.memory_space<vmem_shared>>
        %dma_start3A_43 = arith.constant 0 : i32
        %dma_start3A_44 = tpu.memref_slice %arg12[%multiple_of3A_39, %dma_start3A_43] : memref<10240x128xf32, #tpu.memory_space<vmem_shared>> -> memref<128x128xf32, #tpu.memory_space<vmem_shared>>
        tpu.enqueue_dma source(%arg10 : memref<128x128xf32, #tpu.memory_space<vmem>>) target(%dma_start3A_44 : memref<128x128xf32, #tpu.memory_space<vmem_shared>>) target_semaphore(%run_scoped3A : memref<!tpu.dma_semaphore, #tpu.memory_space<semaphore_mem>>)
        %dma_wait3A = arith.constant 0 : i32
        %dma_wait3A_45 = tpu.memref_slice %arg12[%multiple_of3A_39, %dma_wait3A] : memref<10240x128xf32, #tpu.memory_space<vmem_shared>> -> memref<128x128xf32, #tpu.memory_space<vmem_shared>>
        %dma_wait3A_46 = arith.constant 0 : i32
        %dma_wait3A_47 = tpu.memref_slice %arg12[%multiple_of3A_39, %dma_wait3A_46] : memref<10240x128xf32, #tpu.memory_space<vmem_shared>> -> memref<128x128xf32, #tpu.memory_space<vmem_shared>>
        tpu.wait_dma2 semaphore(%run_scoped3A : memref<!tpu.dma_semaphore, #tpu.memory_space<semaphore_mem>>) src(%arg10 : memref<128x128xf32, #tpu.memory_space<vmem>>) dst(%dma_wait3A_47 : memref<128x128xf32, #tpu.memory_space<vmem_shared>>)
        tpu.yield
      }) : () -> ()
      %scan3A_40 = arith.constant 0 : i32
      scf.yield %scan3A_40 : i32
    }
    %scan3A_13 = arith.constant 5 : i32
    %barrier3A = arith.constant 0 : index
    tpu.barrier barrier_id(%barrier3A)
    %mul3A_14 = arith.constant 1280 : i32
    %mul3A_15 = arith.muli %arg0, %mul3A_14 : i32
    %mul3A_16 = arith.constant 80 : i32
    %mul3A_17 = arith.muli %arg1, %mul3A_16 : i32
    %add3A = arith.addi %mul3A_15, %mul3A_17 : i32
    "tpu.region"() ({
      %run_scoped3A = tpu.sem_alloc : memref<!tpu.dma_semaphore, #tpu.memory_space<semaphore_mem>>
      %dma_start3A_34 = arith.constant 0 : i32
      %dma_start3A_35 = tpu.memref_slice %arg2[%add3A, %dma_start3A_34] : memref<2560x128xi32, #tpu.memory_space<hbm>> -> memref<1x128xi32, #tpu.memory_space<hbm>>
      %dma_start3A_36 = tpu.memref_squeeze %dma_start3A_35 : memref<1x128xi32, #tpu.memory_space<hbm>> -> memref<128xi32, #tpu.memory_space<hbm>>
      %dma_start3A_37 = arith.constant 0 : i32
      %dma_start3A_38 = tpu.memref_slice %arg2[%add3A, %dma_start3A_37] : memref<2560x128xi32, #tpu.memory_space<hbm>> -> memref<1x128xi32, #tpu.memory_space<hbm>>
      %dma_start3A_39 = tpu.memref_squeeze %dma_start3A_38 : memref<1x128xi32, #tpu.memory_space<hbm>> -> memref<128xi32, #tpu.memory_space<hbm>>
      tpu.enqueue_dma source(%dma_start3A_39 : memref<128xi32, #tpu.memory_space<hbm>>) target(%arg6 : memref<128xi32, #tpu.memory_space<vmem>>) target_semaphore(%run_scoped3A : memref<!tpu.dma_semaphore, #tpu.memory_space<semaphore_mem>>)
      %dma_wait3A = arith.constant 0 : i32
      %dma_wait3A_40 = tpu.memref_slice %arg2[%add3A, %dma_wait3A] : memref<2560x128xi32, #tpu.memory_space<hbm>> -> memref<1x128xi32, #tpu.memory_space<hbm>>
      %dma_wait3A_41 = tpu.memref_squeeze %dma_wait3A_40 : memref<1x128xi32, #tpu.memory_space<hbm>> -> memref<128xi32, #tpu.memory_space<hbm>>
      %dma_wait3A_42 = arith.constant 0 : i32
      %dma_wait3A_43 = tpu.memref_slice %arg2[%add3A, %dma_wait3A_42] : memref<2560x128xi32, #tpu.memory_space<hbm>> -> memref<1x128xi32, #tpu.memory_space<hbm>>
      %dma_wait3A_44 = tpu.memref_squeeze %dma_wait3A_43 : memref<1x128xi32, #tpu.memory_space<hbm>> -> memref<128xi32, #tpu.memory_space<hbm>>
      tpu.wait_dma2 semaphore(%run_scoped3A : memref<!tpu.dma_semaphore, #tpu.memory_space<semaphore_mem>>) src(%dma_wait3A_44 : memref<128xi32, #tpu.memory_space<hbm>>) dst(%arg6 : memref<128xi32, #tpu.memory_space<vmem>>)
      tpu.yield
    }) : () -> ()
    "tpu.region"() ({
      %run_scoped3A = tpu.sem_alloc : memref<!tpu.dma_semaphore, #tpu.memory_space<semaphore_mem>>
      %dma_start3A_34 = arith.constant 0 : i32
      %dma_start3A_35 = tpu.memref_slice %arg3[%add3A, %dma_start3A_34] : memref<2560x128xi32, #tpu.memory_space<hbm>> -> memref<1x128xi32, #tpu.memory_space<hbm>>
      %dma_start3A_36 = tpu.memref_squeeze %dma_start3A_35 : memref<1x128xi32, #tpu.memory_space<hbm>> -> memref<128xi32, #tpu.memory_space<hbm>>
      %dma_start3A_37 = arith.constant 0 : i32
      %dma_start3A_38 = tpu.memref_slice %arg3[%add3A, %dma_start3A_37] : memref<2560x128xi32, #tpu.memory_space<hbm>> -> memref<1x128xi32, #tpu.memory_space<hbm>>
      %dma_start3A_39 = tpu.memref_squeeze %dma_start3A_38 : memref<1x128xi32, #tpu.memory_space<hbm>> -> memref<128xi32, #tpu.memory_space<hbm>>
      tpu.enqueue_dma source(%dma_start3A_39 : memref<128xi32, #tpu.memory_space<hbm>>) target(%arg7 : memref<128xi32, #tpu.memory_space<vmem>>) target_semaphore(%run_scoped3A : memref<!tpu.dma_semaphore, #tpu.memory_space<semaphore_mem>>)
      %dma_wait3A = arith.constant 0 : i32
      %dma_wait3A_40 = tpu.memref_slice %arg3[%add3A, %dma_wait3A] : memref<2560x128xi32, #tpu.memory_space<hbm>> -> memref<1x128xi32, #tpu.memory_space<hbm>>
      %dma_wait3A_41 = tpu.memref_squeeze %dma_wait3A_40 : memref<1x128xi32, #tpu.memory_space<hbm>> -> memref<128xi32, #tpu.memory_space<hbm>>
      %dma_wait3A_42 = arith.constant 0 : i32
      %dma_wait3A_43 = tpu.memref_slice %arg3[%add3A, %dma_wait3A_42] : memref<2560x128xi32, #tpu.memory_space<hbm>> -> memref<1x128xi32, #tpu.memory_space<hbm>>
      %dma_wait3A_44 = tpu.memref_squeeze %dma_wait3A_43 : memref<1x128xi32, #tpu.memory_space<hbm>> -> memref<128xi32, #tpu.memory_space<hbm>>
      tpu.wait_dma2 semaphore(%run_scoped3A : memref<!tpu.dma_semaphore, #tpu.memory_space<semaphore_mem>>) src(%dma_wait3A_44 : memref<128xi32, #tpu.memory_space<hbm>>) dst(%arg7 : memref<128xi32, #tpu.memory_space<vmem>>)
      tpu.yield
    }) : () -> ()
    %dma_start3A = arith.constant 0 : i32
    %dma_start3A_18 = arith.constant 0 : i32
    %dma_start3A_19 = tpu.memref_slice %arg4[%dma_start3A, %dma_start3A_18] : memref<10000x128xf32, #tpu.memory_space<hbm>> -> memref<10000x128xf32, #tpu.memory_space<hbm>>
    tpu.enqueue_indirect_dma source(%dma_start3A_19 : memref<10000x128xf32, #tpu.memory_space<hbm>>) target(%arg10 : memref<128x128xf32, #tpu.memory_space<vmem>>) offsets(%arg6 : memref<128xi32, #tpu.memory_space<vmem>>) semaphore(%arg13 : memref<!tpu.dma_semaphore, #tpu.memory_space<semaphore_mem>>)
    %scan3A_20 = arith.constant 0 : i32
    %scan3A_21 = arith.constant 0 : i32
    %scan3A_22 = arith.constant 40 : i32
    %scan3A_23 = arith.addi %scan3A_21, %scan3A_22 : i32
    %scan3A_24 = arith.constant 1 : i32
    %scan3A_25 = scf.for %scan3A_34 = %scan3A_21 to %scan3A_23 step %scan3A_24 iter_args(%scan3A_35 = %scan3A_20) -> (i32)  : i32 {
      %mul3A_36 = arith.constant 2 : i32
      %mul3A_37 = arith.muli %scan3A_34, %mul3A_36 : i32
      %add3A_38 = arith.addi %add3A, %mul3A_37 : i32
      %add3A_39 = arith.constant 1 : i32
      %add3A_40 = arith.addi %add3A_38, %add3A_39 : i32
      "tpu.region"() ({
        %run_scoped3A = tpu.sem_alloc : memref<!tpu.dma_semaphore, #tpu.memory_space<semaphore_mem>>
        %dma_start3A_54 = arith.constant 0 : i32
        %dma_start3A_55 = tpu.memref_slice %arg2[%add3A_40, %dma_start3A_54] : memref<2560x128xi32, #tpu.memory_space<hbm>> -> memref<1x128xi32, #tpu.memory_space<hbm>>
        %dma_start3A_56 = tpu.memref_squeeze %dma_start3A_55 : memref<1x128xi32, #tpu.memory_space<hbm>> -> memref<128xi32, #tpu.memory_space<hbm>>
        %dma_start3A_57 = arith.constant 0 : i32
        %dma_start3A_58 = tpu.memref_slice %arg2[%add3A_40, %dma_start3A_57] : memref<2560x128xi32, #tpu.memory_space<hbm>> -> memref<1x128xi32, #tpu.memory_space<hbm>>
        %dma_start3A_59 = tpu.memref_squeeze %dma_start3A_58 : memref<1x128xi32, #tpu.memory_space<hbm>> -> memref<128xi32, #tpu.memory_space<hbm>>
        tpu.enqueue_dma source(%dma_start3A_59 : memref<128xi32, #tpu.memory_space<hbm>>) target(%arg8 : memref<128xi32, #tpu.memory_space<vmem>>) target_semaphore(%run_scoped3A : memref<!tpu.dma_semaphore, #tpu.memory_space<semaphore_mem>>)
        %dma_wait3A_60 = arith.constant 0 : i32
        %dma_wait3A_61 = tpu.memref_slice %arg2[%add3A_40, %dma_wait3A_60] : memref<2560x128xi32, #tpu.memory_space<hbm>> -> memref<1x128xi32, #tpu.memory_space<hbm>>
        %dma_wait3A_62 = tpu.memref_squeeze %dma_wait3A_61 : memref<1x128xi32, #tpu.memory_space<hbm>> -> memref<128xi32, #tpu.memory_space<hbm>>
        %dma_wait3A_63 = arith.constant 0 : i32
        %dma_wait3A_64 = tpu.memref_slice %arg2[%add3A_40, %dma_wait3A_63] : memref<2560x128xi32, #tpu.memory_space<hbm>> -> memref<1x128xi32, #tpu.memory_space<hbm>>
        %dma_wait3A_65 = tpu.memref_squeeze %dma_wait3A_64 : memref<1x128xi32, #tpu.memory_space<hbm>> -> memref<128xi32, #tpu.memory_space<hbm>>
        tpu.wait_dma2 semaphore(%run_scoped3A : memref<!tpu.dma_semaphore, #tpu.memory_space<semaphore_mem>>) src(%dma_wait3A_65 : memref<128xi32, #tpu.memory_space<hbm>>) dst(%arg8 : memref<128xi32, #tpu.memory_space<vmem>>)
        tpu.yield
      }) : () -> ()
      %add3A_41 = arith.constant 1 : i32
      %add3A_42 = arith.addi %add3A_38, %add3A_41 : i32
      "tpu.region"() ({
        %run_scoped3A = tpu.sem_alloc : memref<!tpu.dma_semaphore, #tpu.memory_space<semaphore_mem>>
        %dma_start3A_54 = arith.constant 0 : i32
        %dma_start3A_55 = tpu.memref_slice %arg3[%add3A_42, %dma_start3A_54] : memref<2560x128xi32, #tpu.memory_space<hbm>> -> memref<1x128xi32, #tpu.memory_space<hbm>>
        %dma_start3A_56 = tpu.memref_squeeze %dma_start3A_55 : memref<1x128xi32, #tpu.memory_space<hbm>> -> memref<128xi32, #tpu.memory_space<hbm>>
        %dma_start3A_57 = arith.constant 0 : i32
        %dma_start3A_58 = tpu.memref_slice %arg3[%add3A_42, %dma_start3A_57] : memref<2560x128xi32, #tpu.memory_space<hbm>> -> memref<1x128xi32, #tpu.memory_space<hbm>>
        %dma_start3A_59 = tpu.memref_squeeze %dma_start3A_58 : memref<1x128xi32, #tpu.memory_space<hbm>> -> memref<128xi32, #tpu.memory_space<hbm>>
        tpu.enqueue_dma source(%dma_start3A_59 : memref<128xi32, #tpu.memory_space<hbm>>) target(%arg9 : memref<128xi32, #tpu.memory_space<vmem>>) target_semaphore(%run_scoped3A : memref<!tpu.dma_semaphore, #tpu.memory_space<semaphore_mem>>)
        %dma_wait3A_60 = arith.constant 0 : i32
        %dma_wait3A_61 = tpu.memref_slice %arg3[%add3A_42, %dma_wait3A_60] : memref<2560x128xi32, #tpu.memory_space<hbm>> -> memref<1x128xi32, #tpu.memory_space<hbm>>
        %dma_wait3A_62 = tpu.memref_squeeze %dma_wait3A_61 : memref<1x128xi32, #tpu.memory_space<hbm>> -> memref<128xi32, #tpu.memory_space<hbm>>
        %dma_wait3A_63 = arith.constant 0 : i32
        %dma_wait3A_64 = tpu.memref_slice %arg3[%add3A_42, %dma_wait3A_63] : memref<2560x128xi32, #tpu.memory_space<hbm>> -> memref<1x128xi32, #tpu.memory_space<hbm>>
        %dma_wait3A_65 = tpu.memref_squeeze %dma_wait3A_64 : memref<1x128xi32, #tpu.memory_space<hbm>> -> memref<128xi32, #tpu.memory_space<hbm>>
        tpu.wait_dma2 semaphore(%run_scoped3A : memref<!tpu.dma_semaphore, #tpu.memory_space<semaphore_mem>>) src(%dma_wait3A_65 : memref<128xi32, #tpu.memory_space<hbm>>) dst(%arg9 : memref<128xi32, #tpu.memory_space<vmem>>)
        tpu.yield
      }) : () -> ()
      %dma_start3A_43 = arith.constant 0 : i32
      %dma_start3A_44 = arith.constant 0 : i32
      %dma_start3A_45 = tpu.memref_slice %arg4[%dma_start3A_43, %dma_start3A_44] : memref<10000x128xf32, #tpu.memory_space<hbm>> -> memref<10000x128xf32, #tpu.memory_space<hbm>>
      tpu.enqueue_indirect_dma source(%dma_start3A_45 : memref<10000x128xf32, #tpu.memory_space<hbm>>) target(%arg11 : memref<128x128xf32, #tpu.memory_space<vmem>>) offsets(%arg8 : memref<128xi32, #tpu.memory_space<vmem>>) semaphore(%arg14 : memref<!tpu.dma_semaphore, #tpu.memory_space<semaphore_mem>>)
      %dma_wait3A = arith.constant 0 : i32
      %dma_wait3A_46 = arith.constant 0 : i32
      %dma_wait3A_47 = tpu.memref_slice %arg4[%dma_wait3A, %dma_wait3A_46] : memref<10000x128xf32, #tpu.memory_space<hbm>> -> memref<10000x128xf32, #tpu.memory_space<hbm>>
      tpu.wait_indirect_dma semaphore(%arg13 : memref<!tpu.dma_semaphore, #tpu.memory_space<semaphore_mem>>) src(%dma_wait3A_47 : memref<10000x128xf32, #tpu.memory_space<hbm>>) dst(%arg10 : memref<128x128xf32, #tpu.memory_space<vmem>>)
      "tpu.region"() ({
        %run_scoped3A = tpu.sem_alloc : memref<!tpu.dma_semaphore, #tpu.memory_space<semaphore_mem>>
        %dma_start3A_54 = arith.constant 0 : i32
        %dma_start3A_55 = arith.constant 0 : i32
        %dma_start3A_56 = tpu.memref_slice %arg12[%dma_start3A_54, %dma_start3A_55] : memref<10240x128xf32, #tpu.memory_space<vmem_shared>> -> memref<10240x128xf32, #tpu.memory_space<vmem_shared>>
        tpu.enqueue_indirect_dma source(%arg10 : memref<128x128xf32, #tpu.memory_space<vmem>>) target(%dma_start3A_56 : memref<10240x128xf32, #tpu.memory_space<vmem_shared>>) offsets(%arg7 : memref<128xi32, #tpu.memory_space<vmem>>) semaphore(%run_scoped3A : memref<!tpu.dma_semaphore, #tpu.memory_space<semaphore_mem>>) {add = true}
        %dma_wait3A_57 = arith.constant 0 : i32
        %dma_wait3A_58 = arith.constant 0 : i32
        %dma_wait3A_59 = tpu.memref_slice %arg12[%dma_wait3A_57, %dma_wait3A_58] : memref<10240x128xf32, #tpu.memory_space<vmem_shared>> -> memref<10240x128xf32, #tpu.memory_space<vmem_shared>>
        tpu.wait_indirect_dma semaphore(%run_scoped3A : memref<!tpu.dma_semaphore, #tpu.memory_space<semaphore_mem>>) src(%arg10 : memref<128x128xf32, #tpu.memory_space<vmem>>) dst(%dma_wait3A_59 : memref<10240x128xf32, #tpu.memory_space<vmem_shared>>)
        tpu.yield
      }) : () -> ()
      %lt3A = arith.constant 39 : i32
      %lt3A_48 = arith.cmpi slt, %scan3A_34, %lt3A : i32
      %convert_element_type3A = arith.extui %lt3A_48 : i1 to i32
      %cond3A = arith.constant 0 : i32
      %cond3A_49 = arith.cmpi ne, %convert_element_type3A, %cond3A : i32
      scf.if %cond3A_49 {
        %add3A_54 = arith.constant 2 : i32
        %add3A_55 = arith.addi %add3A_38, %add3A_54 : i32
        "tpu.region"() ({
          %run_scoped3A = tpu.sem_alloc : memref<!tpu.dma_semaphore, #tpu.memory_space<semaphore_mem>>
          %dma_start3A_61 = arith.constant 0 : i32
          %dma_start3A_62 = tpu.memref_slice %arg2[%add3A_55, %dma_start3A_61] : memref<2560x128xi32, #tpu.memory_space<hbm>> -> memref<1x128xi32, #tpu.memory_space<hbm>>
          %dma_start3A_63 = tpu.memref_squeeze %dma_start3A_62 : memref<1x128xi32, #tpu.memory_space<hbm>> -> memref<128xi32, #tpu.memory_space<hbm>>
          %dma_start3A_64 = arith.constant 0 : i32
          %dma_start3A_65 = tpu.memref_slice %arg2[%add3A_55, %dma_start3A_64] : memref<2560x128xi32, #tpu.memory_space<hbm>> -> memref<1x128xi32, #tpu.memory_space<hbm>>
          %dma_start3A_66 = tpu.memref_squeeze %dma_start3A_65 : memref<1x128xi32, #tpu.memory_space<hbm>> -> memref<128xi32, #tpu.memory_space<hbm>>
          tpu.enqueue_dma source(%dma_start3A_66 : memref<128xi32, #tpu.memory_space<hbm>>) target(%arg6 : memref<128xi32, #tpu.memory_space<vmem>>) target_semaphore(%run_scoped3A : memref<!tpu.dma_semaphore, #tpu.memory_space<semaphore_mem>>)
          %dma_wait3A_67 = arith.constant 0 : i32
          %dma_wait3A_68 = tpu.memref_slice %arg2[%add3A_55, %dma_wait3A_67] : memref<2560x128xi32, #tpu.memory_space<hbm>> -> memref<1x128xi32, #tpu.memory_space<hbm>>
          %dma_wait3A_69 = tpu.memref_squeeze %dma_wait3A_68 : memref<1x128xi32, #tpu.memory_space<hbm>> -> memref<128xi32, #tpu.memory_space<hbm>>
          %dma_wait3A_70 = arith.constant 0 : i32
          %dma_wait3A_71 = tpu.memref_slice %arg2[%add3A_55, %dma_wait3A_70] : memref<2560x128xi32, #tpu.memory_space<hbm>> -> memref<1x128xi32, #tpu.memory_space<hbm>>
          %dma_wait3A_72 = tpu.memref_squeeze %dma_wait3A_71 : memref<1x128xi32, #tpu.memory_space<hbm>> -> memref<128xi32, #tpu.memory_space<hbm>>
          tpu.wait_dma2 semaphore(%run_scoped3A : memref<!tpu.dma_semaphore, #tpu.memory_space<semaphore_mem>>) src(%dma_wait3A_72 : memref<128xi32, #tpu.memory_space<hbm>>) dst(%arg6 : memref<128xi32, #tpu.memory_space<vmem>>)
          tpu.yield
        }) : () -> ()
        %add3A_56 = arith.constant 2 : i32
        %add3A_57 = arith.addi %add3A_38, %add3A_56 : i32
        "tpu.region"() ({
          %run_scoped3A = tpu.sem_alloc : memref<!tpu.dma_semaphore, #tpu.memory_space<semaphore_mem>>
          %dma_start3A_61 = arith.constant 0 : i32
          %dma_start3A_62 = tpu.memref_slice %arg3[%add3A_57, %dma_start3A_61] : memref<2560x128xi32, #tpu.memory_space<hbm>> -> memref<1x128xi32, #tpu.memory_space<hbm>>
          %dma_start3A_63 = tpu.memref_squeeze %dma_start3A_62 : memref<1x128xi32, #tpu.memory_space<hbm>> -> memref<128xi32, #tpu.memory_space<hbm>>
          %dma_start3A_64 = arith.constant 0 : i32
          %dma_start3A_65 = tpu.memref_slice %arg3[%add3A_57, %dma_start3A_64] : memref<2560x128xi32, #tpu.memory_space<hbm>> -> memref<1x128xi32, #tpu.memory_space<hbm>>
          %dma_start3A_66 = tpu.memref_squeeze %dma_start3A_65 : memref<1x128xi32, #tpu.memory_space<hbm>> -> memref<128xi32, #tpu.memory_space<hbm>>
          tpu.enqueue_dma source(%dma_start3A_66 : memref<128xi32, #tpu.memory_space<hbm>>) target(%arg7 : memref<128xi32, #tpu.memory_space<vmem>>) target_semaphore(%run_scoped3A : memref<!tpu.dma_semaphore, #tpu.memory_space<semaphore_mem>>)
          %dma_wait3A_67 = arith.constant 0 : i32
          %dma_wait3A_68 = tpu.memref_slice %arg3[%add3A_57, %dma_wait3A_67] : memref<2560x128xi32, #tpu.memory_space<hbm>> -> memref<1x128xi32, #tpu.memory_space<hbm>>
          %dma_wait3A_69 = tpu.memref_squeeze %dma_wait3A_68 : memref<1x128xi32, #tpu.memory_space<hbm>> -> memref<128xi32, #tpu.memory_space<hbm>>
          %dma_wait3A_70 = arith.constant 0 : i32
          %dma_wait3A_71 = tpu.memref_slice %arg3[%add3A_57, %dma_wait3A_70] : memref<2560x128xi32, #tpu.memory_space<hbm>> -> memref<1x128xi32, #tpu.memory_space<hbm>>
          %dma_wait3A_72 = tpu.memref_squeeze %dma_wait3A_71 : memref<1x128xi32, #tpu.memory_space<hbm>> -> memref<128xi32, #tpu.memory_space<hbm>>
          tpu.wait_dma2 semaphore(%run_scoped3A : memref<!tpu.dma_semaphore, #tpu.memory_space<semaphore_mem>>) src(%dma_wait3A_72 : memref<128xi32, #tpu.memory_space<hbm>>) dst(%arg7 : memref<128xi32, #tpu.memory_space<vmem>>)
          tpu.yield
        }) : () -> ()
        %dma_start3A_58 = arith.constant 0 : i32
        %dma_start3A_59 = arith.constant 0 : i32
        %dma_start3A_60 = tpu.memref_slice %arg4[%dma_start3A_58, %dma_start3A_59] : memref<10000x128xf32, #tpu.memory_space<hbm>> -> memref<10000x128xf32, #tpu.memory_space<hbm>>
        tpu.enqueue_indirect_dma source(%dma_start3A_60 : memref<10000x128xf32, #tpu.memory_space<hbm>>) target(%arg10 : memref<128x128xf32, #tpu.memory_space<vmem>>) offsets(%arg6 : memref<128xi32, #tpu.memory_space<vmem>>) semaphore(%arg13 : memref<!tpu.dma_semaphore, #tpu.memory_space<semaphore_mem>>)
      } else {
      }
      %dma_wait3A_50 = arith.constant 0 : i32
      %dma_wait3A_51 = arith.constant 0 : i32
      %dma_wait3A_52 = tpu.memref_slice %arg4[%dma_wait3A_50, %dma_wait3A_51] : memref<10000x128xf32, #tpu.memory_space<hbm>> -> memref<10000x128xf32, #tpu.memory_space<hbm>>
      tpu.wait_indirect_dma semaphore(%arg14 : memref<!tpu.dma_semaphore, #tpu.memory_space<semaphore_mem>>) src(%dma_wait3A_52 : memref<10000x128xf32, #tpu.memory_space<hbm>>) dst(%arg11 : memref<128x128xf32, #tpu.memory_space<vmem>>)
      "tpu.region"() ({
        %run_scoped3A = tpu.sem_alloc : memref<!tpu.dma_semaphore, #tpu.memory_space<semaphore_mem>>
        %dma_start3A_54 = arith.constant 0 : i32
        %dma_start3A_55 = arith.constant 0 : i32
        %dma_start3A_56 = tpu.memref_slice %arg12[%dma_start3A_54, %dma_start3A_55] : memref<10240x128xf32, #tpu.memory_space<vmem_shared>> -> memref<10240x128xf32, #tpu.memory_space<vmem_shared>>
        tpu.enqueue_indirect_dma source(%arg11 : memref<128x128xf32, #tpu.memory_space<vmem>>) target(%dma_start3A_56 : memref<10240x128xf32, #tpu.memory_space<vmem_shared>>) offsets(%arg9 : memref<128xi32, #tpu.memory_space<vmem>>) semaphore(%run_scoped3A : memref<!tpu.dma_semaphore, #tpu.memory_space<semaphore_mem>>) {add = true}
        %dma_wait3A_57 = arith.constant 0 : i32
        %dma_wait3A_58 = arith.constant 0 : i32
        %dma_wait3A_59 = tpu.memref_slice %arg12[%dma_wait3A_57, %dma_wait3A_58] : memref<10240x128xf32, #tpu.memory_space<vmem_shared>> -> memref<10240x128xf32, #tpu.memory_space<vmem_shared>>
        tpu.wait_indirect_dma semaphore(%run_scoped3A : memref<!tpu.dma_semaphore, #tpu.memory_space<semaphore_mem>>) src(%arg11 : memref<128x128xf32, #tpu.memory_space<vmem>>) dst(%dma_wait3A_59 : memref<10240x128xf32, #tpu.memory_space<vmem_shared>>)
        tpu.yield
      }) : () -> ()
      %scan3A_53 = arith.constant 0 : i32
      scf.yield %scan3A_53 : i32
    }
    %scan3A_26 = arith.constant 40 : i32
    %barrier3A_27 = arith.constant 0 : index
    tpu.barrier barrier_id(%barrier3A_27)
    %mul3A_28 = arith.constant 640 : i32
    %mul3A_29 = arith.muli %arg1, %mul3A_28 : i32
    %multiple_of3A_30 = tpu.assume_multiple %mul3A_29, 640 : i32
    %mul3A_31 = arith.constant 640 : i32
    %mul3A_32 = arith.muli %arg1, %mul3A_31 : i32
    %multiple_of3A_33 = tpu.assume_multiple %mul3A_32, 640 : i32
    "tpu.region"() ({
      %run_scoped3A = tpu.sem_alloc : memref<!tpu.dma_semaphore, #tpu.memory_space<semaphore_mem>>
      %dma_start3A_34 = arith.constant 0 : i32
      %dma_start3A_35 = tpu.memref_slice %arg5[%arg0, %multiple_of3A_33, %dma_start3A_34] : memref<2x10240x128xf32, #tpu.memory_space<hbm>> -> memref<1x640x128xf32, #tpu.memory_space<hbm>>
      %dma_start3A_36 = tpu.memref_squeeze %dma_start3A_35 : memref<1x640x128xf32, #tpu.memory_space<hbm>> -> memref<640x128xf32, #tpu.memory_space<hbm>>
      %dma_start3A_37 = arith.constant 0 : i32
      %dma_start3A_38 = tpu.memref_slice %arg12[%multiple_of3A_30, %dma_start3A_37] : memref<10240x128xf32, #tpu.memory_space<vmem_shared>> -> memref<640x128xf32, #tpu.memory_space<vmem_shared>>
      tpu.enqueue_dma source(%dma_start3A_38 : memref<640x128xf32, #tpu.memory_space<vmem_shared>>) target(%dma_start3A_36 : memref<640x128xf32, #tpu.memory_space<hbm>>) target_semaphore(%run_scoped3A : memref<!tpu.dma_semaphore, #tpu.memory_space<semaphore_mem>>)
      %dma_wait3A = arith.constant 0 : i32
      %dma_wait3A_39 = tpu.memref_slice %arg5[%arg0, %multiple_of3A_33, %dma_wait3A] : memref<2x10240x128xf32, #tpu.memory_space<hbm>> -> memref<1x640x128xf32, #tpu.memory_space<hbm>>
      %dma_wait3A_40 = tpu.memref_squeeze %dma_wait3A_39 : memref<1x640x128xf32, #tpu.memory_space<hbm>> -> memref<640x128xf32, #tpu.memory_space<hbm>>
      %dma_wait3A_41 = arith.constant 0 : i32
      %dma_wait3A_42 = tpu.memref_slice %arg12[%multiple_of3A_30, %dma_wait3A_41] : memref<10240x128xf32, #tpu.memory_space<vmem_shared>> -> memref<640x128xf32, #tpu.memory_space<vmem_shared>>
      tpu.wait_dma2 semaphore(%run_scoped3A : memref<!tpu.dma_semaphore, #tpu.memory_space<semaphore_mem>>) src(%dma_wait3A_42 : memref<640x128xf32, #tpu.memory_space<vmem_shared>>) dst(%dma_wait3A_40 : memref<640x128xf32, #tpu.memory_space<hbm>>)
      tpu.yield
    }) : () -> ()
    return
  }
}

module attributes {stable_mosaic.version = 14 : i64} {
  func.func @_tc_body(%arg0: i32, %arg1: memref<512x128xf32, #tpu.memory_space<vmem>>, %arg2: memref<2x512x128xf32, #tpu.memory_space<vmem>>, %arg3: memref<1x1x512xf32, #tpu.memory_space<vmem>>, %arg4: memref<1x1x512xi32, #tpu.memory_space<vmem>>, %arg5: memref<2x64x512xf32, #tpu.memory_space<vmem>>, %arg6: memref<64x128xf32, #tpu.memory_space<vmem>>, %arg7: memref<256x128xf32, #tpu.memory_space<vmem>>, %arg8: memref<256x128xf32, #tpu.memory_space<vmem>>, %arg9: memref<256x256xf32, #tpu.memory_space<vmem>>, %arg10: memref<256x256xf32, #tpu.memory_space<vmem>>, %arg11: memref<256x256xf32, #tpu.memory_space<vmem>>, %arg12: memref<256x128xf32, #tpu.memory_space<vmem>>, %arg13: memref<128x256xf32, #tpu.memory_space<vmem>>, %arg14: memref<1x256xf32, #tpu.memory_space<vmem>>, %arg15: memref<1x256xf32, #tpu.memory_space<vmem>>, %arg16: memref<1x256xf32, #tpu.memory_space<vmem>>, %arg17: memref<1x128xf32, #tpu.memory_space<vmem>>, %arg18: memref<64x128xf32, #tpu.memory_space<vmem>>, %arg19: memref<64x256xf32, #tpu.memory_space<vmem>>, %arg20: memref<64x256xf32, #tpu.memory_space<vmem>>, %arg21: memref<64x128xf32, #tpu.memory_space<vmem>>) attributes {dimension_semantics = [#tpu.dimension_semantics<arbitrary>], iteration_bounds = array<i64: 20>, scalar_prefetch = 0 : i64, scratch_operands = 3 : i64, tpu.core_type = #tpu.core_type<tc>, window_params = [{transform_indices = @transform_0, window_bounds = array<i64: 512, 128>}, {transform_indices = @transform_1, window_bounds = array<i64: 2, 512, 128>}, {transform_indices = @transform_2, window_bounds = array<i64: 1, 1, 512>}, {transform_indices = @transform_3, window_bounds = array<i64: 1, 1, 512>}, {transform_indices = @transform_4, window_bounds = array<i64: 2, 64, 512>}, {pipeline_mode = #tpu.pipeline_mode<synchronous>, transform_indices = @transform_5, window_bounds = array<i64: 64, 128>}, {pipeline_mode = #tpu.pipeline_mode<synchronous>, transform_indices = @transform_6, window_bounds = array<i64: 256, 128>}, {pipeline_mode = #tpu.pipeline_mode<synchronous>, transform_indices = @transform_7, window_bounds = array<i64: 256, 128>}, {pipeline_mode = #tpu.pipeline_mode<synchronous>, transform_indices = @transform_8, window_bounds = array<i64: 256, 256>}, {pipeline_mode = #tpu.pipeline_mode<synchronous>, transform_indices = @transform_9, window_bounds = array<i64: 256, 256>}, {pipeline_mode = #tpu.pipeline_mode<synchronous>, transform_indices = @transform_10, window_bounds = array<i64: 256, 256>}, {pipeline_mode = #tpu.pipeline_mode<synchronous>, transform_indices = @transform_11, window_bounds = array<i64: 256, 128>}, {pipeline_mode = #tpu.pipeline_mode<synchronous>, transform_indices = @transform_12, window_bounds = array<i64: 128, 256>}, {pipeline_mode = #tpu.pipeline_mode<synchronous>, transform_indices = @transform_13, window_bounds = array<i64: 1, 256>}, {pipeline_mode = #tpu.pipeline_mode<synchronous>, transform_indices = @transform_14, window_bounds = array<i64: 1, 256>}, {pipeline_mode = #tpu.pipeline_mode<synchronous>, transform_indices = @transform_15, window_bounds = array<i64: 1, 256>}, {pipeline_mode = #tpu.pipeline_mode<synchronous>, transform_indices = @transform_16, window_bounds = array<i64: 1, 128>}, {pipeline_mode = #tpu.pipeline_mode<synchronous>, transform_indices = @transform_17, window_bounds = array<i64: 64, 128>}]} {
    %eq3A = arith.constant 0 : i32
    %eq3A_0 = arith.cmpi eq, %arg0, %eq3A : i32
    %convert_element_type3A = arith.extui %eq3A_0 : i1 to i32
    %cond3A = arith.constant 0 : i32
    %cond3A_1 = arith.cmpi ne, %convert_element_type3A, %cond3A : i32
    scf.if %cond3A_1 {
      %broadcast_in_dim3A_91 = arith.constant 0.000000e+00 : f32
      %broadcast_in_dim3A_92 = vector.broadcast %broadcast_in_dim3A_91 : f32 to vector<64x256xf32>
      %swap3A_93 = arith.constant 0 : index
      %swap3A_94 = arith.constant 0 : index
      %swap3A_95 = vector.load %arg19[%swap3A_93, %swap3A_94] : memref<64x256xf32, #tpu.memory_space<vmem>>, vector<64x256xf32>
      tpu.vector_store %arg19[%swap3A_93, %swap3A_94], %broadcast_in_dim3A_92 {strides = array<i32>} : memref<64x256xf32, #tpu.memory_space<vmem>>, vector<64x256xf32>,
      %broadcast_in_dim3A_96 = arith.constant 0.000000e+00 : f32
      %broadcast_in_dim3A_97 = vector.broadcast %broadcast_in_dim3A_96 : f32 to vector<64x256xf32>
      %swap3A_98 = arith.constant 0 : index
      %swap3A_99 = arith.constant 0 : index
      %swap3A_100 = vector.load %arg20[%swap3A_98, %swap3A_99] : memref<64x256xf32, #tpu.memory_space<vmem>>, vector<64x256xf32>
      tpu.vector_store %arg20[%swap3A_98, %swap3A_99], %broadcast_in_dim3A_97 {strides = array<i32>} : memref<64x256xf32, #tpu.memory_space<vmem>>, vector<64x256xf32>,
      %broadcast_in_dim3A_101 = arith.constant 0.000000e+00 : f32
      %broadcast_in_dim3A_102 = vector.broadcast %broadcast_in_dim3A_101 : f32 to vector<64x128xf32>
      %swap3A_103 = arith.constant 0 : index
      %swap3A_104 = arith.constant 0 : index
      %swap3A_105 = vector.load %arg21[%swap3A_103, %swap3A_104] : memref<64x128xf32, #tpu.memory_space<vmem>>, vector<64x128xf32>
      tpu.vector_store %arg21[%swap3A_103, %swap3A_104], %broadcast_in_dim3A_102 {strides = array<i32>} : memref<64x128xf32, #tpu.memory_space<vmem>>, vector<64x128xf32>,
    } else {
    }
    %get3A = arith.constant 0 : index
    %get3A_2 = arith.constant 0 : index
    %get3A_3 = arith.constant 0 : index
    %get3A_4 = vector.load %arg2[%get3A, %get3A_2, %get3A_3] : memref<2x512x128xf32, #tpu.memory_space<vmem>>, vector<1x512x128xf32>
    %get3A_5 = vector.shape_cast %get3A_4 : vector<1x512x128xf32> to vector<512x128xf32>
    %get3A_6 = arith.constant 1 : index
    %get3A_7 = arith.constant 0 : index
    %get3A_8 = arith.constant 0 : index
    %get3A_9 = vector.load %arg2[%get3A_6, %get3A_7, %get3A_8] : memref<2x512x128xf32, #tpu.memory_space<vmem>>, vector<1x512x128xf32>
    %get3A_10 = vector.shape_cast %get3A_9 : vector<1x512x128xf32> to vector<512x128xf32>
    %add3A = arith.addf %get3A_5, %get3A_10 : vector<512x128xf32>
    %get3A_11 = arith.constant 0 : index
    %get3A_12 = arith.constant 0 : index
    %get3A_13 = arith.constant 0 : index
    %get3A_14 = vector.load %arg3[%get3A_11, %get3A_12, %get3A_13] : memref<1x1x512xf32, #tpu.memory_space<vmem>>, vector<1x1x512xf32>
    %get3A_15 = vector.shape_cast %get3A_14 : vector<1x1x512xf32> to vector<512xf32>
    %broadcast_in_dim3A = vector.shape_cast %get3A_15 : vector<512xf32> to vector<512x1xf32>
    %mul3A = vector.broadcast %broadcast_in_dim3A : vector<512x1xf32> to vector<512x128xf32>
    %mul3A_16 = arith.mulf %add3A, %mul3A : vector<512x128xf32>
    %get3A_17 = arith.constant 0 : index
    %get3A_18 = arith.constant 0 : index
    %get3A_19 = vector.load %arg7[%get3A_17, %get3A_18] : memref<256x128xf32, #tpu.memory_space<vmem>>, vector<256x128xf32>
    %dot_general3A = arith.constant dense<0.000000e+00> : vector<512x256xf32>
    %dot_general3A_20 = tpu.matmul %mul3A_16, %get3A_19, %dot_general3A {dimension_numbers = #tpu.dot_dimension_numbers<[1], [1], [0], [0], [0, 0, 1, 0], [], []>, transpose_lhs_hint = false} : vector<512x128xf32>, vector<256x128xf32>, vector<512x256xf32> -> vector<512x256xf32>
    %get3A_21 = arith.constant 0 : index
    %get3A_22 = arith.constant 0 : index
    %get3A_23 = vector.load %arg14[%get3A_21, %get3A_22] : memref<1x256xf32, #tpu.memory_space<vmem>>, vector<1x256xf32>
    %add3A_24 = vector.broadcast %get3A_23 : vector<1x256xf32> to vector<512x256xf32>
    %add3A_25 = arith.addf %dot_general3A_20, %add3A_24 : vector<512x256xf32>
    %get3A_26 = arith.constant 0 : index
    %get3A_27 = arith.constant 0 : index
    %get3A_28 = vector.load %arg1[%get3A_26, %get3A_27] : memref<512x128xf32, #tpu.memory_space<vmem>>, vector<512x128xf32>
    %get3A_29 = arith.constant 0 : index
    %get3A_30 = arith.constant 0 : index
    %get3A_31 = vector.load %arg8[%get3A_29, %get3A_30] : memref<256x128xf32, #tpu.memory_space<vmem>>, vector<256x128xf32>
    %dot_general3A_32 = arith.constant dense<0.000000e+00> : vector<512x256xf32>
    %dot_general3A_33 = tpu.matmul %get3A_28, %get3A_31, %dot_general3A_32 {dimension_numbers = #tpu.dot_dimension_numbers<[1], [1], [0], [0], [0, 0, 1, 0], [], []>, transpose_lhs_hint = false} : vector<512x128xf32>, vector<256x128xf32>, vector<512x256xf32> -> vector<512x256xf32>
    %add3A_34 = arith.addf %add3A_25, %dot_general3A_33 : vector<512x256xf32>
    %max3A = arith.constant 0.000000e+00 : f32
    %max3A_35 = vector.broadcast %max3A : f32 to vector<512x256xf32>
    %max3A_36 = arith.maximumf %add3A_34, %max3A_35 : vector<512x256xf32>
    %get3A_37 = arith.constant 0 : index
    %get3A_38 = arith.constant 0 : index
    %get3A_39 = arith.constant 0 : index
    %get3A_40 = vector.load %arg5[%get3A_37, %get3A_38, %get3A_39] : memref<2x64x512xf32, #tpu.memory_space<vmem>>, vector<1x64x512xf32>
    %get3A_41 = vector.shape_cast %get3A_40 : vector<1x64x512xf32> to vector<64x512xf32>
    %get3A_42 = arith.constant 1 : index
    %get3A_43 = arith.constant 0 : index
    %get3A_44 = arith.constant 0 : index
    %get3A_45 = vector.load %arg5[%get3A_42, %get3A_43, %get3A_44] : memref<2x64x512xf32, #tpu.memory_space<vmem>>, vector<1x64x512xf32>
    %get3A_46 = vector.shape_cast %get3A_45 : vector<1x64x512xf32> to vector<64x512xf32>
    %add3A_47 = arith.addf %get3A_41, %get3A_46 : vector<64x512xf32>
    %get3A_48 = arith.constant 0 : index
    %get3A_49 = arith.constant 0 : index
    %get3A_50 = vector.load %arg19[%get3A_48, %get3A_49] : memref<64x256xf32, #tpu.memory_space<vmem>>, vector<64x256xf32>
    %dot_general3A_51 = arith.constant dense<0.000000e+00> : vector<64x256xf32>
    %dot_general3A_52 = tpu.matmul %add3A_47, %max3A_36, %dot_general3A_51 {dimension_numbers = #tpu.dot_dimension_numbers<[1], [0], [0], [1], [0, 0, 1, 1], [], []>, transpose_lhs_hint = false} : vector<64x512xf32>, vector<512x256xf32>, vector<64x256xf32> -> vector<64x256xf32>
    %add3A_53 = arith.addf %get3A_50, %dot_general3A_52 : vector<64x256xf32>
    %swap3A = arith.constant 0 : index
    %swap3A_54 = arith.constant 0 : index
    %swap3A_55 = vector.load %arg19[%swap3A, %swap3A_54] : memref<64x256xf32, #tpu.memory_space<vmem>>, vector<64x256xf32>
    tpu.vector_store %arg19[%swap3A, %swap3A_54], %add3A_53 {strides = array<i32>} : memref<64x256xf32, #tpu.memory_space<vmem>>, vector<64x256xf32>,
    %get3A_56 = arith.constant 0 : index
    %get3A_57 = arith.constant 0 : index
    %get3A_58 = arith.constant 0 : index
    %get3A_59 = vector.load %arg4[%get3A_56, %get3A_57, %get3A_58] : memref<1x1x512xi32, #tpu.memory_space<vmem>>, vector<1x1x512xi32>
    %get3A_60 = vector.shape_cast %get3A_59 : vector<1x1x512xi32> to vector<512xi32>
    %iota3A = tpu.iota {dimensions = array<i32: 0>} : vector<64x512xi32>
    %broadcast_in_dim3A_61 = vector.shape_cast %get3A_60 : vector<512xi32> to vector<1x512xi32>
    %eq3A_62 = vector.broadcast %broadcast_in_dim3A_61 : vector<1x512xi32> to vector<64x512xi32>
    %eq3A_63 = arith.cmpi eq, %iota3A, %eq3A_62 : vector<64x512xi32>
    %convert_element_type3A_64 = arith.extui %eq3A_63 : vector<64x512xi1> to vector<64x512xi32>
    %convert_element_type3A_65 = arith.sitofp %convert_element_type3A_64 : vector<64x512xi32> to vector<64x512xf32>
    %get3A_66 = arith.constant 0 : index
    %get3A_67 = arith.constant 0 : index
    %get3A_68 = vector.load %arg20[%get3A_66, %get3A_67] : memref<64x256xf32, #tpu.memory_space<vmem>>, vector<64x256xf32>
    %dot_general3A_69 = arith.constant dense<0.000000e+00> : vector<64x256xf32>
    %dot_general3A_70 = tpu.matmul %convert_element_type3A_65, %max3A_36, %dot_general3A_69 {dimension_numbers = #tpu.dot_dimension_numbers<[1], [0], [0], [1], [0, 0, 1, 1], [], []>, transpose_lhs_hint = false} : vector<64x512xf32>, vector<512x256xf32>, vector<64x256xf32> -> vector<64x256xf32>
    %add3A_71 = arith.addf %get3A_68, %dot_general3A_70 : vector<64x256xf32>
    %swap3A_72 = arith.constant 0 : index
    %swap3A_73 = arith.constant 0 : index
    %swap3A_74 = vector.load %arg20[%swap3A_72, %swap3A_73] : memref<64x256xf32, #tpu.memory_space<vmem>>, vector<64x256xf32>
    tpu.vector_store %arg20[%swap3A_72, %swap3A_73], %add3A_71 {strides = array<i32>} : memref<64x256xf32, #tpu.memory_space<vmem>>, vector<64x256xf32>,
    %get3A_75 = arith.constant 0 : index
    %get3A_76 = arith.constant 0 : index
    %get3A_77 = vector.load %arg21[%get3A_75, %get3A_76] : memref<64x128xf32, #tpu.memory_space<vmem>>, vector<64x128xf32>
    %reduce_sum3A = arith.constant dense<0.000000e+00> : vector<64xf32>
    %reduce_sum3A_78 = vector.multi_reduction <add>, %convert_element_type3A_65, %reduce_sum3A [1] : vector<64x512xf32> to vector<64xf32>
    %broadcast_in_dim3A_79 = vector.shape_cast %reduce_sum3A_78 : vector<64xf32> to vector<64x1xf32>
    %broadcast_in_dim3A_80 = vector.shape_cast %broadcast_in_dim3A_79 : vector<64x1xf32> to vector<64x1xf32>
    %broadcast_in_dim3A_81 = vector.broadcast %broadcast_in_dim3A_80 : vector<64x1xf32> to vector<64x128xf32>
    %add3A_82 = arith.addf %get3A_77, %broadcast_in_dim3A_81 : vector<64x128xf32>
    %swap3A_83 = arith.constant 0 : index
    %swap3A_84 = arith.constant 0 : index
    %swap3A_85 = vector.load %arg21[%swap3A_83, %swap3A_84] : memref<64x128xf32, #tpu.memory_space<vmem>>, vector<64x128xf32>
    tpu.vector_store %arg21[%swap3A_83, %swap3A_84], %add3A_82 {strides = array<i32>} : memref<64x128xf32, #tpu.memory_space<vmem>>, vector<64x128xf32>,
    %eq3A_86 = arith.constant 19 : i32
    %eq3A_87 = arith.cmpi eq, %arg0, %eq3A_86 : i32
    %convert_element_type3A_88 = arith.extui %eq3A_87 : i1 to i32
    %cond3A_89 = arith.constant 0 : i32
    %cond3A_90 = arith.cmpi ne, %convert_element_type3A_88, %cond3A_89 : i32
    scf.if %cond3A_90 {
      %get3A_91 = arith.constant 0 : index
      %get3A_92 = arith.constant 0 : index
      %get3A_93 = vector.load %arg21[%get3A_91, %get3A_92] : memref<64x128xf32, #tpu.memory_space<vmem>>, vector<64x128xf32>
      %slice3A = vector.extract_strided_slice %get3A_93 {offsets = [0, 0], sizes = [64, 1], strides = [1, 1]} : vector<64x128xf32> to vector<64x1xf32>
      %max3A_94 = arith.constant 1.000000e+00 : f32
      %max3A_95 = vector.broadcast %max3A_94 : f32 to vector<64x1xf32>
      %max3A_96 = arith.maximumf %slice3A, %max3A_95 : vector<64x1xf32>
      %div3A = arith.constant 1.000000e+00 : f32
      %div3A_97 = vector.broadcast %div3A : f32 to vector<64x1xf32>
      %div3A_98 = arith.divf %div3A_97, %max3A_96 : vector<64x1xf32>
      %gt3A = arith.constant 0.000000e+00 : f32
      %gt3A_99 = vector.broadcast %gt3A : f32 to vector<64x1xf32>
      %gt3A_100 = arith.cmpf ogt, %slice3A, %gt3A_99 : vector<64x1xf32>
      %convert_element_type3A_101 = arith.extui %gt3A_100 : vector<64x1xi1> to vector<64x1xi32>
      %convert_element_type3A_102 = arith.sitofp %convert_element_type3A_101 : vector<64x1xi32> to vector<64x1xf32>
      %get3A_103 = arith.constant 0 : index
      %get3A_104 = arith.constant 0 : index
      %get3A_105 = vector.load %arg19[%get3A_103, %get3A_104] : memref<64x256xf32, #tpu.memory_space<vmem>>, vector<64x256xf32>
      %mul3A_106 = vector.broadcast %div3A_98 : vector<64x1xf32> to vector<64x256xf32>
      %mul3A_107 = arith.mulf %get3A_105, %mul3A_106 : vector<64x256xf32>
      %get3A_108 = arith.constant 0 : index
      %get3A_109 = arith.constant 0 : index
      %get3A_110 = vector.load %arg9[%get3A_108, %get3A_109] : memref<256x256xf32, #tpu.memory_space<vmem>>, vector<256x256xf32>
      %dot_general3A_111 = arith.constant dense<0.000000e+00> : vector<64x256xf32>
      %dot_general3A_112 = tpu.matmul %mul3A_107, %get3A_110, %dot_general3A_111 {dimension_numbers = #tpu.dot_dimension_numbers<[1], [1], [0], [0], [0, 0, 1, 0], [], []>, transpose_lhs_hint = false} : vector<64x256xf32>, vector<256x256xf32>, vector<64x256xf32> -> vector<64x256xf32>
      %get3A_113 = arith.constant 0 : index
      %get3A_114 = arith.constant 0 : index
      %get3A_115 = vector.load %arg15[%get3A_113, %get3A_114] : memref<1x256xf32, #tpu.memory_space<vmem>>, vector<1x256xf32>
      %mul3A_116 = vector.broadcast %get3A_115 : vector<1x256xf32> to vector<64x256xf32>
      %mul3A_117 = vector.broadcast %convert_element_type3A_102 : vector<64x1xf32> to vector<64x256xf32>
      %mul3A_118 = arith.mulf %mul3A_116, %mul3A_117 : vector<64x256xf32>
      %add3A_119 = arith.addf %dot_general3A_112, %mul3A_118 : vector<64x256xf32>
      %get3A_120 = arith.constant 0 : index
      %get3A_121 = arith.constant 0 : index
      %get3A_122 = vector.load %arg20[%get3A_120, %get3A_121] : memref<64x256xf32, #tpu.memory_space<vmem>>, vector<64x256xf32>
      %mul3A_123 = vector.broadcast %div3A_98 : vector<64x1xf32> to vector<64x256xf32>
      %mul3A_124 = arith.mulf %get3A_122, %mul3A_123 : vector<64x256xf32>
      %get3A_125 = arith.constant 0 : index
      %get3A_126 = arith.constant 0 : index
      %get3A_127 = vector.load %arg10[%get3A_125, %get3A_126] : memref<256x256xf32, #tpu.memory_space<vmem>>, vector<256x256xf32>
      %dot_general3A_128 = arith.constant dense<0.000000e+00> : vector<64x256xf32>
      %dot_general3A_129 = tpu.matmul %mul3A_124, %get3A_127, %dot_general3A_128 {dimension_numbers = #tpu.dot_dimension_numbers<[1], [1], [0], [0], [0, 0, 1, 0], [], []>, transpose_lhs_hint = false} : vector<64x256xf32>, vector<256x256xf32>, vector<64x256xf32> -> vector<64x256xf32>
      %add3A_130 = arith.addf %add3A_119, %dot_general3A_129 : vector<64x256xf32>
      %get3A_131 = arith.constant 0 : index
      %get3A_132 = arith.constant 0 : index
      %get3A_133 = vector.load %arg11[%get3A_131, %get3A_132] : memref<256x256xf32, #tpu.memory_space<vmem>>, vector<256x256xf32>
      %dot_general3A_134 = arith.constant dense<0.000000e+00> : vector<64x256xf32>
      %dot_general3A_135 = tpu.matmul %add3A_130, %get3A_133, %dot_general3A_134 {dimension_numbers = #tpu.dot_dimension_numbers<[1], [1], [0], [0], [0, 0, 1, 0], [], []>, transpose_lhs_hint = false} : vector<64x256xf32>, vector<256x256xf32>, vector<64x256xf32> -> vector<64x256xf32>
      %get3A_136 = arith.constant 0 : index
      %get3A_137 = arith.constant 0 : index
      %get3A_138 = vector.load %arg6[%get3A_136, %get3A_137] : memref<64x128xf32, #tpu.memory_space<vmem>>, vector<64x128xf32>
      %get3A_139 = arith.constant 0 : index
      %get3A_140 = arith.constant 0 : index
      %get3A_141 = vector.load %arg12[%get3A_139, %get3A_140] : memref<256x128xf32, #tpu.memory_space<vmem>>, vector<256x128xf32>
      %dot_general3A_142 = arith.constant dense<0.000000e+00> : vector<64x256xf32>
      %dot_general3A_143 = tpu.matmul %get3A_138, %get3A_141, %dot_general3A_142 {dimension_numbers = #tpu.dot_dimension_numbers<[1], [1], [0], [0], [0, 0, 1, 0], [], []>, transpose_lhs_hint = false} : vector<64x128xf32>, vector<256x128xf32>, vector<64x256xf32> -> vector<64x256xf32>
      %add3A_144 = arith.addf %dot_general3A_135, %dot_general3A_143 : vector<64x256xf32>
      %get3A_145 = arith.constant 0 : index
      %get3A_146 = arith.constant 0 : index
      %get3A_147 = vector.load %arg16[%get3A_145, %get3A_146] : memref<1x256xf32, #tpu.memory_space<vmem>>, vector<1x256xf32>
      %add3A_148 = vector.broadcast %get3A_147 : vector<1x256xf32> to vector<64x256xf32>
      %add3A_149 = arith.addf %add3A_144, %add3A_148 : vector<64x256xf32>
      %max3A_150 = arith.constant 0.000000e+00 : f32
      %max3A_151 = vector.broadcast %max3A_150 : f32 to vector<64x256xf32>
      %max3A_152 = arith.maximumf %add3A_149, %max3A_151 : vector<64x256xf32>
      %get3A_153 = arith.constant 0 : index
      %get3A_154 = arith.constant 0 : index
      %get3A_155 = vector.load %arg13[%get3A_153, %get3A_154] : memref<128x256xf32, #tpu.memory_space<vmem>>, vector<128x256xf32>
      %dot_general3A_156 = arith.constant dense<0.000000e+00> : vector<64x128xf32>
      %dot_general3A_157 = tpu.matmul %max3A_152, %get3A_155, %dot_general3A_156 {dimension_numbers = #tpu.dot_dimension_numbers<[1], [1], [0], [0], [0, 0, 1, 0], [], []>, transpose_lhs_hint = false} : vector<64x256xf32>, vector<128x256xf32>, vector<64x128xf32> -> vector<64x128xf32>
      %get3A_158 = arith.constant 0 : index
      %get3A_159 = arith.constant 0 : index
      %get3A_160 = vector.load %arg17[%get3A_158, %get3A_159] : memref<1x128xf32, #tpu.memory_space<vmem>>, vector<1x128xf32>
      %add3A_161 = vector.broadcast %get3A_160 : vector<1x128xf32> to vector<64x128xf32>
      %add3A_162 = arith.addf %dot_general3A_157, %add3A_161 : vector<64x128xf32>
      %swap3A_163 = arith.constant 0 : index
      %swap3A_164 = arith.constant 0 : index
      %swap3A_165 = vector.load %arg18[%swap3A_163, %swap3A_164] : memref<64x128xf32, #tpu.memory_space<vmem>>, vector<64x128xf32>
      tpu.vector_store %arg18[%swap3A_163, %swap3A_164], %add3A_162 {strides = array<i32>} : memref<64x128xf32, #tpu.memory_space<vmem>>, vector<64x128xf32>,
    } else {
    }
    return
  }
  func.func @transform_0(%arg0: i32) -> (i32, i32) {
    %c0_i32 = arith.constant 0 : i32
    %c0_i32_0 = arith.constant 0 : i32
    return %arg0, %c0_i32 : i32, i32
  }
  func.func @transform_1(%arg0: i32) -> (i32, i32, i32) {
    %c0_i32 = arith.constant 0 : i32
    %c0_i32_0 = arith.constant 0 : i32
    %c0_i32_1 = arith.constant 0 : i32
    return %c0_i32, %arg0, %c0_i32_0 : i32, i32, i32
  }
  func.func @transform_2(%arg0: i32) -> (i32, i32, i32) {
    %c0_i32 = arith.constant 0 : i32
    %c0_i32_0 = arith.constant 0 : i32
    %c0_i32_1 = arith.constant 0 : i32
    return %arg0, %c0_i32, %c0_i32_0 : i32, i32, i32
  }
  func.func @transform_3(%arg0: i32) -> (i32, i32, i32) {
    %c0_i32 = arith.constant 0 : i32
    %c0_i32_0 = arith.constant 0 : i32
    %c0_i32_1 = arith.constant 0 : i32
    return %arg0, %c0_i32, %c0_i32_0 : i32, i32, i32
  }
  func.func @transform_4(%arg0: i32) -> (i32, i32, i32) {
    %c0_i32 = arith.constant 0 : i32
    %c0_i32_0 = arith.constant 0 : i32
    %c0_i32_1 = arith.constant 0 : i32
    return %c0_i32, %c0_i32_0, %arg0 : i32, i32, i32
  }
  func.func @transform_5(%arg0: i32) -> (i32, i32) {
    %c0_i32 = arith.constant 0 : i32
    %c0_i32_0 = arith.constant 0 : i32
    %c0_i32_1 = arith.constant 0 : i32
    return %c0_i32, %c0_i32_0 : i32, i32
  }
  func.func @transform_6(%arg0: i32) -> (i32, i32) {
    %c0_i32 = arith.constant 0 : i32
    %c0_i32_0 = arith.constant 0 : i32
    %c0_i32_1 = arith.constant 0 : i32
    return %c0_i32, %c0_i32_0 : i32, i32
  }
  func.func @transform_7(%arg0: i32) -> (i32, i32) {
    %c0_i32 = arith.constant 0 : i32
    %c0_i32_0 = arith.constant 0 : i32
    %c0_i32_1 = arith.constant 0 : i32
    return %c0_i32, %c0_i32_0 : i32, i32
  }
  func.func @transform_8(%arg0: i32) -> (i32, i32) {
    %c0_i32 = arith.constant 0 : i32
    %c0_i32_0 = arith.constant 0 : i32
    %c0_i32_1 = arith.constant 0 : i32
    return %c0_i32, %c0_i32_0 : i32, i32
  }
  func.func @transform_9(%arg0: i32) -> (i32, i32) {
    %c0_i32 = arith.constant 0 : i32
    %c0_i32_0 = arith.constant 0 : i32
    %c0_i32_1 = arith.constant 0 : i32
    return %c0_i32, %c0_i32_0 : i32, i32
  }
  func.func @transform_10(%arg0: i32) -> (i32, i32) {
    %c0_i32 = arith.constant 0 : i32
    %c0_i32_0 = arith.constant 0 : i32
    %c0_i32_1 = arith.constant 0 : i32
    return %c0_i32, %c0_i32_0 : i32, i32
  }
  func.func @transform_11(%arg0: i32) -> (i32, i32) {
    %c0_i32 = arith.constant 0 : i32
    %c0_i32_0 = arith.constant 0 : i32
    %c0_i32_1 = arith.constant 0 : i32
    return %c0_i32, %c0_i32_0 : i32, i32
  }
  func.func @transform_12(%arg0: i32) -> (i32, i32) {
    %c0_i32 = arith.constant 0 : i32
    %c0_i32_0 = arith.constant 0 : i32
    %c0_i32_1 = arith.constant 0 : i32
    return %c0_i32, %c0_i32_0 : i32, i32
  }
  func.func @transform_13(%arg0: i32) -> (i32, i32) {
    %c0_i32 = arith.constant 0 : i32
    %c0_i32_0 = arith.constant 0 : i32
    %c0_i32_1 = arith.constant 0 : i32
    return %c0_i32, %c0_i32_0 : i32, i32
  }
  func.func @transform_14(%arg0: i32) -> (i32, i32) {
    %c0_i32 = arith.constant 0 : i32
    %c0_i32_0 = arith.constant 0 : i32
    %c0_i32_1 = arith.constant 0 : i32
    return %c0_i32, %c0_i32_0 : i32, i32
  }
  func.func @transform_15(%arg0: i32) -> (i32, i32) {
    %c0_i32 = arith.constant 0 : i32
    %c0_i32_0 = arith.constant 0 : i32
    %c0_i32_1 = arith.constant 0 : i32
    return %c0_i32, %c0_i32_0 : i32, i32
  }
  func.func @transform_16(%arg0: i32) -> (i32, i32) {
    %c0_i32 = arith.constant 0 : i32
    %c0_i32_0 = arith.constant 0 : i32
    %c0_i32_1 = arith.constant 0 : i32
    return %c0_i32, %c0_i32_0 : i32, i32
  }
  func.func @transform_17(%arg0: i32) -> (i32, i32) {
    %c0_i32 = arith.constant 0 : i32
    %c0_i32_0 = arith.constant 0 : i32
    %c0_i32_1 = arith.constant 0 : i32
    return %c0_i32, %c0_i32_0 : i32, i32
  }
}

</mosaic_0001>

<sc_bundles>
// kernel: kernel.5.cloned.1.call-start
scs
__scs_entry_jumppad:
0x0: {  	(pc) =	sbr.rel $0x88, $3  }
0x1: {  	(tag) =	ssettag $0x0;
	lr =	simm.s32 $0x1  }
0x2: {  	[smem:$0x3F93] =	sst lr;
	_ =	strace $0xD0000000  }
0x3: {  	_ = 	snop  }
0x4: {  	_ = 	snop  }
0x5: {  	_ = 	snop  }
0x6: {  	_ = 	snop  }
0x7: {  	_ = 	snop  }
__scs_overlays_trampoline_lowered:
0x8: {  	[smem:$0x3FA2] =	sst s0  }
0x9: {  	[smem:$0x3FA3] =	sst s1  }
0xa: {  	[smem:$0x3FA4] =	sst s2  }
0xb: {  	[smem:$0x3FA5] =	sst s3  }
0xc: {  	[smem:$0x3FA6] =	sst s4  }
0xd: {  	[smem:$0x3FA7] =	sst s5  }
0xe: {  	[smem:$0x3FA8] =	sst s6  }
0xf: {  	[smem:$0x3FA9] =	sst s7  }
0x10: {  	[smem:$0x3FAA] =	sst s8  }
0x11: {  	[smem:$0x3FAB] =	sst s9;
	s0 =	simm.s32 @!p0 $0x0  }
0x12: {  	s1 =	sld [smem:$0x3F91];
	s0 =	simm.s32 @p0 $0x1  }
0x13: {  	[smem:$0x3FAC] =	sst s0;
	s0 =	simm.s32 @!p1 $0x0  }
0x14: {  	s2 =	sld [smem:$0x3F90];
	s0 =	simm.s32 @p1 $0x1  }
0x15: {  	[smem:$0x3FAD] =	sst s0;
	s0 =	simm.s32 @!p2 $0x0  }
0x16: {  	s3 =	sld [smem:$0x3FDB];
	s0 =	simm.s32 @p2 $0x1  }
0x17: {  	s4 =	simm.s32 $0x1BF5;
	[smem:$0x3FAF] =	sst s0  }
0x18: {  	s0 =	sld [smem:$0x3F92];
	_ =	swait.ge [sflag:s4], $0x0  }
0x19: {  	s7 =	sld [smem:$0x3F93]  }
0x1a: {  	s8 =	sadd.s32 $0xFFFFE003, lr  }
0x1b: {  	s9 =	sadd.s32 $0xFFFFFEF7, lr;
	s5 =	simm.s32 $0xFFFFFFFF;
	p2 =	slt.u32 s8, $0xFFFFF086  }
0x1c: {  	p1 =	slt.u32 s9, $0xF7A;
	s5 =	simm.s32 @!p2 $0x0  }
0x1d: {  	s5 =	simm.s32 @p1 $0x1;
	p0 =	seq.s32 s7, s2  }
0x1e: {  	s7 =	smul.u32 @!p0 $0xF7A, s2;
	p2 =	seq.s32 @!p0 s5, $0x0  }
0x1f: {  	s9 =	smul.u32 $0xF7A, s1;
	s8 =	simm.s32 @!p0 $0x1BF5;
	p2 =	por !p2, p0  }
0x20: {  	[sflag:s8] =	ssyncset.s32 @!p0 $0xFFFFF086;
	s6 =	sadd.s32 @!p0 s3, s7;
	s7 =	simm.s32 @!p0 $0x108  }
0x21: {  	s3 =	sadd.s32 s3, s9;
	s6 =	sadd.s32 @!p0 $0x88, s6;
	s7 =	simm.s32 @p2 $0x1082  }
0x22: {  	[simem:s7], [sflag:s8] =	dma.local @!p0 [hbm:s6], $0xF7A  }
0x23: {  	s9 =	sor.u32 $0xD0000000, s2;
	s6 =	simm.s32 $0x108;
	_ =	swait.ge @!p0 [sflag:s8], $0x0  }
0x24: {  	s3 =	sadd.s32 $0x88, s3;
	s6 =	simm.s32 @!p1 $0x1082;
	[sflag:s4] =	ssyncset.s32 $0xFFFFF086  }
0x25: {  	[simem:s6], [sflag:s4] =	dma.local [hbm:s3], $0xF7A  }
0x26: {  	[smem:$0x3F93] =	sst s1;
	(tag) =	ssettag s2;
	_ =	strace s9  }
0x27: {  	s1 =	sld [smem:$0x3FA3]  }
0x28: {  	s2 =	sld [smem:$0x3FA4]  }
0x29: {  	s4 =	sld [smem:$0x3FA6]  }
0x2a: {  	p0 =	seq.s32 s5, $0x0;
	s5 =	sld [smem:$0x3FA7]  }
0x2b: {  	s6 =	sld [smem:$0x3FA8]  }
0x2c: {  	s7 =	sld [smem:$0x3FA9]  }
0x2d: {  	s3 =	simm.s32 $0x108;
	s8 =	sld [smem:$0x3FAA]  }
0x2e: {  	s3 =	simm.s32 @!p0 $0x1082;
	s9 =	sld [smem:$0x3FAB]  }
0x2f: {  	lr =	sadd.s32 s0, s3;
	s0 =	sld [smem:$0x3FA2]  }
0x30: {  	s3 =	sld [smem:$0x3FA5]  }
0x31: {  	[smem:$0x3FAE] =	sst s10  }
0x32: {  	s10 =	sld [smem:$0x3FAC];
	_ =	sdelay $0x3  }
0x33: {  	p0 =	seq.s32 s10, $0x1;
	s10 =	sld [smem:$0x3FAE];
	_ =	sdelay $0x3  }
0x34: {  	[smem:$0x3FAE] =	sst s10  }
0x35: {  	s10 =	sld [smem:$0x3FAD];
	_ =	sdelay $0x3  }
0x36: {  	p1 =	seq.s32 s10, $0x1;
	s10 =	sld [smem:$0x3FAE];
	_ =	sdelay $0x3  }
0x37: {  	[smem:$0x3FAE] =	sst s10  }
0x38: {  	s10 =	sld [smem:$0x3FAF]  }
0x39: {  	_ = 	snop;
	(pc) =	sbr.ind lr, $3  }
0x3a: {  	_ = 	snop  }
0x3b: {  	_ = 	snop  }
0x3c: {  	p2 =	seq.s32 s10, $0x1;
	s10 =	sld [smem:$0x3FAE]  }
0x3d: {  	_ =	shalt  }
0x3e: {  	_ =	shalt  }
0x3f: {  	_ =	shalt  }
0x40: {  	_ =	shalt  }
0x41: {  	_ =	shalt  }
0x42: {  	_ =	shalt  }
0x43: {  	_ =	shalt  }
0x44: {  	_ =	shalt  }
0x45: {  	_ =	shalt  }
0x46: {  	_ =	shalt  }
0x47: {  	_ =	shalt  }
0x48: {  	_ =	shalt  }
0x49: {  	_ =	shalt  }
0x4a: {  	_ =	shalt  }
0x4b: {  	_ =	shalt  }
0x4c: {  	_ =	shalt  }
0x4d: {  	_ =	shalt  }
0x4e: {  	_ =	shalt  }
0x4f: {  	_ =	shalt  }
0x50: {  	_ =	shalt  }
0x51: {  	_ =	shalt  }
0x52: {  	_ =	shalt  }
0x53: {  	_ =	shalt  }
0x54: {  	_ =	shalt  }
0x55: {  	_ =	shalt  }
0x56: {  	_ =	shalt  }
0x57: {  	_ =	shalt  }
0x58: {  	_ =	shalt  }
0x59: {  	_ =	shalt  }
0x5a: {  	_ =	shalt  }
0x5b: {  	_ =	shalt  }
0x5c: {  	_ =	shalt  }
0x5d: {  	_ =	shalt  }
0x5e: {  	_ =	shalt  }
0x5f: {  	_ =	shalt  }
0x60: {  	_ =	shalt  }
0x61: {  	_ =	shalt  }
0x62: {  	_ =	shalt  }
0x63: {  	_ =	shalt  }
0x64: {  	_ =	shalt  }
0x65: {  	_ =	shalt  }
0x66: {  	_ =	shalt  }
0x67: {  	_ =	shalt  }
0x68: {  	_ =	shalt  }
0x69: {  	_ =	shalt  }
0x6a: {  	_ =	shalt  }
0x6b: {  	_ =	shalt  }
0x6c: {  	_ =	shalt  }
0x6d: {  	_ =	shalt  }
0x6e: {  	_ =	shalt  }
0x6f: {  	_ =	shalt  }
0x70: {  	_ =	shalt  }
0x71: {  	_ =	shalt  }
0x72: {  	_ =	shalt  }
0x73: {  	_ =	shalt  }
0x74: {  	_ =	shalt  }
0x75: {  	_ =	shalt  }
0x76: {  	_ =	shalt  }
0x77: {  	_ =	shalt  }
0x78: {  	_ =	shalt  }
0x79: {  	_ =	shalt  }
0x7a: {  	_ =	shalt  }
0x7b: {  	_ =	shalt  }
0x7c: {  	_ =	shalt  }
0x7d: {  	_ =	shalt  }
0x7e: {  	_ =	shalt  }
0x7f: {  	_ =	shalt  }
0x80: {  	_ =	shalt  }
0x81: {  	_ =	shalt  }
0x82: {  	_ =	shalt  }
0x83: {  	_ =	shalt  }
0x84: {  	_ =	shalt  }
0x85: {  	_ =	shalt  }
0x86: {  	_ =	shalt  }
0x87: {  	_ =	shalt  }
.Lfunc_end0:
.L_simem_size_0:
called_computation_lowered:
.L_overlay_start_0:
0x88: {  	s2 =	sld [smem:$0x3FD9]  }
0x89: {  	s3 =	sld [smem:$0x3FFE];
	_ =	sdelay $0x1  }
0x8a: {  	s1 =	srdreg.scid  }
0x8b: {  	s0 =	sand.u32 $0x1, s1  }
0x8c: {  	s17 =	sshll.u32 s0, $0xA;
	s2 =	sadd.s32 s3, s2  }
0x8d: {  	s2 =	sadd.s32 s2, s17  }
0x8e: {  	[smem:$0x3FBA] =	sst s2  }
0x8f: {  	_ = 	snop  }
0x90: {  	s18 =	sld [smem:$0x3FC9];
	(tm) =	ssettm $0x1  }
0x91: {  	s19 =	sld [smem:$0x3FFB];
	_ =	sdelay $0x3  }
0x92: {  	_ =	strace s19  }
0x93: {  	s2 =	sld [smem:$0x3FFC];
	_ =	sdelay $0x3  }
0x94: {  	_ =	strace s2  }
0x95: {  	s2 =	sld [smem:$0x3FFD];
	_ =	sdelay $0x3  }
0x96: {  	_ =	strace s2  }
0x97: {  	_ =	strace $0x8FFFFFFF  }
0x98: {  	s20 =	sld [smem:$0x3FDB];
	_ =	sdelay $0x1  }
0x99: {  	s4 =	simm.s32 $_scs_section_size  }
0x9a: {  	s5 =	simm.s32 $_size__tile_overlayer_lowered;
	s6 =	simm.s32 $_tile_overlayer_lowered  }
0x9b: {  	s7 =	simm.s32 $0x1BFF;
	s21 =	sshll.u32 s6, $0x1;
	s4 =	sadd.s32 s4, s20  }
0x9c: {  	s22 =	simm.s32 $0x0;
	s5 =	sshll.u32 s5, $0x1;
	s6 =	sadd.s32 s21, s4  }
0x9d: {  	[timem:s22], [sflag:s7] =	dma.local [hbm:s6], s5  }
0x9e: {  	_ =	swait.ge [sflag:s7], s5  }
0x9f: {  	s5 =	ssub.s32 $0x0, s5;
	[sflag:s7] =	ssyncset.done $0x0  }
0xa0: {  	[sflag:s7] =	ssyncadd.s32 s5;
	_ =	sdelay $0x1  }
0xa1: {  	s23 =	simm.s32 $0x1B8B  }
0xa2: {  	_ =	swait.ge [sflag:s23], $0x1  }
0xa3: {  	[sflag:s23] =	ssyncset.done $0x0  }
0xa4: {  	[sflag:s23] =	ssyncadd.s32 $0xFFFFFFFF  }
0xa5: {  	s5 =	sld [smem:$0x0]  }
0xa6: {  	s6 =	sand.u32 $0xFFFFFFFE, s1  }
0xa7: {  	p0 =	sne.s32 s1, s6  }
0xa8: {  	s6 =	sshll.u32 @p0 s6, $0xE  }
0xa9: {  	s6 =	sadd.s32 @p0 $0x11B8D, s6;
	s7 =	sshll.u32 @p0 s5, $0x11  }
0xaa: {  	s6 =	sor.u32 @p0 s7, s6  }
0xab: {  	[sflag:s6] =	ssyncadd.remote.s32 @p0 $0x1;
	_ =	sdelay $0x1  }
0xac: {  	s6 =	simm.s32 @p0 $0x1B8D  }
0xad: {  	_ =	swait.eq @p0 [sflag:s6], $0x1  }
0xae: {  	[sflag:s6] =	ssyncadd.s32 @p0 $0xFFFFFFFF  }
0xaf: {  	s7 =	sshll.u32 @!p0 s1, $0xE  }
0xb0: {  	s7 =	sor.u32 @!p0 $0x4000, s7;
	s6 =	simm.s32 @!p0 $0x1B8D  }
0xb1: {  	s5 =	sshll.u32 @!p0 s5, $0x11;
	s7 =	sadd.s32 @!p0 $0x11B8D, s7;
	_ =	swait.eq @!p0 [sflag:s6], $0x1  }
0xb2: {  	s5 =	sor.u32 @!p0 s5, s7;
	[sflag:s6] =	ssyncadd.s32 @!p0 $0xFFFFFFFF  }
0xb3: {  	s25 =	simm.s32 $0x1B8E;
	s24 =	sld [smem:$0x3FFE];
	[sflag:s5] =	ssyncadd.remote.s32 @!p0 $0x1  }
0xb4: {  	s26 =	simm.s32 $execute0_lowered;
	[smem:$0x3FD2] =	sst s25  }
0xb5: {  	s6 =	sshll.u32 s26, $0x1;
	_ =	strace $0x80000049;
	[dreg:$0x1] =	wrdreg $0xFFFFFFFF  }
0xb6: {  	s28 =	simm.s32 $_size_execute0_lowered;
	s4 =	sadd.s32 s4, s6;
	[dreg:$0x0] =	wrdreg $0x0  }
0xb7: {  	s6 =	sshll.u32 s28, $0x1;
	[dreg:$0x2] =	wrdreg s4  }
0xb8: {  	[dreg:$0x3] =	wrdreg s6  }
0xb9: {  	[dreg:$0x4] =	wrdreg $0xC0  }
0xba: {  	_ =	task [dreg:s22], $0x5FFFF  }
0xbb: {  	[dreg:$0x1] =	wrdreg $0xFFFFFFFF  }
0xbc: {  	[dreg:$0x0] =	wrdreg $0x60  }
0xbd: {  	[dreg:$0x2] =	wrdreg s24  }
0xbe: {  	[dreg:$0x3] =	wrdreg s18  }
0xbf: {  	[dreg:$0x4] =	wrdreg $0x82000  }
0xc0: {  	[dreg:$0x5] =	wrdreg $0x9  }
0xc1: {  	_ =	task.clear_ibuf [dreg:s22], $0x6FFFF;
	_ =	strace $0x90000049  }
0xc2: {  	s29 =	simm.s32 $0x9;
	_ =	strace $0x8000004B  }
0xc3: {  	_ =	swait.ge [sflag:s29], $0x1  }
0xc4: {  	[sflag:s29] =	ssyncadd.s32 $0xFFFFFFFF  }
0xc5: {  	_ =	strace $0x9000004B  }
0xc6: {  	_ =	sfence  }
0xc7: {  	s30 =	sld [smem:$0x0];
	_ =	sdelay $0x2  }
0xc8: {  	s31 =	sshll.u32 s1, $0xD;
	s1 =	sshrl.u32 s1, $0x2  }
0xc9: {  	s4 =	sand.u32 $0x4000, s31;
	s1 =	sadd.s32 s1, s30  }
0xca: {  	s0 =	sor.u32 s4, s0;
	s1 =	sshll.u32 s1, $0x11  }
0xcb: {  	s0 =	sor.u32 s1, s0  }
0xcc: {  	s0 =	sadd.s32 $0x8F2B, s0  }
0xcd: {  	[sflag:s0] =	ssyncadd.remote.s32 $0x1  }
0xce: {  	_ =	sfence.sel $0xFFFF  }
0xcf: {  	[dreg:$0x0] =	wrdreg $0xFFFFFFFF;
	(pc) =	sbr.abs _section_cstart, $3  }
0xd0: {  	[dreg:$0x1] =	wrdreg $0xFFFFFFFF  }
0xd1: {  	_ =	task.clear_ibuf [dreg:s22], $0x2FFFF;
	_ =	strace $0x9FFFFFFF  }
0xd2: {  	(tm) =	ssettm $0x7FFFFFFF  }
0xd3: {  	_ =	shalt  }
tec
execute0_lowered:
.L_overlay_start_1:
0x0: {  	(tag) =	ssettag $0x1  }
0x1: {  	s7 =	rddreg [dreg:$0x0]  }
0x2: {  	s1 =	rddreg [dreg:$0x1]  }
0x3: {  	s2 =	rddreg [dreg:$0x2];
	s3 =	srdreg.scid  }
0x4: {  	s4 =	simm.s32 $0x0;
	s0 =	stileid.u32;
	s19 =	simm.s32 $0x200  }
0x5: {  	s20 =	simm.s32 $0x3;
	s21 =	simm.s32 $0x80;
	s22 =	simm.s32 $0x100  }
0x6: {  	s23 =	simm.s32 $0x180;
	s24 =	simm.s32 $0x4200;
	s10 =	smul.u32 $0x14000, s0  }
0x7: {  	s25 =	simm.s32 $0x1;
	s28 =	simm.s32 $0x0;
	s26 =	smul.u32 $0x50, s0  }
0x8: {  	s8 =	sand.u32 $0x1, s3;
	[smem:$0x7FF] =	sst s4;
	s12 =	smul.u32 $0x50000, s0  }
0x9: {  	s5 =	sadd.s32 $0x3800, s7;
	s6 =	sadd.s32 $0xD800, s7;
	s9 =	smul.u32 $0x140000, s8  }
0xa: {  	_ =	strace $0x8000004A;
	s11 =	smul.u32 $0x500, s8;
	s8 =	ssub.s32 $0x2, s8  }
0xb: {  	s29 =	sshrl.u32 s8, $0x1;
	s31 =	sshrl.u32 s12, $0x2;
	s9 =	sadd.s32 s10, s9  }
0xc: {  	s30 =	sadd.s32 s26, s11;
	s14 =	ssub.s32 s8, s29;
	s8 =	sadd.s32 s31, s2  }
0xd: {  	s26 =	simm.s32 $0x2;
	s9 =	sshrl.u32 s9, $0x3;
	s12 =	smax.u32 s14, $0x1  }
0xe: {  	s14 =	sadd.s32 $0x4000, s8;
	s15 =	sadd.s32 $0x8000, s8;
	s16 =	sadd.s32 $0xC000, s8  }
0xf: {  	s17 =	sadd.s32 $0x10000, s8;
	s13 =	sadd.s32 s9, s7;
	s7 =	sshll.u32 s30, $0x4  }
0x10: {  	s9 =	sadd.s32 s5, s7;
	s10 =	sadd.s32 s6, s7;
	s18 =	sadd.s32 $0x4F0, s7  }
0x11: {  	v0 =	vimm.f32 $0.0e+00;
	s11 =	sadd.s32 $0x3FE00, s13;
	s13 =	sadd.s32 s5, s18;
	s18 =	sadd.s32 s6, s18  }
.LBB2_1:
0x12: {  	s29 =	sand.u32 $0xFE00, s4  }
0x13: {  	s30 =	sand.u32 $0x70, s4;
	s31 =	sshrl.u32 s29, $0x2  }
0x14: {  	s29 =	simm.s32 $0x40;
	s31 =	sor.u32 s30, s31;
	s30 =	simm.s32 $0x0  }
.LBB2_2:
0x15: {  	p0 =	sne.s32 s29, $0xFFC0  }
0x16: {  	[tilespmem:s31+$0x200] =	vst v0;
	s30 =	sadd.s32 $0x10, s30;
	s31 =	smov.u32 s29;
	s29 =	sadd.s32 $0x40, s29  }
.Ltmp0:
0x17: {  	(pc) =	sbr.rel @p0 .LBB2_2-.Ltmp0, $4  }
0x18: {  	_ = 	snop  }
0x19: {  	s31 =	sand.u32 $0xFE00, s31  }
0x1a: {  	s0 =	sand.u32 $0x70, s30;
	s31 =	sshrl.u32 s31, $0x2  }
0x1b: {  	s31 =	sor.u32 s0, s31  }
0x1c: {  	[tilespmem:s31+$0x200] =	vst v0  }
0x1d: {  	[spmem:s8] =	stream.linear.scatter [tilespmem:s19], [sflag:$0x3], $0x4000, $0x38;
	[tilespmem:$0x1C200] =	vst v63  }
0x1e: {  	_ =	swait.ge [sflag:s20], $0x4000  }
0x1f: {  	[sflag:s20] =	ssyncset.done $0x0  }
0x20: {  	[sflag:s20] =	ssyncadd.s32 $0xFFFFC000  }
0x21: {  	[spmem:s14] =	stream.linear.scatter [tilespmem:s19], [sflag:$0x3], $0x4000, $0x38;
	[tilespmem:$0x1C200] =	vst v63  }
0x22: {  	_ =	swait.ge [sflag:s20], $0x4000  }
0x23: {  	[sflag:s20] =	ssyncset.done $0x0  }
0x24: {  	[sflag:s20] =	ssyncadd.s32 $0xFFFFC000  }
0x25: {  	[spmem:s15] =	stream.linear.scatter [tilespmem:s19], [sflag:$0x3], $0x4000, $0x38;
	[tilespmem:$0x1C200] =	vst v63  }
0x26: {  	_ =	swait.ge [sflag:s20], $0x4000  }
0x27: {  	[sflag:s20] =	ssyncset.done $0x0  }
0x28: {  	[sflag:s20] =	ssyncadd.s32 $0xFFFFC000  }
0x29: {  	[spmem:s16] =	stream.linear.scatter [tilespmem:s19], [sflag:$0x3], $0x4000, $0x38;
	[tilespmem:$0x1C200] =	vst v63  }
0x2a: {  	_ =	swait.ge [sflag:s20], $0x4000  }
0x2b: {  	[sflag:s20] =	ssyncset.done $0x0  }
0x2c: {  	[sflag:s20] =	ssyncadd.s32 $0xFFFFC000  }
0x2d: {  	[spmem:s17] =	stream.linear.scatter [tilespmem:s19], [sflag:$0x3], $0x4000, $0x38;
	[tilespmem:$0x1C200] =	vst v63  }
0x2e: {  	_ =	swait.ge [sflag:s20], $0x4000  }
0x2f: {  	[sflag:s20] =	ssyncset.done $0x0  }
0x30: {  	[sflag:s20] =	ssyncadd.s32 $0xFFFFC000  }
0x31: {  	s0 =	simm.s32 $0x0;
	[bflag:$0x0] =	sbarrier.arrive $0xFFFF  }
0x32: {  	[tilespmem:s0], [sflag:$0x3] =	stream.linear.gather [hbm4b:s9+s0], $0x80, $0x38;
	[tilespmem:$0x1C200] =	vst v63  }
0x33: {  	_ =	swait.ge [sflag:s20], $0x80  }
0x34: {  	[sflag:s20] =	ssyncset.done $0x0  }
0x35: {  	[sflag:s20] =	ssyncadd.s32 $0xFFFFFF80  }
0x36: {  	[tilespmem:s21], [sflag:$0x3] =	stream.linear.gather [hbm4b:s10+s0], $0x80, $0x38;
	[tilespmem:$0x1C200] =	vst v63  }
0x37: {  	_ =	swait.ge [sflag:s20], $0x80  }
0x38: {  	[sflag:s20] =	ssyncset.done $0x0  }
0x39: {  	s3 =	simm.s32 $0x0;
	s29 =	sadd.s32 $0x0, s7;
	[sflag:s20] =	ssyncadd.s32 $0xFFFFFF80  }
0x3a: {  	[tilespmem:s19], [sflag:$0x1] =	stream.indirect.gather [hbm4b:s1+s21], $0x80, s0, s21, $0xb8;
	[tilespmem:$0x1C200] =	vst v63  }
0x3b: {  	s30 =	sand.u32 $0x1FF80, s29;
	s0 =	sand.u32 $0x60, s3  }
0x3c: {  	s0 =	sor.u32 s30, s0  }
0x3d: {  	s0 =	sor.u32 $0x10, s0  }
0x3e: {  	s30 =	sadd.s32 s5, s0  }
0x3f: {  	[tilespmem:s22], [sflag:$0x3] =	stream.linear.gather [hbm4b:s30+s4], $0x80, $0x38;
	[tilespmem:$0x1C200] =	vst v63  }
0x40: {  	_ =	swait.ge [sflag:s20], $0x80  }
0x41: {  	[sflag:s20] =	ssyncset.done $0x0  }
0x42: {  	s0 =	sadd.s32 s6, s0;
	[sflag:s20] =	ssyncadd.s32 $0xFFFFFF80  }
0x43: {  	[tilespmem:s23], [sflag:$0x3] =	stream.linear.gather [hbm4b:s0+s4], $0x80, $0x38;
	[tilespmem:$0x1C200] =	vst v63  }
0x44: {  	_ =	swait.ge [sflag:s20], $0x80  }
0x45: {  	[sflag:s20] =	ssyncset.done $0x0  }
0x46: {  	[sflag:s20] =	ssyncadd.s32 $0xFFFFFF80  }
0x47: {  	[tilespmem:s24], [sflag:$0x2] =	stream.indirect.gather [hbm4b:s1+s21], $0x80, s22, s21, $0xb8;
	[tilespmem:$0x1C200] =	vst v63  }
0x48: {  	_ =	swait.ge [sflag:s25], $0x4000  }
0x49: {  	[sflag:s25] =	ssyncset.done $0x0  }
0x4a: {  	[sflag:s25] =	ssyncadd.s32 $0xFFFFC000  }
0x4b: {  	[spmem:s2] =	stream.indirect.scatter.add.f32 [tilespmem:s19], [sflag:$0x3], $0x80, s21, s21, $0xb8;
	[tilespmem:$0x1C200] =	vst v63  }
0x4c: {  	_ =	swait.ge [sflag:s20], $0x4000  }
0x4d: {  	s3 =	sadd.s32 $0x20, s29;
	[sflag:s20] =	ssyncset.done $0x0  }
0x4e: {  	s29 =	sadd.s32 s5, s3;
	[sflag:s20] =	ssyncadd.s32 $0xFFFFC000  }
0x4f: {  	[tilespmem:s4], [sflag:$0x3] =	stream.linear.gather [hbm4b:s29+s4], $0x80, $0x38;
	[tilespmem:$0x1C200] =	vst v63  }
0x50: {  	_ =	swait.ge [sflag:s20], $0x80  }
0x51: {  	[sflag:s20] =	ssyncset.done $0x0  }
0x52: {  	s0 =	sadd.s32 s6, s3;
	[sflag:s20] =	ssyncadd.s32 $0xFFFFFF80  }
0x53: {  	[tilespmem:s21], [sflag:$0x3] =	stream.linear.gather [hbm4b:s0+s4], $0x80, $0x38;
	[tilespmem:$0x1C200] =	vst v63  }
0x54: {  	_ =	swait.ge [sflag:s20], $0x80  }
0x55: {  	[sflag:s20] =	ssyncset.done $0x0  }
0x56: {  	s30 =	sadd.s32 $0x20, s7;
	[sflag:s20] =	ssyncadd.s32 $0xFFFFFF80  }
0x57: {  	[tilespmem:s19], [sflag:$0x1] =	stream.indirect.gather [hbm4b:s1+s21], $0x80, s4, s21, $0xb8;
	[tilespmem:$0x1C200] =	vst v63  }
0x58: {  	s31 =	sand.u32 $0x1FF80, s30;
	s3 =	simm.s32 $0x20;
	_ =	swait.ge [sflag:s26], $0x4000  }
0x59: {  	s30 =	sadd.s32 $0x20, s30;
	s0 =	sand.u32 $0x60, s3;
	[sflag:s26] =	ssyncset.done $0x0  }
0x5a: {  	s29 =	simm.s32 $0x2;
	s31 =	sor.u32 s31, s0;
	[sflag:s26] =	ssyncadd.s32 $0xFFFFC000  }
.LBB2_4:
0x5b: {  	p0 =	sne.s32 s29, $0x26  }
0x5c: {  	s0 =	sor.u32 $0x10, s31;
	s31 =	smov.u32 s29;
	s29 =	sadd.s32 $0x1, s29  }
0x5d: {  	[spmem:s2] =	stream.indirect.scatter.add.f32 [tilespmem:s24], [sflag:$0x3], $0x80, s23, s21, $0xb8;
	[tilespmem:$0x1C200] =	vst v63  }
0x5e: {  	_ =	swait.ge [sflag:s20], $0x4000  }
0x5f: {  	[sflag:s20] =	ssyncset.done $0x0  }
0x60: {  	s3 =	sadd.s32 s5, s0;
	[sflag:s20] =	ssyncadd.s32 $0xFFFFC000  }
0x61: {  	[tilespmem:s22], [sflag:$0x3] =	stream.linear.gather [hbm4b:s3+s4], $0x80, $0x38;
	[tilespmem:$0x1C200] =	vst v63  }
0x62: {  	_ =	swait.ge [sflag:s20], $0x80  }
0x63: {  	[sflag:s20] =	ssyncset.done $0x0  }
0x64: {  	s0 =	sadd.s32 s6, s0;
	[sflag:s20] =	ssyncadd.s32 $0xFFFFFF80  }
0x65: {  	[tilespmem:s23], [sflag:$0x3] =	stream.linear.gather [hbm4b:s0+s4], $0x80, $0x38;
	[tilespmem:$0x1C200] =	vst v63  }
0x66: {  	_ =	swait.ge [sflag:s20], $0x80  }
0x67: {  	[sflag:s20] =	ssyncset.done $0x0  }
0x68: {  	[sflag:s20] =	ssyncadd.s32 $0xFFFFFF80  }
0x69: {  	[tilespmem:s24], [sflag:$0x2] =	stream.indirect.gather [hbm4b:s1+s21], $0x80, s22, s21, $0xb8;
	[tilespmem:$0x1C200] =	vst v63  }
0x6a: {  	_ =	swait.ge [sflag:s25], $0x4000  }
0x6b: {  	[sflag:s25] =	ssyncset.done $0x0  }
0x6c: {  	[sflag:s25] =	ssyncadd.s32 $0xFFFFC000  }
0x6d: {  	[spmem:s2] =	stream.indirect.scatter.add.f32 [tilespmem:s19], [sflag:$0x3], $0x80, s21, s21, $0xb8;
	[tilespmem:$0x1C200] =	vst v63  }
0x6e: {  	_ =	swait.ge [sflag:s20], $0x4000  }
0x6f: {  	[sflag:s20] =	ssyncset.done $0x0  }
0x70: {  	s0 =	sadd.s32 s5, s30;
	[sflag:s20] =	ssyncadd.s32 $0xFFFFC000  }
0x71: {  	[tilespmem:s4], [sflag:$0x3] =	stream.linear.gather [hbm4b:s0+s4], $0x80, $0x38;
	[tilespmem:$0x1C200] =	vst v63  }
0x72: {  	_ =	swait.ge [sflag:s20], $0x80  }
0x73: {  	[sflag:s20] =	ssyncset.done $0x0  }
0x74: {  	s0 =	sadd.s32 s6, s30;
	[sflag:s20] =	ssyncadd.s32 $0xFFFFFF80  }
0x75: {  	[tilespmem:s21], [sflag:$0x3] =	stream.linear.gather [hbm4b:s0+s4], $0x80, $0x38;
	[tilespmem:$0x1C200] =	vst v63  }
0x76: {  	_ =	swait.ge [sflag:s20], $0x80  }
0x77: {  	[sflag:s20] =	ssyncset.done $0x0  }
.Ltmp1:
0x78: {  	s0 =	sshll.u32 s31, $0x5;
	[sflag:s20] =	ssyncadd.s32 $0xFFFFFF80;
	(pc) =	sbr.rel @p0 .LBB2_4-.Ltmp1, $4  }
0x79: {  	[tilespmem:s19], [sflag:$0x1] =	stream.indirect.gather [hbm4b:s1+s21], $0x80, s4, s21, $0xb8;
	[tilespmem:$0x1C200] =	vst v63  }
0x7a: {  	s3 =	sadd.s32 s7, s0;
	_ =	swait.ge [sflag:s26], $0x4000  }
0x7b: {  	s0 =	sand.u32 $0x60, s0;
	s30 =	sand.u32 $0x1FF80, s3;
	[sflag:s26] =	ssyncset.done $0x0  }
0x7c: {  	s31 =	sor.u32 s30, s0;
	s30 =	sadd.s32 $0x20, s3;
	[sflag:s26] =	ssyncadd.s32 $0xFFFFC000  }
0x7d: {  	[spmem:s2] =	stream.indirect.scatter.add.f32 [tilespmem:s24], [sflag:$0x3], $0x80, s23, s21, $0xb8;
	[tilespmem:$0x1C200] =	vst v63  }
0x7e: {  	_ =	swait.ge [sflag:s20], $0x4000  }
0x7f: {  	s0 =	sor.u32 $0x10, s31;
	[sflag:s20] =	ssyncset.done $0x0  }
0x80: {  	s3 =	sadd.s32 s5, s0;
	[sflag:s20] =	ssyncadd.s32 $0xFFFFC000  }
0x81: {  	[tilespmem:s22], [sflag:$0x3] =	stream.linear.gather [hbm4b:s3+s4], $0x80, $0x38;
	[tilespmem:$0x1C200] =	vst v63  }
0x82: {  	_ =	swait.ge [sflag:s20], $0x80  }
0x83: {  	[sflag:s20] =	ssyncset.done $0x0  }
0x84: {  	s0 =	sadd.s32 s6, s0;
	[sflag:s20] =	ssyncadd.s32 $0xFFFFFF80  }
0x85: {  	[tilespmem:s23], [sflag:$0x3] =	stream.linear.gather [hbm4b:s0+s4], $0x80, $0x38;
	[tilespmem:$0x1C200] =	vst v63  }
0x86: {  	_ =	swait.ge [sflag:s20], $0x80  }
0x87: {  	[sflag:s20] =	ssyncset.done $0x0  }
0x88: {  	[sflag:s20] =	ssyncadd.s32 $0xFFFFFF80  }
0x89: {  	[tilespmem:s24], [sflag:$0x2] =	stream.indirect.gather [hbm4b:s1+s21], $0x80, s22, s21, $0xb8;
	[tilespmem:$0x1C200] =	vst v63  }
0x8a: {  	_ =	swait.ge [sflag:s25], $0x4000  }
0x8b: {  	[sflag:s25] =	ssyncset.done $0x0  }
0x8c: {  	[sflag:s25] =	ssyncadd.s32 $0xFFFFC000  }
0x8d: {  	[spmem:s2] =	stream.indirect.scatter.add.f32 [tilespmem:s19], [sflag:$0x3], $0x80, s21, s21, $0xb8;
	[tilespmem:$0x1C200] =	vst v63  }
0x8e: {  	_ =	swait.ge [sflag:s20], $0x4000  }
0x8f: {  	[sflag:s20] =	ssyncset.done $0x0  }
0x90: {  	s3 =	sadd.s32 s5, s30;
	[sflag:s20] =	ssyncadd.s32 $0xFFFFC000  }
0x91: {  	[tilespmem:s4], [sflag:$0x3] =	stream.linear.gather [hbm4b:s3+s4], $0x80, $0x38;
	[tilespmem:$0x1C200] =	vst v63  }
0x92: {  	_ =	swait.ge [sflag:s20], $0x80  }
0x93: {  	[sflag:s20] =	ssyncset.done $0x0  }
0x94: {  	s29 =	sadd.s32 s6, s30;
	[sflag:s20] =	ssyncadd.s32 $0xFFFFFF80  }
0x95: {  	[tilespmem:s21], [sflag:$0x3] =	stream.linear.gather [hbm4b:s29+s4], $0x80, $0x38;
	[tilespmem:$0x1C200] =	vst v63  }
0x96: {  	_ =	swait.ge [sflag:s20], $0x80  }
0x97: {  	[sflag:s20] =	ssyncset.done $0x0  }
0x98: {  	[sflag:s20] =	ssyncadd.s32 $0xFFFFFF80  }
0x99: {  	[tilespmem:s19], [sflag:$0x1] =	stream.indirect.gather [hbm4b:s1+s21], $0x80, s4, s21, $0xb8;
	[tilespmem:$0x1C200] =	vst v63  }
0x9a: {  	_ =	swait.ge [sflag:s26], $0x4000  }
0x9b: {  	[sflag:s26] =	ssyncset.done $0x0  }
0x9c: {  	[sflag:s26] =	ssyncadd.s32 $0xFFFFC000  }
0x9d: {  	[spmem:s2] =	stream.indirect.scatter.add.f32 [tilespmem:s24], [sflag:$0x3], $0x80, s23, s21, $0xb8;
	[tilespmem:$0x1C200] =	vst v63  }
0x9e: {  	_ =	swait.ge [sflag:s20], $0x4000  }
0x9f: {  	[sflag:s20] =	ssyncset.done $0x0  }
0xa0: {  	[sflag:s20] =	ssyncadd.s32 $0xFFFFC000  }
0xa1: {  	[tilespmem:s22], [sflag:$0x3] =	stream.linear.gather [hbm4b:s13+s4], $0x80, $0x38;
	[tilespmem:$0x1C200] =	vst v63  }
0xa2: {  	_ =	swait.ge [sflag:s20], $0x80  }
0xa3: {  	[sflag:s20] =	ssyncset.done $0x0  }
0xa4: {  	[sflag:s20] =	ssyncadd.s32 $0xFFFFFF80  }
0xa5: {  	[tilespmem:s23], [sflag:$0x3] =	stream.linear.gather [hbm4b:s18+s4], $0x80, $0x38;
	[tilespmem:$0x1C200] =	vst v63  }
0xa6: {  	_ =	swait.ge [sflag:s20], $0x80  }
0xa7: {  	[sflag:s20] =	ssyncset.done $0x0  }
0xa8: {  	[sflag:s20] =	ssyncadd.s32 $0xFFFFFF80  }
0xa9: {  	[tilespmem:s24], [sflag:$0x2] =	stream.indirect.gather [hbm4b:s1+s21], $0x80, s22, s21, $0xb8;
	[tilespmem:$0x1C200] =	vst v63  }
0xaa: {  	_ =	swait.ge [sflag:s25], $0x4000  }
0xab: {  	[sflag:s25] =	ssyncset.done $0x0  }
0xac: {  	[sflag:s25] =	ssyncadd.s32 $0xFFFFC000  }
0xad: {  	[spmem:s2] =	stream.indirect.scatter.add.f32 [tilespmem:s19], [sflag:$0x3], $0x80, s21, s21, $0xb8;
	[tilespmem:$0x1C200] =	vst v63  }
0xae: {  	_ =	swait.ge [sflag:s20], $0x4000  }
0xaf: {  	[sflag:s20] =	ssyncset.done $0x0  }
0xb0: {  	[sflag:s20] =	ssyncadd.s32 $0xFFFFC000  }
0xb1: {  	_ =	swait.ge [sflag:s26], $0x4000  }
0xb2: {  	[sflag:s26] =	ssyncset.done $0x0  }
0xb3: {  	[sflag:s26] =	ssyncadd.s32 $0xFFFFC000  }
0xb4: {  	[spmem:s2] =	stream.indirect.scatter.add.f32 [tilespmem:s24], [sflag:$0x3], $0x80, s23, s21, $0xb8;
	[tilespmem:$0x1C200] =	vst v63  }
0xb5: {  	s31 =	sshrl.u32 s8, $0x3;
	_ =	swait.ge [sflag:s20], $0x4000  }
0xb6: {  	s28 =	sadd.s32 $0x1, s28;
	s30 =	stileid.u32;
	[sflag:s20] =	ssyncset.done $0x0  }
0xb7: {  	p0 =	sne.s32 s28, s12;
	s0 =	sshll.u32 s30, $0x6;
	[sflag:s20] =	ssyncadd.s32 $0xFFFFC000  }
.Ltmp2:
0xb8: {  	s0 =	sor.u32 $0x1C03, s0;
	[bflag:$0x0] =	sbarrier.arrive $0xFFFF;
	(pc) =	sbr.rel @p0 .LBB2_1-.Ltmp2, $4  }
0xb9: {  	[hbm:s11], [sflag:s0] =	dma.local [spmem:s31], $0x2800  }
0xba: {  	_ =	swait.ge [sflag:s20], $0x2800  }
0xbb: {  	[sflag:s20] =	ssyncset.done $0x0  }
0xbc: {  	[sflag:s20] =	ssyncadd.s32 $0xFFFFD800  }
0xbd: {  	_ =	sfence.sel $0x180000  }
0xbe: {  	[bflag:$0x0] =	sbarrier.arrive $0xFFFF  }
0xbf: {  	_ =	strace $0x9000004A  }
0xc0: {  	s0 =	stileid.u32;
	[bflag:$0x2] =	sbarrier.arrive $0xFFFF  }
0xc1: {  	p0 =	sne.s32 s0, $0x0;
	s0 =	rddreg [dreg:$0x3]  }
0xc2: {  	s0 =	sadd.s32 @!p0 $0x100000, s0  }
0xc3: {  	[sflag:s0] =	ssyncadd.tile.s32 @!p0 $0x1;
	_ =	shalt  }
.Lfunc_end2:
_tile_overlayer_lowered:
.L_overlay_start_2:
0xc4: {  	(tag) =	ssettag $0x2  }
0xc5: {  	s0 =	rddreg [dreg:$0x0];
	s2 =	stileid.u32  }
0xc6: {  	s1 =	rddreg [dreg:$0x1];
	p0 =	sne.s32 s2, $0x0  }
0xc7: {  	s3 =	rddreg [dreg:$0x2];
	[bflag:$0x3] =	sbarrier.arrive $0xFFFF;
	s2 =	simm.s32 @!p0 $0x1C03  }
0xc8: {  	[timem:s3], [sflag:s2] =	dma.local @!p0 [hbm:s0], s1  }
0xc9: {  	s0 =	simm.s32 @!p0 $0x3  }
0xca: {  	_ =	swait.ge @!p0 [sflag:s0], s1  }
0xcb: {  	s1 =	ssub.s32 @!p0 $0x0, s1;
	[sflag:s0] =	ssyncset.done @!p0 $0x0  }
0xcc: {  	[sflag:s0] =	ssyncadd.s32 @!p0 s1  }
0xcd: {  	[bflag:$0x3] =	sbarrier.arrive $0xFFFF  }
0xce: {  	_ =	shalt  }

// kernel: kernel.8.cloned.1.call-start
scs
__scs_entry_jumppad:
0x0: {  	(pc) =	sbr.rel $0x88, $3  }
0x1: {  	(tag) =	ssettag $0x0;
	lr =	simm.s32 $0x1  }
0x2: {  	[smem:$0x3F93] =	sst lr;
	_ =	strace $0xD0000000  }
0x3: {  	_ = 	snop  }
0x4: {  	_ = 	snop  }
0x5: {  	_ = 	snop  }
0x6: {  	_ = 	snop  }
0x7: {  	_ = 	snop  }
__scs_overlays_trampoline_lowered:
0x8: {  	[smem:$0x3FA2] =	sst s0  }
0x9: {  	[smem:$0x3FA3] =	sst s1  }
0xa: {  	[smem:$0x3FA4] =	sst s2  }
0xb: {  	[smem:$0x3FA5] =	sst s3  }
0xc: {  	[smem:$0x3FA6] =	sst s4  }
0xd: {  	[smem:$0x3FA7] =	sst s5  }
0xe: {  	[smem:$0x3FA8] =	sst s6  }
0xf: {  	[smem:$0x3FA9] =	sst s7  }
0x10: {  	[smem:$0x3FAA] =	sst s8  }
0x11: {  	[smem:$0x3FAB] =	sst s9;
	s0 =	simm.s32 @!p0 $0x0  }
0x12: {  	s1 =	sld [smem:$0x3F91];
	s0 =	simm.s32 @p0 $0x1  }
0x13: {  	[smem:$0x3FAC] =	sst s0;
	s0 =	simm.s32 @!p1 $0x0  }
0x14: {  	s2 =	sld [smem:$0x3F90];
	s0 =	simm.s32 @p1 $0x1  }
0x15: {  	[smem:$0x3FAD] =	sst s0;
	s0 =	simm.s32 @!p2 $0x0  }
0x16: {  	s3 =	sld [smem:$0x3FDB];
	s0 =	simm.s32 @p2 $0x1  }
0x17: {  	s4 =	simm.s32 $0x1BF5;
	[smem:$0x3FAF] =	sst s0  }
0x18: {  	s0 =	sld [smem:$0x3F92];
	_ =	swait.ge [sflag:s4], $0x0  }
0x19: {  	s7 =	sld [smem:$0x3F93]  }
0x1a: {  	s8 =	sadd.s32 $0xFFFFE003, lr  }
0x1b: {  	s9 =	sadd.s32 $0xFFFFFEF7, lr;
	s5 =	simm.s32 $0xFFFFFFFF;
	p2 =	slt.u32 s8, $0xFFFFF086  }
0x1c: {  	p1 =	slt.u32 s9, $0xF7A;
	s5 =	simm.s32 @!p2 $0x0  }
0x1d: {  	s5 =	simm.s32 @p1 $0x1;
	p0 =	seq.s32 s7, s2  }
0x1e: {  	s7 =	smul.u32 @!p0 $0xF7A, s2;
	p2 =	seq.s32 @!p0 s5, $0x0  }
0x1f: {  	s9 =	smul.u32 $0xF7A, s1;
	s8 =	simm.s32 @!p0 $0x1BF5;
	p2 =	por !p2, p0  }
0x20: {  	[sflag:s8] =	ssyncset.s32 @!p0 $0xFFFFF086;
	s6 =	sadd.s32 @!p0 s3, s7;
	s7 =	simm.s32 @!p0 $0x108  }
0x21: {  	s3 =	sadd.s32 s3, s9;
	s6 =	sadd.s32 @!p0 $0x88, s6;
	s7 =	simm.s32 @p2 $0x1082  }
0x22: {  	[simem:s7], [sflag:s8] =	dma.local @!p0 [hbm:s6], $0xF7A  }
0x23: {  	s9 =	sor.u32 $0xD0000000, s2;
	s6 =	simm.s32 $0x108;
	_ =	swait.ge @!p0 [sflag:s8], $0x0  }
0x24: {  	s3 =	sadd.s32 $0x88, s3;
	s6 =	simm.s32 @!p1 $0x1082;
	[sflag:s4] =	ssyncset.s32 $0xFFFFF086  }
0x25: {  	[simem:s6], [sflag:s4] =	dma.local [hbm:s3], $0xF7A  }
0x26: {  	[smem:$0x3F93] =	sst s1;
	(tag) =	ssettag s2;
	_ =	strace s9  }
0x27: {  	s1 =	sld [smem:$0x3FA3]  }
0x28: {  	s2 =	sld [smem:$0x3FA4]  }
0x29: {  	s4 =	sld [smem:$0x3FA6]  }
0x2a: {  	p0 =	seq.s32 s5, $0x0;
	s5 =	sld [smem:$0x3FA7]  }
0x2b: {  	s6 =	sld [smem:$0x3FA8]  }
0x2c: {  	s7 =	sld [smem:$0x3FA9]  }
0x2d: {  	s3 =	simm.s32 $0x108;
	s8 =	sld [smem:$0x3FAA]  }
0x2e: {  	s3 =	simm.s32 @!p0 $0x1082;
	s9 =	sld [smem:$0x3FAB]  }
0x2f: {  	lr =	sadd.s32 s0, s3;
	s0 =	sld [smem:$0x3FA2]  }
0x30: {  	s3 =	sld [smem:$0x3FA5]  }
0x31: {  	[smem:$0x3FAE] =	sst s10  }
0x32: {  	s10 =	sld [smem:$0x3FAC];
	_ =	sdelay $0x3  }
0x33: {  	p0 =	seq.s32 s10, $0x1;
	s10 =	sld [smem:$0x3FAE];
	_ =	sdelay $0x3  }
0x34: {  	[smem:$0x3FAE] =	sst s10  }
0x35: {  	s10 =	sld [smem:$0x3FAD];
	_ =	sdelay $0x3  }
0x36: {  	p1 =	seq.s32 s10, $0x1;
	s10 =	sld [smem:$0x3FAE];
	_ =	sdelay $0x3  }
0x37: {  	[smem:$0x3FAE] =	sst s10  }
0x38: {  	s10 =	sld [smem:$0x3FAF]  }
0x39: {  	_ = 	snop;
	(pc) =	sbr.ind lr, $3  }
0x3a: {  	_ = 	snop  }
0x3b: {  	_ = 	snop  }
0x3c: {  	p2 =	seq.s32 s10, $0x1;
	s10 =	sld [smem:$0x3FAE]  }
0x3d: {  	_ =	shalt  }
0x3e: {  	_ =	shalt  }
0x3f: {  	_ =	shalt  }
0x40: {  	_ =	shalt  }
0x41: {  	_ =	shalt  }
0x42: {  	_ =	shalt  }
0x43: {  	_ =	shalt  }
0x44: {  	_ =	shalt  }
0x45: {  	_ =	shalt  }
0x46: {  	_ =	shalt  }
0x47: {  	_ =	shalt  }
0x48: {  	_ =	shalt  }
0x49: {  	_ =	shalt  }
0x4a: {  	_ =	shalt  }
0x4b: {  	_ =	shalt  }
0x4c: {  	_ =	shalt  }
0x4d: {  	_ =	shalt  }
0x4e: {  	_ =	shalt  }
0x4f: {  	_ =	shalt  }
0x50: {  	_ =	shalt  }
0x51: {  	_ =	shalt  }
0x52: {  	_ =	shalt  }
0x53: {  	_ =	shalt  }
0x54: {  	_ =	shalt  }
0x55: {  	_ =	shalt  }
0x56: {  	_ =	shalt  }
0x57: {  	_ =	shalt  }
0x58: {  	_ =	shalt  }
0x59: {  	_ =	shalt  }
0x5a: {  	_ =	shalt  }
0x5b: {  	_ =	shalt  }
0x5c: {  	_ =	shalt  }
0x5d: {  	_ =	shalt  }
0x5e: {  	_ =	shalt  }
0x5f: {  	_ =	shalt  }
0x60: {  	_ =	shalt  }
0x61: {  	_ =	shalt  }
0x62: {  	_ =	shalt  }
0x63: {  	_ =	shalt  }
0x64: {  	_ =	shalt  }
0x65: {  	_ =	shalt  }
0x66: {  	_ =	shalt  }
0x67: {  	_ =	shalt  }
0x68: {  	_ =	shalt  }
0x69: {  	_ =	shalt  }
0x6a: {  	_ =	shalt  }
0x6b: {  	_ =	shalt  }
0x6c: {  	_ =	shalt  }
0x6d: {  	_ =	shalt  }
0x6e: {  	_ =	shalt  }
0x6f: {  	_ =	shalt  }
0x70: {  	_ =	shalt  }
0x71: {  	_ =	shalt  }
0x72: {  	_ =	shalt  }
0x73: {  	_ =	shalt  }
0x74: {  	_ =	shalt  }
0x75: {  	_ =	shalt  }
0x76: {  	_ =	shalt  }
0x77: {  	_ =	shalt  }
0x78: {  	_ =	shalt  }
0x79: {  	_ =	shalt  }
0x7a: {  	_ =	shalt  }
0x7b: {  	_ =	shalt  }
0x7c: {  	_ =	shalt  }
0x7d: {  	_ =	shalt  }
0x7e: {  	_ =	shalt  }
0x7f: {  	_ =	shalt  }
0x80: {  	_ =	shalt  }
0x81: {  	_ =	shalt  }
0x82: {  	_ =	shalt  }
0x83: {  	_ =	shalt  }
0x84: {  	_ =	shalt  }
0x85: {  	_ =	shalt  }
0x86: {  	_ =	shalt  }
0x87: {  	_ =	shalt  }
.Lfunc_end0:
.L_simem_size_0:
called_computation.1_lowered:
.L_overlay_start_0:
0x88: {  	s2 =	sld [smem:$0x3FD9]  }
0x89: {  	s3 =	sld [smem:$0x3FFE];
	_ =	sdelay $0x1  }
0x8a: {  	s1 =	srdreg.scid  }
0x8b: {  	s0 =	sand.u32 $0x1, s1  }
0x8c: {  	s16 =	sshll.u32 s0, $0xA;
	s2 =	sadd.s32 s3, s2  }
0x8d: {  	s2 =	sadd.s32 s2, s16  }
0x8e: {  	[smem:$0x3FBA] =	sst s2  }
0x8f: {  	_ = 	snop  }
0x90: {  	(tm) =	ssettm $0x1  }
0x91: {  	s17 =	sld [smem:$0x3FFB];
	_ =	sdelay $0x3  }
0x92: {  	_ =	strace s17  }
0x93: {  	s2 =	sld [smem:$0x3FFC];
	_ =	sdelay $0x3  }
0x94: {  	_ =	strace s2  }
0x95: {  	s2 =	sld [smem:$0x3FFD];
	_ =	sdelay $0x3  }
0x96: {  	_ =	strace s2  }
0x97: {  	_ =	strace $0x8FFFFFFF  }
0x98: {  	s18 =	sld [smem:$0x3FDB];
	_ =	sdelay $0x1  }
0x99: {  	s19 =	simm.s32 $_scs_section_size  }
0x9a: {  	s4 =	simm.s32 $_size__tile_overlayer_lowered;
	s5 =	simm.s32 $_tile_overlayer_lowered  }
0x9b: {  	s22 =	simm.s32 $0x1BFF;
	s21 =	sshll.u32 s5, $0x1;
	s2 =	sadd.s32 s19, s18  }
0x9c: {  	s6 =	simm.s32 $0x0;
	s20 =	sshll.u32 s4, $0x1;
	s4 =	sadd.s32 s21, s2  }
0x9d: {  	[timem:s6], [sflag:s22] =	dma.local [hbm:s4], s20  }
0x9e: {  	_ =	swait.ge [sflag:s22], s20  }
0x9f: {  	s3 =	ssub.s32 $0x0, s20;
	[sflag:s22] =	ssyncset.done $0x0  }
0xa0: {  	[sflag:s22] =	ssyncadd.s32 s3;
	_ =	sdelay $0x1  }
0xa1: {  	s23 =	simm.s32 $0x1B8B  }
0xa2: {  	_ =	swait.ge [sflag:s23], $0x1  }
0xa3: {  	[sflag:s23] =	ssyncset.done $0x0  }
0xa4: {  	s25 =	simm.s32 $0x1B8E;
	s24 =	sld [smem:$0x3FFE];
	[sflag:s23] =	ssyncadd.s32 $0xFFFFFFFF  }
0xa5: {  	s26 =	simm.s32 $execute0_lowered;
	[smem:$0x3FD2] =	sst s25  }
0xa6: {  	s4 =	sshll.u32 s26, $0x1;
	_ =	strace $0x80000046;
	[dreg:$0x1] =	wrdreg $0xFFFFFFFF  }
0xa7: {  	s28 =	simm.s32 $_size_execute0_lowered;
	s2 =	sadd.s32 s2, s4;
	[dreg:$0x0] =	wrdreg $0x0  }
0xa8: {  	s4 =	sshll.u32 s28, $0x1;
	[dreg:$0x2] =	wrdreg s2  }
0xa9: {  	[dreg:$0x3] =	wrdreg s4  }
0xaa: {  	[dreg:$0x4] =	wrdreg $0xC0  }
0xab: {  	_ =	task [dreg:s6], $0x5FFFF  }
0xac: {  	[dreg:$0x1] =	wrdreg $0xFFFFFFFF  }
0xad: {  	[dreg:$0x0] =	wrdreg $0x60  }
0xae: {  	[dreg:$0x2] =	wrdreg s24  }
0xaf: {  	[dreg:$0x3] =	wrdreg $0x10A000  }
0xb0: {  	[dreg:$0x4] =	wrdreg $0xE2000  }
0xb1: {  	[dreg:$0x5] =	wrdreg $0xDF800  }
0xb2: {  	[dreg:$0x6] =	wrdreg $0xA  }
0xb3: {  	_ =	task.clear_ibuf [dreg:s6], $0x7FFFF;
	_ =	strace $0x90000046  }
0xb4: {  	s29 =	simm.s32 $0xA;
	_ =	strace $0x80000048  }
0xb5: {  	_ =	swait.ge [sflag:s29], $0x1  }
0xb6: {  	[sflag:s29] =	ssyncadd.s32 $0xFFFFFFFF  }
0xb7: {  	_ =	strace $0x90000048  }
0xb8: {  	_ =	sfence  }
0xb9: {  	s30 =	sld [smem:$0x0];
	_ =	sdelay $0x2  }
0xba: {  	s31 =	sshll.u32 s1, $0xD;
	s1 =	sshrl.u32 s1, $0x2  }
0xbb: {  	s3 =	sand.u32 $0x4000, s31;
	s1 =	sadd.s32 s1, s30  }
0xbc: {  	s0 =	sor.u32 s3, s0;
	s1 =	sshll.u32 s1, $0x11  }
0xbd: {  	s0 =	sor.u32 s1, s0  }
0xbe: {  	s0 =	sadd.s32 $0x8F2B, s0  }
0xbf: {  	[sflag:s0] =	ssyncadd.remote.s32 $0x1  }
0xc0: {  	_ =	sfence.sel $0xFFFF  }
0xc1: {  	[dreg:$0x0] =	wrdreg $0xFFFFFFFF;
	(pc) =	sbr.abs _section_cstart, $3  }
0xc2: {  	[dreg:$0x1] =	wrdreg $0xFFFFFFFF  }
0xc3: {  	_ =	task.clear_ibuf [dreg:s6], $0x2FFFF;
	_ =	strace $0x9FFFFFFF  }
0xc4: {  	(tm) =	ssettm $0x7FFFFFFF  }
0xc5: {  	_ =	shalt  }
tec
execute0_lowered:
.L_overlay_start_1:
0x0: {  	(tag) =	ssettag $0x1  }
0x1: {  	s0 =	rddreg [dreg:$0x0]  }
0x2: {  	s1 =	rddreg [dreg:$0x1]  }
0x3: {  	s2 =	srdreg.scid;
	s16 =	stileid.u32  }
0x4: {  	s3 =	rddreg [dreg:$0x2];
	s6 =	smul.u32 $0x50, s16  }
0x5: {  	s17 =	rddreg [dreg:$0x3];
	s4 =	simm.s32 $0x0;
	s7 =	smul.u32 $0x280, s16  }
0x6: {  	s28 =	simm.s32 $0xB680;
	s29 =	simm.s32 $0xB700;
	s21 =	smul.u32 $0x14000, s16  }
0x7: {  	s30 =	simm.s32 $0x2;
	s2 =	sand.u32 $0x1, s2;
	s13 =	smul.u32 $0x5000, s16  }
0x8: {  	[smem:$0x7FF] =	sst s4;
	s10 =	sadd.s32 $0xD800, s0;
	s25 =	smul.u32 $0x28A00, s16  }
0x9: {  	s9 =	sadd.s32 $0x3200, s0;
	s26 =	smul.u32 $0xA00, s16;
	s15 =	sshrl.u32 s16, $0x3  }
0xa: {  	s5 =	smul.u32 $0x500, s2;
	_ =	strace $0x80000047;
	[dreg:$0x5] =	wrdreg s9  }
0xb: {  	s11 =	sshll.u32 s2, $0x7;
	s23 =	ssub.s32 $0x2, s2;
	s15 =	smul.u32 $0x50000, s15  }
0xc: {  	s22 =	sshrl.u32 s7, $0x3;
	s24 =	sshrl.u32 s23, $0x1;
	s14 =	sshrl.u32 s13, $0x3  }
0xd: {  	s9 =	sadd.s32 s10, s26;
	s13 =	sshrl.u32 s13, $0x2;
	s5 =	sadd.s32 s6, s5  }
0xe: {  	s12 =	sadd.s32 s22, s0;
	s6 =	sor.u32 s11, s21;
	s14 =	sadd.s32 s10, s14  }
0xf: {  	[dreg:$0x6] =	wrdreg s9;
	s9 =	sadd.s32 s13, s3;
	s31 =	sadd.s32 $0x500, s14  }
0x10: {  	s11 =	ssub.s32 s23, s24;
	s20 =	sadd.s32 $0x80, s9;
	[dreg:$0x7] =	wrdreg s31  }
0x11: {  	s15 =	sshrl.u32 s15, $0x2;
	s21 =	sadd.s32 $0x100, s9;
	[dreg:$0x9] =	wrdreg s20  }
0x12: {  	s5 =	sshll.u32 s5, $0x4;
	s22 =	sadd.s32 $0x180, s9;
	[dreg:$0xa] =	wrdreg s21  }
0x13: {  	s6 =	sshrl.u32 s6, $0x3;
	s23 =	sadd.s32 $0x200, s9;
	[dreg:$0xb] =	wrdreg s22  }
0x14: {  	s24 =	sadd.s32 $0x280, s9;
	s13 =	sadd.s32 $0x14000, s9;
	[dreg:$0xc] =	wrdreg s23  }
0x15: {  	s8 =	sadd.s32 s5, s0;
	s0 =	sadd.s32 s6, s0;
	[dreg:$0xd] =	wrdreg s24  }
0x16: {  	s6 =	sshrl.u32 s25, $0x2;
	s25 =	sadd.s32 $0x300, s9;
	[dreg:$0x11] =	wrdreg s13  }
0x17: {  	s14 =	sshll.u32 s16, $0x7;
	s26 =	sadd.s32 s10, s5;
	[dreg:$0xe] =	wrdreg s25  }
0x18: {  	s18 =	sand.u32 $0x380, s14;
	s10 =	sadd.s32 $0x380, s9;
	[dreg:$0xf] =	wrdreg s26  }
0x19: {  	s14 =	sadd.s32 s15, s3;
	s15 =	sadd.s32 $0x3F800, s12;
	[dreg:$0x10] =	wrdreg s10  }
0x1a: {  	p0 =	sne.s32 s2, $0x0;
	s20 =	sadd.s32 $0x14080, s9;
	[dreg:$0x13] =	wrdreg s15  }
0x1b: {  	s31 =	smul.u32 $0x28000, s16;
	s21 =	sadd.s32 $0x14100, s9;
	[dreg:$0x18] =	wrdreg s20  }
0x1c: {  	s22 =	sadd.s32 $0x14180, s9;
	s23 =	sadd.s32 $0x14200, s9;
	[dreg:$0x19] =	wrdreg s21  }
0x1d: {  	s24 =	sadd.s32 $0x14280, s9;
	s6 =	sadd.s32 s6, s1;
	[dreg:$0x1a] =	wrdreg s22  }
0x1e: {  	s19 =	sadd.s32 s18, s14;
	s14 =	sadd.s32 s7, s17;
	[dreg:$0x1b] =	wrdreg s23  }
0x1f: {  	s17 =	sadd.s32 $0x3800, s8;
	s0 =	sadd.s32 $0x17800, s0;
	[dreg:$0x1c] =	wrdreg s24  }
0x20: {  	s25 =	sadd.s32 $0x14300, s9;
	s26 =	sadd.s32 $0x14380, s9;
	[dreg:$0x8] =	wrdreg s19  }
0x21: {  	s15 =	simm.s32 $0x3;
	s20 =	simm.s32 $0x400;
	[dreg:$0x12] =	wrdreg s14  }
0x22: {  	s21 =	simm.s32 $0x6400;
	s22 =	simm.s32 $0x6180;
	[dreg:$0x14] =	wrdreg s17  }
0x23: {  	s23 =	simm.s32 $0x6680;
	s24 =	simm.s32 $0x8E80;
	[dreg:$0x15] =	wrdreg s0  }
0x24: {  	s16 =	sshrl.u32 s31, $0x2;
	s19 =	smax.u32 s11, $0x1;
	[dreg:$0x1d] =	wrdreg s25  }
0x25: {  	[dreg:$0x1e] =	wrdreg s26;
	s31 =	sadd.s32 $0x1040, s6;
	s5 =	sadd.s32 $0x2080, s6  }
0x26: {  	s7 =	sadd.s32 $0x30C0, s6;
	s8 =	sadd.s32 $0x4100, s6;
	s10 =	sadd.s32 $0x5140, s6  }
.Ltmp0:
0x27: {  	s11 =	sadd.s32 $0x6180, s6;
	s12 =	sadd.s32 $0x71C0, s6;
	(pc) =	sbr.rel .LBB2_1-.Ltmp0, $4  }
0x28: {  	s13 =	sadd.s32 $0x8200, s6;
	s14 =	sadd.s32 $0x9240, s6;
	s25 =	simm.s32 $0x1080  }
0x29: {  	s26 =	simm.s32 $0x6100;
	s18 =	sadd.s32 s16, s1;
	[dreg:$0x16] =	wrdreg s19  }
0x2a: {  	[dreg:$0x1f] =	wrdreg s31;
	s19 =	simm.s32 $0x80;
	s0 =	sshrl.u32 s18, $0x3  }
0x2b: {  	v0 =	vimm.f32 $0.0e+00;
	s16 =	simm.s32 $0x1;
	s18 =	simm.s32 $0xB780;
	[dreg:$0x17] =	wrdreg s0  }
.LBB2_43:
0x2c: {  	s2 =	stileid.u32;
	[bflag:$0x0] =	sbarrier.arrive $0xFFFF  }
0x2d: {  	s31 =	simm.s32 $0x20;
	s2 =	sshll.u32 s2, $0x6;
	s3 =	rddreg [dreg:$0x15]  }
0x2e: {  	s0 =	simm.s32 $0x10;
	s17 =	rddreg [dreg:$0x17];
	s2 =	sor.u32 $0x1C03, s2  }
0x2f: {  	[hbm:s3@s31], [sflag:s2] =	dma.strided [spmem:s17@s0], $0x1400, s16, $0x10   }
0x30: {  	_ =	swait.ge [sflag:s15], $0x1400  }
0x31: {  	s4 =	sadd.s32 $0x1, s4;
	s31 =	rddreg [dreg:$0x16]  }
0x32: {  	p1 =	sne.s32 s4, s31  }
.Ltmp1:
0x33: {  	_ = 	snop;
	(pc) =	sbr.rel @!p1 .LBB2_44-.Ltmp1, $3  }
0x34: {  	_ =	sdelay $0x1  }
0x35: {  	[sflag:s15] =	ssyncset.done $0x0  }
0x36: {  	[sflag:s15] =	ssyncadd.s32 $0xFFFFEC00  }
.LBB2_1:
0x37: {  	s2 =	simm.s32 $0x0  }
.LBB2_2:
0x38: {  	p1 =	sne.s32 s2, $0x40C0  }
.Ltmp2:
0x39: {  	_ = 	snop;
	(pc) =	sbr.rel @p1 .LBB2_2-.Ltmp2, $3  }
0x3a: {  	_ =	sdelay $0x1  }
0x3b: {  	s17 =	sshra.s32 s2, $0x2  }
0x3c: {  	s2 =	sadd.s32 $0x40, s2;
	[tilespmem:s17+$0x0] =	vst v0  }
0x3d: {  	s2 =	simm.s32 $0x40;
	s17 =	simm.s32 $0x0  }
.LBB2_4:
0x3e: {  	p1 =	sne.s32 s2, $0x9FC0;
	[tilespmem:s17+$0xB780] =	vst v0;
	s17 =	smov.u32 s2;
	s2 =	sadd.s32 $0x40, s2  }
.Ltmp3:
0x3f: {  	(pc) =	sbr.rel @p1 .LBB2_4-.Ltmp3, $2  }
0x40: {  	_ =	sdelay $0x2  }
0x41: {  	s17 =	sshra.s32 s17, $0x2  }
0x42: {  	[tilespmem:s17+$0xB780] =	vst v0;
	s17 =	simm.s32 $0x0  }
0x43: {  	[spmem:s6] =	stream.linear.scatter [tilespmem:s17], [sflag:$0x3], $0x1040, $0x38;
	[tilespmem:$0x1AC80] =	vst v63  }
0x44: {  	_ =	swait.ge [sflag:s15], $0x1040  }
0x45: {  	[sflag:s15] =	ssyncset.done $0x0  }
0x46: {  	s0 =	rddreg [dreg:$0x1f];
	[sflag:s15] =	ssyncadd.s32 $0xFFFFEFC0  }
0x47: {  	[spmem:s0] =	stream.linear.scatter [tilespmem:s17], [sflag:$0x3], $0x1040, $0x38;
	[tilespmem:$0x1AC80] =	vst v63  }
0x48: {  	_ =	swait.ge [sflag:s15], $0x1040  }
0x49: {  	[sflag:s15] =	ssyncset.done $0x0  }
0x4a: {  	[sflag:s15] =	ssyncadd.s32 $0xFFFFEFC0  }
0x4b: {  	[spmem:s5] =	stream.linear.scatter [tilespmem:s17], [sflag:$0x3], $0x1040, $0x38;
	[tilespmem:$0x1AC80] =	vst v63  }
0x4c: {  	_ =	swait.ge [sflag:s15], $0x1040  }
0x4d: {  	[sflag:s15] =	ssyncset.done $0x0  }
0x4e: {  	[sflag:s15] =	ssyncadd.s32 $0xFFFFEFC0  }
0x4f: {  	[spmem:s7] =	stream.linear.scatter [tilespmem:s17], [sflag:$0x3], $0x1040, $0x38;
	[tilespmem:$0x1AC80] =	vst v63  }
0x50: {  	_ =	swait.ge [sflag:s15], $0x1040  }
0x51: {  	[sflag:s15] =	ssyncset.done $0x0  }
0x52: {  	[sflag:s15] =	ssyncadd.s32 $0xFFFFEFC0  }
0x53: {  	[spmem:s8] =	stream.linear.scatter [tilespmem:s17], [sflag:$0x3], $0x1040, $0x38;
	[tilespmem:$0x1AC80] =	vst v63  }
0x54: {  	_ =	swait.ge [sflag:s15], $0x1040  }
0x55: {  	[sflag:s15] =	ssyncset.done $0x0  }
0x56: {  	[sflag:s15] =	ssyncadd.s32 $0xFFFFEFC0  }
0x57: {  	[spmem:s10] =	stream.linear.scatter [tilespmem:s17], [sflag:$0x3], $0x1040, $0x38;
	[tilespmem:$0x1AC80] =	vst v63  }
0x58: {  	_ =	swait.ge [sflag:s15], $0x1040  }
0x59: {  	[sflag:s15] =	ssyncset.done $0x0  }
0x5a: {  	[sflag:s15] =	ssyncadd.s32 $0xFFFFEFC0  }
0x5b: {  	[spmem:s11] =	stream.linear.scatter [tilespmem:s17], [sflag:$0x3], $0x1040, $0x38;
	[tilespmem:$0x1AC80] =	vst v63  }
0x5c: {  	_ =	swait.ge [sflag:s15], $0x1040  }
0x5d: {  	[sflag:s15] =	ssyncset.done $0x0  }
0x5e: {  	[sflag:s15] =	ssyncadd.s32 $0xFFFFEFC0  }
0x5f: {  	[spmem:s12] =	stream.linear.scatter [tilespmem:s17], [sflag:$0x3], $0x1040, $0x38;
	[tilespmem:$0x1AC80] =	vst v63  }
0x60: {  	_ =	swait.ge [sflag:s15], $0x1040  }
0x61: {  	[sflag:s15] =	ssyncset.done $0x0  }
0x62: {  	[sflag:s15] =	ssyncadd.s32 $0xFFFFEFC0  }
0x63: {  	[spmem:s13] =	stream.linear.scatter [tilespmem:s17], [sflag:$0x3], $0x1040, $0x38;
	[tilespmem:$0x1AC80] =	vst v63  }
0x64: {  	_ =	swait.ge [sflag:s15], $0x1040  }
0x65: {  	[sflag:s15] =	ssyncset.done $0x0  }
0x66: {  	[sflag:s15] =	ssyncadd.s32 $0xFFFFEFC0  }
0x67: {  	[spmem:s14] =	stream.linear.scatter [tilespmem:s17], [sflag:$0x3], $0x1040, $0x38;
	[tilespmem:$0x1AC80] =	vst v63  }
0x68: {  	_ =	swait.ge [sflag:s15], $0x1040  }
0x69: {  	[sflag:s15] =	ssyncset.done $0x0  }
0x6a: {  	s3 =	simm.s32 $0x1100;
	s2 =	rddreg [dreg:$0x6];
	[sflag:s15] =	ssyncadd.s32 $0xFFFFEFC0  }
0x6b: {  	[tilespmem:s3], [sflag:$0x3] =	stream.linear.gather [hbm4b:s2+s17], $0x2800, $0x38;
	[tilespmem:$0x1AC80] =	vst v63  }
0x6c: {  	_ =	swait.ge [sflag:s15], $0x2800  }
0x6d: {  	[sflag:s15] =	ssyncset.done $0x0  }
0x6e: {  	s31 =	simm.s32 $0x3900;
	s3 =	rddreg [dreg:$0x7];
	[sflag:s15] =	ssyncadd.s32 $0xFFFFD800  }
0x6f: {  	[tilespmem:s31], [sflag:$0x3] =	stream.linear.gather [hbm4b:s3+s17], $0x2800, $0x38;
	[tilespmem:$0x1AC80] =	vst v63  }
0x70: {  	_ =	swait.ge [sflag:s15], $0x2800  }
0x71: {  	[sflag:s15] =	ssyncset.done $0x0  }
0x72: {  	[sflag:s15] =	ssyncadd.s32 $0xFFFFD800  }
.LBB2_6:
0x73: {  	s31 =	sshra.s32 s17, $0x2  }
0x74: {  	v1 =	vld [tilespmem:s31+$0x1100];
	_ =	sdelay $0x4  }
0x75: {  	(xrf1) =	vunique.msk.u32 $0xffff, v1;
	_ =	sdelay $0xd  }
0x76: {  	_, v2, vm0 =	vpop (xrf1);
	_ =	sdelay $0x3  }
0x77: {  	v2 =	vcvt.s32.f32 v2;
	_ =	sdelay $0x1  }
0x78: {  	[tilespmem:v1+s18+$0x0] =	vst.idx.add.f32.msk vm0, v2  }
0x79: {  	v1 =	vld [tilespmem:s31+$0x3900];
	_ =	sdelay $0x4  }
0x7a: {  	(xrf1) =	vunique.msk.u32 $0xffff, v1;
	_ =	sdelay $0xd  }
0x7b: {  	_, v2, vm0 =	vpop (xrf1);
	_ =	sdelay $0x3  }
0x7c: {  	v2 =	vcvt.s32.f32 v2;
	_ =	sdelay $0x1  }
0x7d: {  	[tilespmem:v1+s18+$0x0] =	vst.idx.add.f32.msk vm0, v2  }
0x7e: {  	v1 =	vld [tilespmem:s31+$0x1110];
	_ =	sdelay $0x4  }
0x7f: {  	(xrf1) =	vunique.msk.u32 $0xffff, v1;
	_ =	sdelay $0xd  }
0x80: {  	_, v2, vm0 =	vpop (xrf1);
	_ =	sdelay $0x3  }
0x81: {  	v2 =	vcvt.s32.f32 v2;
	_ =	sdelay $0x1  }
0x82: {  	[tilespmem:v1+s18+$0x0] =	vst.idx.add.f32.msk vm0, v2  }
0x83: {  	v1 =	vld [tilespmem:s31+$0x3910];
	_ =	sdelay $0x4  }
0x84: {  	(xrf1) =	vunique.msk.u32 $0xffff, v1;
	_ =	sdelay $0xd  }
0x85: {  	_, v2, vm0 =	vpop (xrf1);
	_ =	sdelay $0x3  }
0x86: {  	v2 =	vcvt.s32.f32 v2;
	_ =	sdelay $0x1  }
0x87: {  	[tilespmem:v1+s18+$0x0] =	vst.idx.add.f32.msk vm0, v2  }
0x88: {  	v1 =	vld [tilespmem:s31+$0x1120];
	_ =	sdelay $0x4  }
0x89: {  	(xrf1) =	vunique.msk.u32 $0xffff, v1;
	_ =	sdelay $0xd  }
0x8a: {  	_, v2, vm0 =	vpop (xrf1);
	_ =	sdelay $0x3  }
0x8b: {  	v2 =	vcvt.s32.f32 v2;
	_ =	sdelay $0x1  }
0x8c: {  	[tilespmem:v1+s18+$0x0] =	vst.idx.add.f32.msk vm0, v2  }
0x8d: {  	v1 =	vld [tilespmem:s31+$0x3920];
	_ =	sdelay $0x4  }
0x8e: {  	(xrf1) =	vunique.msk.u32 $0xffff, v1;
	_ =	sdelay $0xd  }
0x8f: {  	_, v2, vm0 =	vpop (xrf1);
	_ =	sdelay $0x3  }
0x90: {  	v2 =	vcvt.s32.f32 v2;
	_ =	sdelay $0x1  }
0x91: {  	[tilespmem:v1+s18+$0x0] =	vst.idx.add.f32.msk vm0, v2  }
0x92: {  	v1 =	vld [tilespmem:s31+$0x1130];
	_ =	sdelay $0x4  }
0x93: {  	(xrf1) =	vunique.msk.u32 $0xffff, v1;
	_ =	sdelay $0xd  }
0x94: {  	_, v2, vm0 =	vpop (xrf1);
	_ =	sdelay $0x3  }
0x95: {  	v2 =	vcvt.s32.f32 v2;
	_ =	sdelay $0x1  }
0x96: {  	[tilespmem:v1+s18+$0x0] =	vst.idx.add.f32.msk vm0, v2  }
0x97: {  	v1 =	vld [tilespmem:s31+$0x3930];
	_ =	sdelay $0x4  }
0x98: {  	(xrf1) =	vunique.msk.u32 $0xffff, v1;
	_ =	sdelay $0xd  }
0x99: {  	_, v2, vm0 =	vpop (xrf1);
	_ =	sdelay $0x3  }
0x9a: {  	v2 =	vcvt.s32.f32 v2;
	_ =	sdelay $0x1  }
0x9b: {  	[tilespmem:v1+s18+$0x0] =	vst.idx.add.f32.msk vm0, v2  }
0x9c: {  	v1 =	vld [tilespmem:s31+$0x1140];
	_ =	sdelay $0x4  }
0x9d: {  	(xrf1) =	vunique.msk.u32 $0xffff, v1;
	_ =	sdelay $0xd  }
0x9e: {  	_, v2, vm0 =	vpop (xrf1);
	_ =	sdelay $0x3  }
0x9f: {  	v2 =	vcvt.s32.f32 v2;
	_ =	sdelay $0x1  }
0xa0: {  	[tilespmem:v1+s18+$0x0] =	vst.idx.add.f32.msk vm0, v2  }
0xa1: {  	v1 =	vld [tilespmem:s31+$0x3940];
	_ =	sdelay $0x4  }
0xa2: {  	(xrf1) =	vunique.msk.u32 $0xffff, v1;
	_ =	sdelay $0xd  }
0xa3: {  	_, v2, vm0 =	vpop (xrf1);
	_ =	sdelay $0x3  }
0xa4: {  	v2 =	vcvt.s32.f32 v2;
	_ =	sdelay $0x1  }
0xa5: {  	[tilespmem:v1+s18+$0x0] =	vst.idx.add.f32.msk vm0, v2  }
0xa6: {  	v1 =	vld [tilespmem:s31+$0x1150];
	_ =	sdelay $0x4  }
0xa7: {  	(xrf1) =	vunique.msk.u32 $0xffff, v1;
	_ =	sdelay $0xd  }
0xa8: {  	_, v2, vm0 =	vpop (xrf1);
	_ =	sdelay $0x3  }
0xa9: {  	v2 =	vcvt.s32.f32 v2;
	_ =	sdelay $0x1  }
0xaa: {  	[tilespmem:v1+s18+$0x0] =	vst.idx.add.f32.msk vm0, v2  }
0xab: {  	v1 =	vld [tilespmem:s31+$0x3950];
	_ =	sdelay $0x4  }
0xac: {  	(xrf1) =	vunique.msk.u32 $0xffff, v1;
	_ =	sdelay $0xd  }
0xad: {  	_, v2, vm0 =	vpop (xrf1);
	_ =	sdelay $0x3  }
0xae: {  	v2 =	vcvt.s32.f32 v2;
	_ =	sdelay $0x1  }
0xaf: {  	[tilespmem:v1+s18+$0x0] =	vst.idx.add.f32.msk vm0, v2  }
0xb0: {  	v1 =	vld [tilespmem:s31+$0x1160];
	_ =	sdelay $0x4  }
0xb1: {  	(xrf1) =	vunique.msk.u32 $0xffff, v1;
	_ =	sdelay $0xd  }
0xb2: {  	_, v2, vm0 =	vpop (xrf1);
	_ =	sdelay $0x3  }
0xb3: {  	v2 =	vcvt.s32.f32 v2;
	_ =	sdelay $0x1  }
0xb4: {  	[tilespmem:v1+s18+$0x0] =	vst.idx.add.f32.msk vm0, v2  }
0xb5: {  	v1 =	vld [tilespmem:s31+$0x3960];
	_ =	sdelay $0x4  }
0xb6: {  	(xrf1) =	vunique.msk.u32 $0xffff, v1;
	_ =	sdelay $0xd  }
0xb7: {  	_, v2, vm0 =	vpop (xrf1);
	_ =	sdelay $0x3  }
0xb8: {  	v2 =	vcvt.s32.f32 v2;
	_ =	sdelay $0x1  }
0xb9: {  	[tilespmem:v1+s18+$0x0] =	vst.idx.add.f32.msk vm0, v2  }
0xba: {  	v1 =	vld [tilespmem:s31+$0x1170];
	_ =	sdelay $0x4  }
0xbb: {  	(xrf1) =	vunique.msk.u32 $0xffff, v1;
	_ =	sdelay $0xd  }
0xbc: {  	_, v2, vm0 =	vpop (xrf1);
	_ =	sdelay $0x3  }
0xbd: {  	v2 =	vcvt.s32.f32 v2;
	_ =	sdelay $0x1  }
0xbe: {  	[tilespmem:v1+s18+$0x0] =	vst.idx.add.f32.msk vm0, v2  }
0xbf: {  	v1 =	vld [tilespmem:s31+$0x3970];
	_ =	sdelay $0x4  }
0xc0: {  	(xrf1) =	vunique.msk.u32 $0xffff, v1;
	_ =	sdelay $0xd  }
0xc1: {  	_, v2, vm0 =	vpop (xrf1)  }
0xc2: {  	p1 =	sne.s32 s17, $0x9E00  }
.Ltmp4:
0xc3: {  	_ = 	snop;
	(pc) =	sbr.rel @p1 .LBB2_6-.Ltmp4, $3  }
0xc4: {  	_ = 	snop  }
0xc5: {  	v2 =	vcvt.s32.f32 v2;
	_ =	sdelay $0x1  }
0xc6: {  	s17 =	sadd.s32 $0x200, s17;
	[tilespmem:v1+s18+$0x0] =	vst.idx.add.f32.msk vm0, v2  }
0xc7: {  	s2 =	rddreg [dreg:$0x8]  }
0xc8: {  	[spmem:s2] =	stream.strided.scatter [tilespmem:s18], [sflag:$0x3], $0x2800, s20, s19, $0x38;
	[tilespmem:$0x1AC80] =	vst v63  }
0xc9: {  	_ =	swait.ge [sflag:s15], $0x2800  }
0xca: {  	[sflag:s15] =	ssyncset.done $0x0  }
0xcb: {  	[sflag:s15] =	ssyncadd.s32 $0xFFFFD800  }
0xcc: {  	[bflag:$0x0] =	sbarrier.arrive $0xFFFF  }
0xcd: {  	[tilespmem:s21], [sflag:$0x3] =	stream.strided.gather [spmem:s9], $0x280, s20, s19, $0x38;
	[tilespmem:$0x1AC80] =	vst v63  }
0xce: {  	_ =	swait.ge [sflag:s15], $0x280  }
0xcf: {  	[sflag:s15] =	ssyncset.done $0x0  }
0xd0: {  	s31 =	rddreg [dreg:$0x9];
	[sflag:s15] =	ssyncadd.s32 $0xFFFFFD80  }
0xd1: {  	[tilespmem:s22], [sflag:$0x3] =	stream.strided.gather [spmem:s31], $0x280, s20, s19, $0x38;
	[tilespmem:$0x1AC80] =	vst v63  }
0xd2: {  	_ =	swait.ge [sflag:s15], $0x280  }
0xd3: {  	[sflag:s15] =	ssyncset.done $0x0  }
0xd4: {  	s17 =	simm.s32 $0x0;
	[sflag:s15] =	ssyncadd.s32 $0xFFFFFD80  }
0xd5: {  	s2 =	simm.s32 $0x40;
	v1 =	vld [tilespmem:s17+$0x6180]  }
.LBB2_8:
0xd6: {  	p1 =	sne.s32 s2, $0x9C0;
	v2 =	vld [tilespmem:s17+$0x6400];
	_ =	sdelay $0x2  }
.Ltmp5:
0xd7: {  	(pc) =	sbr.rel @p1 .LBB2_8-.Ltmp5, $4  }
0xd8: {  	_ = 	snop  }
0xd9: {  	v2 =	vadd.f32 v1, v2  }
0xda: {  	s31 =	sshra.s32 s2, $0x2  }
0xdb: {  	s2 =	sadd.s32 $0x40, s2;
	v1 =	vld [tilespmem:s31+$0x6180];
	[tilespmem:s17+$0x6400] =	vst v2;
	s17 =	smov.u32 s31  }
0xdc: {  	v2 =	vld [tilespmem:s17+$0x6400];
	_ =	sdelay $0x4  }
0xdd: {  	v1 =	vadd.f32 v1, v2;
	_ =	sdelay $0x1  }
0xde: {  	s2 =	rddreg [dreg:$0xa];
	[tilespmem:s17+$0x6400] =	vst v1  }
0xdf: {  	[tilespmem:s22], [sflag:$0x3] =	stream.strided.gather [spmem:s2], $0x280, s20, s19, $0x38;
	[tilespmem:$0x1AC80] =	vst v63  }
0xe0: {  	_ =	swait.ge [sflag:s15], $0x280  }
0xe1: {  	[sflag:s15] =	ssyncset.done $0x0  }
0xe2: {  	s17 =	simm.s32 $0x0;
	[sflag:s15] =	ssyncadd.s32 $0xFFFFFD80  }
0xe3: {  	s2 =	simm.s32 $0x40;
	v1 =	vld [tilespmem:s17+$0x6180]  }
.LBB2_10:
0xe4: {  	p1 =	sne.s32 s2, $0x9C0;
	v2 =	vld [tilespmem:s17+$0x6400];
	_ =	sdelay $0x2  }
.Ltmp6:
0xe5: {  	(pc) =	sbr.rel @p1 .LBB2_10-.Ltmp6, $4  }
0xe6: {  	_ = 	snop  }
0xe7: {  	v2 =	vadd.f32 v1, v2  }
0xe8: {  	s31 =	sshra.s32 s2, $0x2  }
0xe9: {  	s2 =	sadd.s32 $0x40, s2;
	v1 =	vld [tilespmem:s31+$0x6180];
	[tilespmem:s17+$0x6400] =	vst v2;
	s17 =	smov.u32 s31  }
0xea: {  	v2 =	vld [tilespmem:s17+$0x6400];
	_ =	sdelay $0x4  }
0xeb: {  	v1 =	vadd.f32 v1, v2;
	_ =	sdelay $0x1  }
0xec: {  	s2 =	rddreg [dreg:$0xb];
	[tilespmem:s17+$0x6400] =	vst v1  }
0xed: {  	[tilespmem:s22], [sflag:$0x3] =	stream.strided.gather [spmem:s2], $0x280, s20, s19, $0x38;
	[tilespmem:$0x1AC80] =	vst v63  }
0xee: {  	_ =	swait.ge [sflag:s15], $0x280  }
0xef: {  	[sflag:s15] =	ssyncset.done $0x0  }
0xf0: {  	s17 =	simm.s32 $0x0;
	[sflag:s15] =	ssyncadd.s32 $0xFFFFFD80  }
0xf1: {  	s2 =	simm.s32 $0x40;
	v1 =	vld [tilespmem:s17+$0x6180]  }
.LBB2_12:
0xf2: {  	p1 =	sne.s32 s2, $0x9C0;
	v2 =	vld [tilespmem:s17+$0x6400];
	_ =	sdelay $0x2  }
.Ltmp7:
0xf3: {  	(pc) =	sbr.rel @p1 .LBB2_12-.Ltmp7, $4  }
0xf4: {  	_ = 	snop  }
0xf5: {  	v2 =	vadd.f32 v1, v2  }
0xf6: {  	s31 =	sshra.s32 s2, $0x2  }
0xf7: {  	s2 =	sadd.s32 $0x40, s2;
	v1 =	vld [tilespmem:s31+$0x6180];
	[tilespmem:s17+$0x6400] =	vst v2;
	s17 =	smov.u32 s31  }
0xf8: {  	v2 =	vld [tilespmem:s17+$0x6400];
	_ =	sdelay $0x4  }
0xf9: {  	v1 =	vadd.f32 v1, v2;
	_ =	sdelay $0x1  }
0xfa: {  	s2 =	rddreg [dreg:$0xc];
	[tilespmem:s17+$0x6400] =	vst v1  }
0xfb: {  	[tilespmem:s22], [sflag:$0x3] =	stream.strided.gather [spmem:s2], $0x280, s20, s19, $0x38;
	[tilespmem:$0x1AC80] =	vst v63  }
0xfc: {  	_ =	swait.ge [sflag:s15], $0x280  }
0xfd: {  	[sflag:s15] =	ssyncset.done $0x0  }
0xfe: {  	s17 =	simm.s32 $0x0;
	[sflag:s15] =	ssyncadd.s32 $0xFFFFFD80  }
0xff: {  	s2 =	simm.s32 $0x40;
	v1 =	vld [tilespmem:s17+$0x6180]  }
.LBB2_14:
0x100: {  	p1 =	sne.s32 s2, $0x9C0;
	v2 =	vld [tilespmem:s17+$0x6400];
	_ =	sdelay $0x2  }
.Ltmp8:
0x101: {  	(pc) =	sbr.rel @p1 .LBB2_14-.Ltmp8, $4  }
0x102: {  	_ = 	snop  }
0x103: {  	v2 =	vadd.f32 v1, v2  }
0x104: {  	s31 =	sshra.s32 s2, $0x2  }
0x105: {  	s2 =	sadd.s32 $0x40, s2;
	v1 =	vld [tilespmem:s31+$0x6180];
	[tilespmem:s17+$0x6400] =	vst v2;
	s17 =	smov.u32 s31  }
0x106: {  	v2 =	vld [tilespmem:s17+$0x6400];
	_ =	sdelay $0x4  }
0x107: {  	v1 =	vadd.f32 v1, v2;
	_ =	sdelay $0x1  }
0x108: {  	s2 =	rddreg [dreg:$0xd];
	[tilespmem:s17+$0x6400] =	vst v1  }
0x109: {  	[tilespmem:s22], [sflag:$0x3] =	stream.strided.gather [spmem:s2], $0x280, s20, s19, $0x38;
	[tilespmem:$0x1AC80] =	vst v63  }
0x10a: {  	_ =	swait.ge [sflag:s15], $0x280  }
0x10b: {  	[sflag:s15] =	ssyncset.done $0x0  }
0x10c: {  	s17 =	simm.s32 $0x0;
	[sflag:s15] =	ssyncadd.s32 $0xFFFFFD80  }
0x10d: {  	s2 =	simm.s32 $0x40;
	v1 =	vld [tilespmem:s17+$0x6180]  }
.LBB2_16:
0x10e: {  	p1 =	sne.s32 s2, $0x9C0;
	v2 =	vld [tilespmem:s17+$0x6400];
	_ =	sdelay $0x2  }
.Ltmp9:
0x10f: {  	(pc) =	sbr.rel @p1 .LBB2_16-.Ltmp9, $4  }
0x110: {  	_ = 	snop  }
0x111: {  	v2 =	vadd.f32 v1, v2  }
0x112: {  	s31 =	sshra.s32 s2, $0x2  }
0x113: {  	s2 =	sadd.s32 $0x40, s2;
	v1 =	vld [tilespmem:s31+$0x6180];
	[tilespmem:s17+$0x6400] =	vst v2;
	s17 =	smov.u32 s31  }
0x114: {  	v2 =	vld [tilespmem:s17+$0x6400];
	_ =	sdelay $0x4  }
0x115: {  	v1 =	vadd.f32 v1, v2;
	_ =	sdelay $0x1  }
0x116: {  	s2 =	rddreg [dreg:$0xe];
	[tilespmem:s17+$0x6400] =	vst v1  }
0x117: {  	[tilespmem:s22], [sflag:$0x3] =	stream.strided.gather [spmem:s2], $0x280, s20, s19, $0x38;
	[tilespmem:$0x1AC80] =	vst v63  }
0x118: {  	_ =	swait.ge [sflag:s15], $0x280  }
0x119: {  	[sflag:s15] =	ssyncset.done $0x0  }
0x11a: {  	s17 =	simm.s32 $0x0;
	[sflag:s15] =	ssyncadd.s32 $0xFFFFFD80  }
0x11b: {  	s2 =	simm.s32 $0x40;
	v1 =	vld [tilespmem:s17+$0x6180]  }
.LBB2_18:
0x11c: {  	p1 =	sne.s32 s2, $0x9C0;
	v2 =	vld [tilespmem:s17+$0x6400];
	_ =	sdelay $0x2  }
.Ltmp10:
0x11d: {  	(pc) =	sbr.rel @p1 .LBB2_18-.Ltmp10, $4  }
0x11e: {  	_ = 	snop  }
0x11f: {  	v2 =	vadd.f32 v1, v2  }
0x120: {  	s31 =	sshra.s32 s2, $0x2  }
0x121: {  	s2 =	sadd.s32 $0x40, s2;
	v1 =	vld [tilespmem:s31+$0x6180];
	[tilespmem:s17+$0x6400] =	vst v2;
	s17 =	smov.u32 s31  }
0x122: {  	v2 =	vld [tilespmem:s17+$0x6400];
	_ =	sdelay $0x4  }
0x123: {  	v1 =	vadd.f32 v1, v2;
	_ =	sdelay $0x1  }
0x124: {  	s2 =	rddreg [dreg:$0x10];
	[tilespmem:s17+$0x6400] =	vst v1  }
0x125: {  	[tilespmem:s22], [sflag:$0x3] =	stream.strided.gather [spmem:s2], $0x280, s20, s19, $0x38;
	[tilespmem:$0x1AC80] =	vst v63  }
0x126: {  	_ =	swait.ge [sflag:s15], $0x280  }
0x127: {  	[sflag:s15] =	ssyncset.done $0x0  }
0x128: {  	s17 =	simm.s32 $0x0;
	[sflag:s15] =	ssyncadd.s32 $0xFFFFFD80  }
0x129: {  	s2 =	simm.s32 $0x40;
	v1 =	vld [tilespmem:s17+$0x6180]  }
.LBB2_20:
0x12a: {  	p1 =	sne.s32 s2, $0x9C0;
	v2 =	vld [tilespmem:s17+$0x6400];
	_ =	sdelay $0x2  }
.Ltmp11:
0x12b: {  	(pc) =	sbr.rel @p1 .LBB2_20-.Ltmp11, $4  }
0x12c: {  	_ = 	snop  }
0x12d: {  	v2 =	vadd.f32 v1, v2  }
0x12e: {  	s31 =	sshra.s32 s2, $0x2  }
0x12f: {  	s2 =	sadd.s32 $0x40, s2;
	v1 =	vld [tilespmem:s31+$0x6180];
	[tilespmem:s17+$0x6400] =	vst v2;
	s17 =	smov.u32 s31  }
0x130: {  	v2 =	vld [tilespmem:s17+$0x6400];
	_ =	sdelay $0x4  }
0x131: {  	v1 =	vadd.f32 v1, v2;
	_ =	sdelay $0x1  }
0x132: {  	s2 =	rddreg [dreg:$0x11];
	[tilespmem:s17+$0x6400] =	vst v1  }
0x133: {  	[tilespmem:s22], [sflag:$0x3] =	stream.strided.gather [spmem:s2], $0x280, s20, s19, $0x38;
	[tilespmem:$0x1AC80] =	vst v63  }
0x134: {  	_ =	swait.ge [sflag:s15], $0x280  }
0x135: {  	[sflag:s15] =	ssyncset.done $0x0  }
0x136: {  	s17 =	simm.s32 $0x0;
	[sflag:s15] =	ssyncadd.s32 $0xFFFFFD80  }
0x137: {  	s2 =	simm.s32 $0x40;
	v1 =	vld [tilespmem:s17+$0x6180]  }
.LBB2_22:
0x138: {  	p1 =	sne.s32 s2, $0x9C0;
	v2 =	vld [tilespmem:s17+$0x6400];
	_ =	sdelay $0x2  }
.Ltmp12:
0x139: {  	(pc) =	sbr.rel @p1 .LBB2_22-.Ltmp12, $4  }
0x13a: {  	_ = 	snop  }
0x13b: {  	v2 =	vadd.f32 v1, v2  }
0x13c: {  	s31 =	sshra.s32 s2, $0x2  }
0x13d: {  	s2 =	sadd.s32 $0x40, s2;
	v1 =	vld [tilespmem:s31+$0x6180];
	[tilespmem:s17+$0x6400] =	vst v2;
	s17 =	smov.u32 s31  }
0x13e: {  	v2 =	vld [tilespmem:s17+$0x6400];
	_ =	sdelay $0x4  }
0x13f: {  	v1 =	vadd.f32 v1, v2;
	_ =	sdelay $0x1  }
0x140: {  	s2 =	rddreg [dreg:$0x18];
	[tilespmem:s17+$0x6400] =	vst v1  }
0x141: {  	[tilespmem:s22], [sflag:$0x3] =	stream.strided.gather [spmem:s2], $0x280, s20, s19, $0x38;
	[tilespmem:$0x1AC80] =	vst v63  }
0x142: {  	_ =	swait.ge [sflag:s15], $0x280  }
0x143: {  	[sflag:s15] =	ssyncset.done $0x0  }
0x144: {  	s17 =	simm.s32 $0x0;
	[sflag:s15] =	ssyncadd.s32 $0xFFFFFD80  }
0x145: {  	s2 =	simm.s32 $0x40;
	v1 =	vld [tilespmem:s17+$0x6180]  }
.LBB2_24:
0x146: {  	p1 =	sne.s32 s2, $0x9C0;
	v2 =	vld [tilespmem:s17+$0x6400];
	_ =	sdelay $0x2  }
.Ltmp13:
0x147: {  	(pc) =	sbr.rel @p1 .LBB2_24-.Ltmp13, $4  }
0x148: {  	_ = 	snop  }
0x149: {  	v2 =	vadd.f32 v1, v2  }
0x14a: {  	s31 =	sshra.s32 s2, $0x2  }
0x14b: {  	s2 =	sadd.s32 $0x40, s2;
	v1 =	vld [tilespmem:s31+$0x6180];
	[tilespmem:s17+$0x6400] =	vst v2;
	s17 =	smov.u32 s31  }
0x14c: {  	v2 =	vld [tilespmem:s17+$0x6400];
	_ =	sdelay $0x4  }
0x14d: {  	v1 =	vadd.f32 v1, v2;
	_ =	sdelay $0x1  }
0x14e: {  	s2 =	rddreg [dreg:$0x19];
	[tilespmem:s17+$0x6400] =	vst v1  }
0x14f: {  	[tilespmem:s22], [sflag:$0x3] =	stream.strided.gather [spmem:s2], $0x280, s20, s19, $0x38;
	[tilespmem:$0x1AC80] =	vst v63  }
0x150: {  	_ =	swait.ge [sflag:s15], $0x280  }
0x151: {  	[sflag:s15] =	ssyncset.done $0x0  }
0x152: {  	s17 =	simm.s32 $0x0;
	[sflag:s15] =	ssyncadd.s32 $0xFFFFFD80  }
0x153: {  	s2 =	simm.s32 $0x40;
	v1 =	vld [tilespmem:s17+$0x6180]  }
.LBB2_26:
0x154: {  	p1 =	sne.s32 s2, $0x9C0;
	v2 =	vld [tilespmem:s17+$0x6400];
	_ =	sdelay $0x2  }
.Ltmp14:
0x155: {  	(pc) =	sbr.rel @p1 .LBB2_26-.Ltmp14, $4  }
0x156: {  	_ = 	snop  }
0x157: {  	v2 =	vadd.f32 v1, v2  }
0x158: {  	s31 =	sshra.s32 s2, $0x2  }
0x159: {  	s2 =	sadd.s32 $0x40, s2;
	v1 =	vld [tilespmem:s31+$0x6180];
	[tilespmem:s17+$0x6400] =	vst v2;
	s17 =	smov.u32 s31  }
0x15a: {  	v2 =	vld [tilespmem:s17+$0x6400];
	_ =	sdelay $0x4  }
0x15b: {  	v1 =	vadd.f32 v1, v2;
	_ =	sdelay $0x1  }
0x15c: {  	s2 =	rddreg [dreg:$0x1a];
	[tilespmem:s17+$0x6400] =	vst v1  }
0x15d: {  	[tilespmem:s22], [sflag:$0x3] =	stream.strided.gather [spmem:s2], $0x280, s20, s19, $0x38;
	[tilespmem:$0x1AC80] =	vst v63  }
0x15e: {  	_ =	swait.ge [sflag:s15], $0x280  }
0x15f: {  	[sflag:s15] =	ssyncset.done $0x0  }
0x160: {  	s17 =	simm.s32 $0x0;
	[sflag:s15] =	ssyncadd.s32 $0xFFFFFD80  }
0x161: {  	s2 =	simm.s32 $0x40;
	v1 =	vld [tilespmem:s17+$0x6180]  }
.LBB2_28:
0x162: {  	p1 =	sne.s32 s2, $0x9C0;
	v2 =	vld [tilespmem:s17+$0x6400];
	_ =	sdelay $0x2  }
.Ltmp15:
0x163: {  	(pc) =	sbr.rel @p1 .LBB2_28-.Ltmp15, $4  }
0x164: {  	_ = 	snop  }
0x165: {  	v2 =	vadd.f32 v1, v2  }
0x166: {  	s31 =	sshra.s32 s2, $0x2  }
0x167: {  	s2 =	sadd.s32 $0x40, s2;
	v1 =	vld [tilespmem:s31+$0x6180];
	[tilespmem:s17+$0x6400] =	vst v2;
	s17 =	smov.u32 s31  }
0x168: {  	v2 =	vld [tilespmem:s17+$0x6400];
	_ =	sdelay $0x4  }
0x169: {  	v1 =	vadd.f32 v1, v2;
	_ =	sdelay $0x1  }
0x16a: {  	s2 =	rddreg [dreg:$0x1b];
	[tilespmem:s17+$0x6400] =	vst v1  }
0x16b: {  	[tilespmem:s22], [sflag:$0x3] =	stream.strided.gather [spmem:s2], $0x280, s20, s19, $0x38;
	[tilespmem:$0x1AC80] =	vst v63  }
0x16c: {  	_ =	swait.ge [sflag:s15], $0x280  }
0x16d: {  	[sflag:s15] =	ssyncset.done $0x0  }
0x16e: {  	s17 =	simm.s32 $0x0;
	[sflag:s15] =	ssyncadd.s32 $0xFFFFFD80  }
0x16f: {  	s2 =	simm.s32 $0x40;
	v1 =	vld [tilespmem:s17+$0x6180]  }
.LBB2_30:
0x170: {  	p1 =	sne.s32 s2, $0x9C0;
	v2 =	vld [tilespmem:s17+$0x6400];
	_ =	sdelay $0x2  }
.Ltmp16:
0x171: {  	(pc) =	sbr.rel @p1 .LBB2_30-.Ltmp16, $4  }
0x172: {  	_ = 	snop  }
0x173: {  	v2 =	vadd.f32 v1, v2  }
0x174: {  	s31 =	sshra.s32 s2, $0x2  }
0x175: {  	s2 =	sadd.s32 $0x40, s2;
	v1 =	vld [tilespmem:s31+$0x6180];
	[tilespmem:s17+$0x6400] =	vst v2;
	s17 =	smov.u32 s31  }
0x176: {  	v2 =	vld [tilespmem:s17+$0x6400];
	_ =	sdelay $0x4  }
0x177: {  	v1 =	vadd.f32 v1, v2;
	_ =	sdelay $0x1  }
0x178: {  	s2 =	rddreg [dreg:$0x1c];
	[tilespmem:s17+$0x6400] =	vst v1  }
0x179: {  	[tilespmem:s22], [sflag:$0x3] =	stream.strided.gather [spmem:s2], $0x280, s20, s19, $0x38;
	[tilespmem:$0x1AC80] =	vst v63  }
0x17a: {  	_ =	swait.ge [sflag:s15], $0x280  }
0x17b: {  	[sflag:s15] =	ssyncset.done $0x0  }
0x17c: {  	s17 =	simm.s32 $0x0;
	[sflag:s15] =	ssyncadd.s32 $0xFFFFFD80  }
0x17d: {  	s2 =	simm.s32 $0x40;
	v1 =	vld [tilespmem:s17+$0x6180]  }
.LBB2_32:
0x17e: {  	p1 =	sne.s32 s2, $0x9C0;
	v2 =	vld [tilespmem:s17+$0x6400];
	_ =	sdelay $0x2  }
.Ltmp17:
0x17f: {  	(pc) =	sbr.rel @p1 .LBB2_32-.Ltmp17, $4  }
0x180: {  	_ = 	snop  }
0x181: {  	v2 =	vadd.f32 v1, v2  }
0x182: {  	s31 =	sshra.s32 s2, $0x2  }
0x183: {  	s2 =	sadd.s32 $0x40, s2;
	v1 =	vld [tilespmem:s31+$0x6180];
	[tilespmem:s17+$0x6400] =	vst v2;
	s17 =	smov.u32 s31  }
0x184: {  	v2 =	vld [tilespmem:s17+$0x6400];
	_ =	sdelay $0x4  }
0x185: {  	v1 =	vadd.f32 v1, v2;
	_ =	sdelay $0x1  }
0x186: {  	s2 =	rddreg [dreg:$0x1d];
	[tilespmem:s17+$0x6400] =	vst v1  }
0x187: {  	[tilespmem:s22], [sflag:$0x3] =	stream.strided.gather [spmem:s2], $0x280, s20, s19, $0x38;
	[tilespmem:$0x1AC80] =	vst v63  }
0x188: {  	_ =	swait.ge [sflag:s15], $0x280  }
0x189: {  	[sflag:s15] =	ssyncset.done $0x0  }
0x18a: {  	s17 =	simm.s32 $0x0;
	[sflag:s15] =	ssyncadd.s32 $0xFFFFFD80  }
0x18b: {  	s2 =	simm.s32 $0x40;
	v1 =	vld [tilespmem:s17+$0x6180]  }
.LBB2_34:
0x18c: {  	p1 =	sne.s32 s2, $0x9C0;
	v2 =	vld [tilespmem:s17+$0x6400];
	_ =	sdelay $0x2  }
.Ltmp18:
0x18d: {  	(pc) =	sbr.rel @p1 .LBB2_34-.Ltmp18, $4  }
0x18e: {  	_ = 	snop  }
0x18f: {  	v2 =	vadd.f32 v1, v2  }
0x190: {  	s31 =	sshra.s32 s2, $0x2  }
0x191: {  	s2 =	sadd.s32 $0x40, s2;
	v1 =	vld [tilespmem:s31+$0x6180];
	[tilespmem:s17+$0x6400] =	vst v2;
	s17 =	smov.u32 s31  }
0x192: {  	v2 =	vld [tilespmem:s17+$0x6400];
	_ =	sdelay $0x4  }
0x193: {  	v1 =	vadd.f32 v1, v2;
	_ =	sdelay $0x1  }
0x194: {  	s2 =	rddreg [dreg:$0x1e];
	[tilespmem:s17+$0x6400] =	vst v1  }
0x195: {  	[tilespmem:s22], [sflag:$0x3] =	stream.strided.gather [spmem:s2], $0x280, s20, s19, $0x38;
	[tilespmem:$0x1AC80] =	vst v63  }
0x196: {  	_ =	swait.ge [sflag:s15], $0x280  }
0x197: {  	[sflag:s15] =	ssyncset.done $0x0  }
0x198: {  	s17 =	simm.s32 $0x0;
	[sflag:s15] =	ssyncadd.s32 $0xFFFFFD80  }
0x199: {  	s31 =	simm.s32 $0x0;
	s2 =	simm.s32 $0x40;
	v1 =	vld [tilespmem:s17+$0x6180]  }
.LBB2_36:
0x19a: {  	p1 =	sne.s32 s2, $0x9C0;
	v2 =	vld [tilespmem:s31+$0x6400];
	_ =	sdelay $0x2  }
.Ltmp19:
0x19b: {  	(pc) =	sbr.rel @p1 .LBB2_36-.Ltmp19, $4  }
0x19c: {  	_ = 	snop  }
0x19d: {  	v2 =	vadd.f32 v1, v2  }
0x19e: {  	s3 =	sshra.s32 s2, $0x2  }
0x19f: {  	s2 =	sadd.s32 $0x40, s2;
	v1 =	vld [tilespmem:s3+$0x6180];
	[tilespmem:s31+$0x6400] =	vst v2;
	s31 =	smov.u32 s3  }
0x1a0: {  	v2 =	vld [tilespmem:s31+$0x6400];
	_ =	sdelay $0x4  }
0x1a1: {  	v1 =	vadd.f32 v1, v2;
	_ =	sdelay $0x1  }
0x1a2: {  	[tilespmem:s31+$0x6400] =	vst v1;
	s31 =	simm.s32 $0x40  }
.LBB2_38:
0x1a3: {  	p1 =	sne.s32 s31, $0x9C0;
	v1 =	vld [tilespmem:s17+$0x6400];
	_ =	sdelay $0x4  }
0x1a4: {  	v1 =	vmax.f32 v1, $1.000000000e+00  }
0x1a5: {  	(erf) = vrcp.f32 v1;
	_ =	sdelay $0x5  }
.Ltmp20:
0x1a6: {  	(pc) =	sbr.rel @p1 .LBB2_38-.Ltmp20, $3  }
0x1a7: {  	_ =	sdelay $0x1  }
0x1a8: {  	v1 =	vpop (erf)  }
0x1a9: {  	[tilespmem:s17+$0x6400] =	vst v1;
	s17 =	sshra.s32 s31, $0x2;
	s31 =	sadd.s32 $0x40, s31  }
0x1aa: {  	v1 =	vld [tilespmem:s17+$0x6400];
	_ =	sdelay $0x4  }
0x1ab: {  	v1 =	vmax.f32 v1, $1.000000000e+00  }
0x1ac: {  	(erf) = vrcp.f32 v1;
	_ =	sdelay $0x8  }
0x1ad: {  	v1 =	vpop (erf)  }
0x1ae: {  	s2 =	rddreg [dreg:$0x12];
	[tilespmem:s17+$0x6400] =	vst v1  }
0x1af: {  	[spmem:s2] =	stream.linear.scatter [tilespmem:s21], [sflag:$0x3], $0x280, $0x38;
	[tilespmem:$0x1AC80] =	vst v63  }
0x1b0: {  	_ =	swait.ge [sflag:s15], $0x280  }
0x1b1: {  	s3 =	simm.s32 @!p0 $0x6400;
	[sflag:s15] =	ssyncset.done $0x0  }
0x1b2: {  	s2 =	simm.s32 @!p0 $0x0;
	s17 =	rddreg [dreg:$0x13];
	[sflag:s15] =	ssyncadd.s32 $0xFFFFFD80  }
0x1b3: {  	[hbm4b:s17+s2] =	stream.linear.scatter @!p0 [tilespmem:s3], [sflag:$0x3], $0x280, $0x38;
	[tilespmem:$0x1AC80] =	vst v63  }
0x1b4: {  	s2 =	simm.s32 @!p0 $0x3  }
0x1b5: {  	_ =	swait.ge @!p0 [sflag:s2], $0x280  }
0x1b6: {  	[sflag:s2] =	ssyncset.done @!p0 $0x0  }
0x1b7: {  	[sflag:s2] =	ssyncadd.s32 @!p0 $0xFFFFFD80  }
0x1b8: {  	[bflag:$0x0] =	sbarrier.arrive $0xFFFF  }
0x1b9: {  	s17 =	simm.s32 $0x0;
	s0 =	rddreg [dreg:$0x5]  }
0x1ba: {  	[tilespmem:s23], [sflag:$0x3] =	stream.linear.gather [hbm4b:s0+s17], $0x2800, $0x38;
	[tilespmem:$0x1AC80] =	vst v63  }
0x1bb: {  	_ =	swait.ge [sflag:s15], $0x2800  }
0x1bc: {  	[sflag:s15] =	ssyncset.done $0x0  }
0x1bd: {  	[sflag:s15] =	ssyncadd.s32 $0xFFFFD800  }
0x1be: {  	s3 =	rddreg [dreg:$0x3]  }
0x1bf: {  	[tilespmem:s24], [sflag:$0x3] =	stream.linear.gather [spmem:s3], $0x2800, $0x38;
	[tilespmem:$0x1AC80] =	vst v63  }
0x1c0: {  	_ =	swait.ge [sflag:s15], $0x2800  }
0x1c1: {  	[sflag:s15] =	ssyncset.done $0x0  }
0x1c2: {  	s0 =	simm.s32 $0x3900;
	s31 =	rddreg [dreg:$0x14];
	[sflag:s15] =	ssyncadd.s32 $0xFFFFD800  }
0x1c3: {  	[tilespmem:s0], [sflag:$0x3] =	stream.linear.gather [hbm4b:s31+s17], $0x2800, $0x38;
	[tilespmem:$0x1AC80] =	vst v63  }
0x1c4: {  	_ =	swait.ge [sflag:s15], $0x2800  }
0x1c5: {  	[sflag:s15] =	ssyncset.done $0x0  }
0x1c6: {  	s31 =	simm.s32 $0x1100;
	s3 =	rddreg [dreg:$0xf];
	[sflag:s15] =	ssyncadd.s32 $0xFFFFD800  }
0x1c7: {  	[tilespmem:s31], [sflag:$0x3] =	stream.linear.gather [hbm4b:s3+s17], $0x2800, $0x38;
	[tilespmem:$0x1AC80] =	vst v63  }
0x1c8: {  	_ =	swait.ge [sflag:s15], $0x2800  }
0x1c9: {  	[sflag:s15] =	ssyncset.done $0x0  }
0x1ca: {  	[sflag:s15] =	ssyncadd.s32 $0xFFFFD800  }
0x1cb: {  	v1 =	vld [tilespmem:$0x1100];
	_ =	sdelay $0x6  }
0x1cc: {  	v3 =	vld [tilespmem:$0x3900]  }
0x1cd: {  	v2 =	vld.idx.msk [tilespmem:v1+s23+$0x0], $0xffff  }
0x1ce: {  	v4 =	vld [tilespmem:$0x1110]  }
0x1cf: {  	v1 =	vld.idx.msk [tilespmem:v1+s24+$0x0], $0xffff;
	_ =	sdelay $0x2  }
0x1d0: {  	v2 =	vmul.u32 $0x2800, v2;
	_ =	sdelay $0x1  }
0x1d1: {  	[tilespmem:$0x6100] =	vst v1;
	v2 =	vadd.s32 v3, v2  }
0x1d2: {  	v3 =	vld [tilespmem:$0x1120];
	[tilespmem:$0x1080] =	vst v2  }
0x1d3: {  	v1 =	vld.idx.msk [tilespmem:v4+s23+$0x0], $0xffff  }
0x1d4: {  	v2 =	vld [tilespmem:$0x3910]  }
0x1d5: {  	v4 =	vld.idx.msk [tilespmem:v4+s24+$0x0], $0xffff;
	_ =	sdelay $0x2  }
0x1d6: {  	v1 =	vmul.u32 $0x2800, v1;
	_ =	sdelay $0x1  }
0x1d7: {  	[tilespmem:$0x6110] =	vst v4;
	v1 =	vadd.s32 v2, v1  }
0x1d8: {  	v61 =	vld [tilespmem:$0x1130];
	[tilespmem:$0x1090] =	vst v1  }
0x1d9: {  	v1 =	vld.idx.msk [tilespmem:v3+s23+$0x0], $0xffff  }
0x1da: {  	v2 =	vld [tilespmem:$0x3920]  }
0x1db: {  	v3 =	vld.idx.msk [tilespmem:v3+s24+$0x0], $0xffff;
	_ =	sdelay $0x2  }
0x1dc: {  	v1 =	vmul.u32 $0x2800, v1;
	_ =	sdelay $0x1  }
0x1dd: {  	[tilespmem:$0x6120] =	vst v3;
	v1 =	vadd.s32 v2, v1  }
0x1de: {  	v3 =	vld [tilespmem:$0x1140];
	[tilespmem:$0x10A0] =	vst v1  }
0x1df: {  	v1 =	vld.idx.msk [tilespmem:v61+s23+$0x0], $0xffff  }
0x1e0: {  	v2 =	vld [tilespmem:$0x3930]  }
0x1e1: {  	v4 =	vld.idx.msk [tilespmem:v61+s24+$0x0], $0xffff;
	_ =	sdelay $0x2  }
0x1e2: {  	v1 =	vmul.u32 $0x2800, v1;
	_ =	sdelay $0x1  }
0x1e3: {  	[tilespmem:$0x6130] =	vst v4;
	v1 =	vadd.s32 v2, v1  }
0x1e4: {  	v62 =	vld [tilespmem:$0x1150];
	[tilespmem:$0x10B0] =	vst v1  }
0x1e5: {  	v1 =	vld.idx.msk [tilespmem:v3+s23+$0x0], $0xffff  }
0x1e6: {  	v2 =	vld [tilespmem:$0x3940]  }
0x1e7: {  	v3 =	vld.idx.msk [tilespmem:v3+s24+$0x0], $0xffff;
	_ =	sdelay $0x2  }
0x1e8: {  	v1 =	vmul.u32 $0x2800, v1;
	_ =	sdelay $0x1  }
0x1e9: {  	[tilespmem:$0x6140] =	vst v3;
	v1 =	vadd.s32 v2, v1  }
0x1ea: {  	v3 =	vld [tilespmem:$0x1160];
	[tilespmem:$0x10C0] =	vst v1  }
0x1eb: {  	v1 =	vld.idx.msk [tilespmem:v62+s23+$0x0], $0xffff  }
0x1ec: {  	v2 =	vld [tilespmem:$0x3950]  }
0x1ed: {  	v4 =	vld.idx.msk [tilespmem:v62+s24+$0x0], $0xffff;
	_ =	sdelay $0x2  }
0x1ee: {  	v1 =	vmul.u32 $0x2800, v1;
	_ =	sdelay $0x1  }
0x1ef: {  	[tilespmem:$0x6150] =	vst v4;
	v1 =	vadd.s32 v2, v1  }
0x1f0: {  	v63 =	vld [tilespmem:$0x1170];
	[tilespmem:$0x10D0] =	vst v1  }
0x1f1: {  	v1 =	vld.idx.msk [tilespmem:v3+s23+$0x0], $0xffff  }
0x1f2: {  	v2 =	vld [tilespmem:$0x3960]  }
0x1f3: {  	v3 =	vld.idx.msk [tilespmem:v3+s24+$0x0], $0xffff;
	_ =	sdelay $0x2  }
0x1f4: {  	v1 =	vmul.u32 $0x2800, v1;
	_ =	sdelay $0x1  }
0x1f5: {  	[tilespmem:$0x6160] =	vst v3;
	v1 =	vadd.s32 v2, v1  }
0x1f6: {  	[tilespmem:$0x10E0] =	vst v1  }
0x1f7: {  	v1 =	vld.idx.msk [tilespmem:v63+s23+$0x0], $0xffff  }
0x1f8: {  	v2 =	vld [tilespmem:$0x3970]  }
0x1f9: {  	v3 =	vld.idx.msk [tilespmem:v63+s24+$0x0], $0xffff;
	_ =	sdelay $0x2  }
.Ltmp21:
0x1fa: {  	v1 =	vmul.u32 $0x2800, v1;
	(pc) =	sbr.rel .LBB2_40-.Ltmp21, $4  }
0x1fb: {  	_ = 	snop  }
0x1fc: {  	[tilespmem:$0x6170] =	vst v3;
	v1 =	vadd.s32 v2, v1  }
0x1fd: {  	[tilespmem:$0x10F0] =	vst v1  }
0x1fe: {  	[spmem:s1] =	stream.indirect.scatter.add.f32 [tilespmem:s26], [sflag:$0x1], $0x1, s25, s19, $0xb8;
	[tilespmem:$0x1AC80] =	vst v63  }
.LBB2_42:
0x1ff: {  	s17 =	sadd.s32 $0x400, s17  }
0x200: {  	p1 =	sne.s32 s17, $0xA000  }
.Ltmp22:
0x201: {  	_ = 	snop;
	(pc) =	sbr.rel @!p1 .LBB2_43-.Ltmp22, $4  }
0x202: {  	_ = 	snop  }
0x203: {  	_ =	swait.ge [sflag:s30], $0x80  }
0x204: {  	[sflag:s30] =	ssyncset.done $0x0  }
0x205: {  	[sflag:s30] =	ssyncadd.s32 $0xFFFFFF80  }
.LBB2_40:
0x206: {  	s31 =	sshra.s32 s17, $0x2  }
0x207: {  	v1 =	vld [tilespmem:s31+$0x1180];
	_ =	sdelay $0x7  }
0x208: {  	v2 =	vld.idx.msk [tilespmem:v1+s23+$0x0], $0xffff  }
0x209: {  	v3 =	vld [tilespmem:s31+$0x3980]  }
0x20a: {  	v1 =	vld.idx.msk [tilespmem:v1+s24+$0x0], $0xffff;
	_ =	sdelay $0x2  }
0x20b: {  	v2 =	vmul.u32 $0x2800, v2;
	_ =	sdelay $0x1  }
0x20c: {  	[tilespmem:$0xB700] =	vst v1;
	v2 =	vadd.s32 v3, v2  }
0x20d: {  	[tilespmem:$0xB680] =	vst v2  }
0x20e: {  	v1 =	vld [tilespmem:s31+$0x1190];
	_ =	sdelay $0x7  }
0x20f: {  	v2 =	vld.idx.msk [tilespmem:v1+s23+$0x0], $0xffff  }
0x210: {  	v3 =	vld [tilespmem:s31+$0x3990]  }
0x211: {  	v1 =	vld.idx.msk [tilespmem:v1+s24+$0x0], $0xffff;
	_ =	sdelay $0x2  }
0x212: {  	v2 =	vmul.u32 $0x2800, v2;
	_ =	sdelay $0x1  }
0x213: {  	[tilespmem:$0xB710] =	vst v1;
	v2 =	vadd.s32 v3, v2  }
0x214: {  	[tilespmem:$0xB690] =	vst v2  }
0x215: {  	v1 =	vld [tilespmem:s31+$0x11A0];
	_ =	sdelay $0x7  }
0x216: {  	v2 =	vld.idx.msk [tilespmem:v1+s23+$0x0], $0xffff  }
0x217: {  	v3 =	vld [tilespmem:s31+$0x39A0]  }
0x218: {  	v1 =	vld.idx.msk [tilespmem:v1+s24+$0x0], $0xffff;
	_ =	sdelay $0x2  }
0x219: {  	v2 =	vmul.u32 $0x2800, v2;
	_ =	sdelay $0x1  }
0x21a: {  	[tilespmem:$0xB720] =	vst v1;
	v2 =	vadd.s32 v3, v2  }
0x21b: {  	[tilespmem:$0xB6A0] =	vst v2  }
0x21c: {  	v1 =	vld [tilespmem:s31+$0x11B0];
	_ =	sdelay $0x7  }
0x21d: {  	v2 =	vld.idx.msk [tilespmem:v1+s23+$0x0], $0xffff  }
0x21e: {  	v3 =	vld [tilespmem:s31+$0x39B0]  }
0x21f: {  	v1 =	vld.idx.msk [tilespmem:v1+s24+$0x0], $0xffff;
	_ =	sdelay $0x2  }
0x220: {  	v2 =	vmul.u32 $0x2800, v2;
	_ =	sdelay $0x1  }
0x221: {  	[tilespmem:$0xB730] =	vst v1;
	v2 =	vadd.s32 v3, v2  }
0x222: {  	[tilespmem:$0xB6B0] =	vst v2  }
0x223: {  	v1 =	vld [tilespmem:s31+$0x11C0];
	_ =	sdelay $0x7  }
0x224: {  	v2 =	vld.idx.msk [tilespmem:v1+s23+$0x0], $0xffff  }
0x225: {  	v3 =	vld [tilespmem:s31+$0x39C0]  }
0x226: {  	v1 =	vld.idx.msk [tilespmem:v1+s24+$0x0], $0xffff;
	_ =	sdelay $0x2  }
0x227: {  	v2 =	vmul.u32 $0x2800, v2;
	_ =	sdelay $0x1  }
0x228: {  	[tilespmem:$0xB740] =	vst v1;
	v2 =	vadd.s32 v3, v2  }
0x229: {  	[tilespmem:$0xB6C0] =	vst v2  }
0x22a: {  	v1 =	vld [tilespmem:s31+$0x11D0];
	_ =	sdelay $0x7  }
0x22b: {  	v2 =	vld.idx.msk [tilespmem:v1+s23+$0x0], $0xffff  }
0x22c: {  	v3 =	vld [tilespmem:s31+$0x39D0]  }
0x22d: {  	v1 =	vld.idx.msk [tilespmem:v1+s24+$0x0], $0xffff;
	_ =	sdelay $0x2  }
0x22e: {  	v2 =	vmul.u32 $0x2800, v2;
	_ =	sdelay $0x1  }
0x22f: {  	[tilespmem:$0xB750] =	vst v1;
	v2 =	vadd.s32 v3, v2  }
0x230: {  	[tilespmem:$0xB6D0] =	vst v2  }
0x231: {  	v1 =	vld [tilespmem:s31+$0x11E0];
	_ =	sdelay $0x7  }
0x232: {  	v2 =	vld.idx.msk [tilespmem:v1+s23+$0x0], $0xffff  }
0x233: {  	v3 =	vld [tilespmem:s31+$0x39E0]  }
0x234: {  	v1 =	vld.idx.msk [tilespmem:v1+s24+$0x0], $0xffff;
	_ =	sdelay $0x2  }
0x235: {  	v2 =	vmul.u32 $0x2800, v2;
	_ =	sdelay $0x1  }
0x236: {  	[tilespmem:$0xB760] =	vst v1;
	v2 =	vadd.s32 v3, v2  }
0x237: {  	[tilespmem:$0xB6E0] =	vst v2  }
0x238: {  	v1 =	vld [tilespmem:s31+$0x11F0];
	_ =	sdelay $0x7  }
0x239: {  	v2 =	vld.idx.msk [tilespmem:v1+s23+$0x0], $0xffff  }
0x23a: {  	v3 =	vld [tilespmem:s31+$0x39F0]  }
0x23b: {  	v1 =	vld.idx.msk [tilespmem:v1+s24+$0x0], $0xffff;
	_ =	sdelay $0x2  }
0x23c: {  	v2 =	vmul.u32 $0x2800, v2;
	_ =	sdelay $0x1  }
0x23d: {  	p1 =	seq.s32 s17, $0x9C00;
	[tilespmem:$0xB770] =	vst v1;
	v2 =	vadd.s32 v3, v2  }
.Ltmp23:
0x23e: {  	[tilespmem:$0xB6F0] =	vst v2;
	(pc) =	sbr.rel @p1 .LBB2_42-.Ltmp23, $4  }
0x23f: {  	[spmem:s1] =	stream.indirect.scatter.add.f32 [tilespmem:s29], [sflag:$0x2], $0x1, s28, s19, $0xb8;
	[tilespmem:$0x1AC80] =	vst v63  }
0x240: {  	_ =	swait.ge [sflag:s16], $0x80  }
0x241: {  	[sflag:s16] =	ssyncset.done $0x0  }
0x242: {  	[sflag:s16] =	ssyncadd.s32 $0xFFFFFF80  }
0x243: {  	v1 =	vld [tilespmem:s31+$0x1200];
	_ =	sdelay $0x7  }
0x244: {  	v2 =	vld.idx.msk [tilespmem:v1+s23+$0x0], $0xffff  }
0x245: {  	v3 =	vld [tilespmem:s31+$0x3A00]  }
0x246: {  	v1 =	vld.idx.msk [tilespmem:v1+s24+$0x0], $0xffff;
	_ =	sdelay $0x2  }
0x247: {  	v2 =	vmul.u32 $0x2800, v2;
	_ =	sdelay $0x1  }
0x248: {  	[tilespmem:$0x6100] =	vst v1;
	v2 =	vadd.s32 v3, v2  }
0x249: {  	[tilespmem:$0x1080] =	vst v2  }
0x24a: {  	v1 =	vld [tilespmem:s31+$0x1210];
	_ =	sdelay $0x7  }
0x24b: {  	v2 =	vld.idx.msk [tilespmem:v1+s23+$0x0], $0xffff  }
0x24c: {  	v3 =	vld [tilespmem:s31+$0x3A10]  }
0x24d: {  	v1 =	vld.idx.msk [tilespmem:v1+s24+$0x0], $0xffff;
	_ =	sdelay $0x2  }
0x24e: {  	v2 =	vmul.u32 $0x2800, v2;
	_ =	sdelay $0x1  }
0x24f: {  	[tilespmem:$0x6110] =	vst v1;
	v2 =	vadd.s32 v3, v2  }
0x250: {  	[tilespmem:$0x1090] =	vst v2  }
0x251: {  	v1 =	vld [tilespmem:s31+$0x1220];
	_ =	sdelay $0x7  }
0x252: {  	v2 =	vld.idx.msk [tilespmem:v1+s23+$0x0], $0xffff  }
0x253: {  	v3 =	vld [tilespmem:s31+$0x3A20]  }
0x254: {  	v1 =	vld.idx.msk [tilespmem:v1+s24+$0x0], $0xffff;
	_ =	sdelay $0x2  }
0x255: {  	v2 =	vmul.u32 $0x2800, v2;
	_ =	sdelay $0x1  }
0x256: {  	[tilespmem:$0x6120] =	vst v1;
	v2 =	vadd.s32 v3, v2  }
0x257: {  	[tilespmem:$0x10A0] =	vst v2  }
0x258: {  	v1 =	vld [tilespmem:s31+$0x1230];
	_ =	sdelay $0x7  }
0x259: {  	v2 =	vld.idx.msk [tilespmem:v1+s23+$0x0], $0xffff  }
0x25a: {  	v3 =	vld [tilespmem:s31+$0x3A30]  }
0x25b: {  	v1 =	vld.idx.msk [tilespmem:v1+s24+$0x0], $0xffff;
	_ =	sdelay $0x2  }
0x25c: {  	v2 =	vmul.u32 $0x2800, v2;
	_ =	sdelay $0x1  }
0x25d: {  	[tilespmem:$0x6130] =	vst v1;
	v2 =	vadd.s32 v3, v2  }
0x25e: {  	[tilespmem:$0x10B0] =	vst v2  }
0x25f: {  	v1 =	vld [tilespmem:s31+$0x1240];
	_ =	sdelay $0x7  }
0x260: {  	v2 =	vld.idx.msk [tilespmem:v1+s23+$0x0], $0xffff  }
0x261: {  	v3 =	vld [tilespmem:s31+$0x3A40]  }
0x262: {  	v1 =	vld.idx.msk [tilespmem:v1+s24+$0x0], $0xffff;
	_ =	sdelay $0x2  }
0x263: {  	v2 =	vmul.u32 $0x2800, v2;
	_ =	sdelay $0x1  }
0x264: {  	[tilespmem:$0x6140] =	vst v1;
	v2 =	vadd.s32 v3, v2  }
0x265: {  	[tilespmem:$0x10C0] =	vst v2  }
0x266: {  	v1 =	vld [tilespmem:s31+$0x1250];
	_ =	sdelay $0x7  }
0x267: {  	v2 =	vld.idx.msk [tilespmem:v1+s23+$0x0], $0xffff  }
0x268: {  	v3 =	vld [tilespmem:s31+$0x3A50]  }
0x269: {  	v1 =	vld.idx.msk [tilespmem:v1+s24+$0x0], $0xffff;
	_ =	sdelay $0x2  }
0x26a: {  	v2 =	vmul.u32 $0x2800, v2;
	_ =	sdelay $0x1  }
0x26b: {  	[tilespmem:$0x6150] =	vst v1;
	v2 =	vadd.s32 v3, v2  }
0x26c: {  	[tilespmem:$0x10D0] =	vst v2  }
0x26d: {  	v1 =	vld [tilespmem:s31+$0x1260];
	_ =	sdelay $0x7  }
0x26e: {  	v2 =	vld.idx.msk [tilespmem:v1+s23+$0x0], $0xffff  }
0x26f: {  	v3 =	vld [tilespmem:s31+$0x3A60]  }
0x270: {  	v1 =	vld.idx.msk [tilespmem:v1+s24+$0x0], $0xffff;
	_ =	sdelay $0x2  }
0x271: {  	v2 =	vmul.u32 $0x2800, v2;
	_ =	sdelay $0x1  }
0x272: {  	[tilespmem:$0x6160] =	vst v1;
	v2 =	vadd.s32 v3, v2  }
0x273: {  	[tilespmem:$0x10E0] =	vst v2  }
0x274: {  	v1 =	vld [tilespmem:s31+$0x1270];
	_ =	sdelay $0x7  }
0x275: {  	v2 =	vld.idx.msk [tilespmem:v1+s23+$0x0], $0xffff  }
0x276: {  	v3 =	vld [tilespmem:s31+$0x3A70]  }
0x277: {  	v1 =	vld.idx.msk [tilespmem:v1+s24+$0x0], $0xffff;
	_ =	sdelay $0x2  }
.Ltmp24:
0x278: {  	v2 =	vmul.u32 $0x2800, v2;
	(pc) =	sbr.rel .LBB2_42-.Ltmp24, $4  }
0x279: {  	_ = 	snop  }
0x27a: {  	[tilespmem:$0x6170] =	vst v1;
	v2 =	vadd.s32 v3, v2  }
0x27b: {  	[tilespmem:$0x10F0] =	vst v2  }
0x27c: {  	[spmem:s1] =	stream.indirect.scatter.add.f32 [tilespmem:s26], [sflag:$0x1], $0x1, s25, s19, $0xb8;
	[tilespmem:$0x1AC80] =	vst v63  }
.LBB2_44:
0x27d: {  	_ =	sfence.sel $0x180000  }
0x27e: {  	[bflag:$0x0] =	sbarrier.arrive $0xFFFF  }
0x27f: {  	_ =	strace $0x90000047  }
0x280: {  	s0 =	stileid.u32;
	[bflag:$0x2] =	sbarrier.arrive $0xFFFF  }
0x281: {  	p0 =	sne.s32 s0, $0x0;
	s0 =	rddreg [dreg:$0x4]  }
0x282: {  	s0 =	sadd.s32 @!p0 $0x100000, s0  }
0x283: {  	[sflag:s0] =	ssyncadd.tile.s32 @!p0 $0x1;
	_ =	shalt  }
.Lfunc_end2:
_tile_overlayer_lowered:
.L_overlay_start_2:
0x284: {  	(tag) =	ssettag $0x2  }
0x285: {  	s0 =	rddreg [dreg:$0x0];
	s2 =	stileid.u32  }
0x286: {  	s1 =	rddreg [dreg:$0x1];
	p0 =	sne.s32 s2, $0x0  }
0x287: {  	s3 =	rddreg [dreg:$0x2];
	[bflag:$0x3] =	sbarrier.arrive $0xFFFF;
	s2 =	simm.s32 @!p0 $0x1C03  }
0x288: {  	[timem:s3], [sflag:s2] =	dma.local @!p0 [hbm:s0], s1  }
0x289: {  	s0 =	simm.s32 @!p0 $0x3  }
0x28a: {  	_ =	swait.ge @!p0 [sflag:s0], s1  }
0x28b: {  	s1 =	ssub.s32 @!p0 $0x0, s1;
	[sflag:s0] =	ssyncset.done @!p0 $0x0  }
0x28c: {  	[sflag:s0] =	ssyncadd.s32 @!p0 s1  }
0x28d: {  	[bflag:$0x3] =	sbarrier.arrive $0xFFFF  }
0x28e: {  	_ =	shalt  }

</sc_bundles>
